<compile_context>
chip_gen: v7x
topology: tpu7x:2x2x1
jax: 0.10.2.dev20260603
libtpu: 0.0.44.dev20260713+nightly
codegen_flags: <defaults>
</compile_context>

<pallas_src>
import functools

import jax
import jax.numpy as jnp
from jax import lax
from jax.experimental import pallas as pl
from jax.experimental.pallas import tpu as pltpu
from jax.experimental.pallas import tpu_sc as plsc

N2, N1 = 10000, 1000
E2, E1 = 320000, 16000
NC, NS, L = 2, 16, 16
NW = NC * NS
EPW0 = E2 // NW
EPW1 = E1 // NW
EPW1P = 512
N1P = 1024
CW = 80
CH = 125
N2P = 10112
RPT = N2P // NS

_MESH = plsc.VectorSubcoreMesh(core_axis_name="c", subcore_axis_name="s")
_SC_PARAMS = pltpu.CompilerParams(needs_layout_passes=False)


def _f32(*shape):
    return jax.ShapeDtypeStruct(shape, jnp.float32)


@functools.partial(
    pl.kernel,
    out_type=(_f32(NW, N2), _f32(NW, N1P)),
    mesh=_MESH,
    compiler_params=_SC_PARAMS,
    scratch_types=[
        pltpu.VMEM((EPW0,), jnp.int32),
        pltpu.VMEM((N2,), jnp.float32),
        pltpu.VMEM((EPW1P,), jnp.int32),
        pltpu.VMEM((1024,), jnp.float32),
    ],
)
def _sc_degrees(dst0_hbm, dst1_hbm, deg0p, deg1p, idx0_v, deg0_v, idx1_v, deg1_v):
    cid = lax.axis_index("c")
    sid = lax.axis_index("s")
    wid = cid * NS + sid
    ones = jnp.ones((L,), jnp.float32)
    zeros = jnp.zeros((L,), jnp.float32)

    pltpu.sync_copy(dst0_hbm.at[wid], idx0_v)

    def zero0(i, _):
        deg0_v[pl.ds(i * L, L)] = zeros
        return 0

    lax.fori_loop(0, N2 // L, zero0, 0)

    def acc0(i, _):
        idx = idx0_v[pl.ds(i * L, L)]
        plsc.addupdate_scatter(deg0_v, [idx], ones)
        return 0

    lax.fori_loop(0, EPW0 // L, acc0, 0)
    pltpu.sync_copy(deg0_v, deg0p.at[wid])

    def zero1(i, _):
        deg1_v[pl.ds(i * L, L)] = zeros
        return 0

    lax.fori_loop(0, 1024 // L, zero1, 0)
    pltpu.sync_copy(dst1_hbm.at[wid], idx1_v)

    def acc1(i, _):
        idx = idx1_v[pl.ds(i * L, L)]
        plsc.addupdate_scatter(deg1_v, [idx], ones)
        return 0

    lax.fori_loop(0, EPW1P // L, acc1, 0)
    pltpu.sync_copy(deg1_v, deg1p.at[wid])


@functools.partial(
    pl.kernel,
    out_type=_f32(NW, N1P),
    mesh=_MESH,
    compiler_params=_SC_PARAMS,
    scratch_types=[
        pltpu.VMEM((N1P,), jnp.float32),
        pltpu.VMEM((N1P,), jnp.float32),
        pltpu.VMEM((EPW1P,), jnp.int32),
        pltpu.VMEM((EPW1P,), jnp.int32),
        pltpu.VMEM((N1P,), jnp.float32),
    ],
)
def _sc_a1_agg(s1_hbm, dis1_hbm, src1_hbm, dst1_hbm, t1p,
               s1_v, dis1_v, src_v, dst_v, t1_v):
    cid = lax.axis_index("c")
    sid = lax.axis_index("s")
    wid = cid * NS + sid

    pltpu.sync_copy(s1_hbm, s1_v)
    pltpu.sync_copy(dis1_hbm, dis1_v)

    def zero(i, _):
        t1_v[pl.ds(i * L, L)] = jnp.zeros((L,), jnp.float32)
        return 0

    lax.fori_loop(0, 1024 // L, zero, 0)

    pltpu.sync_copy(src1_hbm.at[wid], src_v)
    pltpu.sync_copy(dst1_hbm.at[wid], dst_v)

    def acc(i, _):
        sidx = src_v[pl.ds(i * L, L)]
        didx = dst_v[pl.ds(i * L, L)]
        vals = plsc.load_gather(s1_v, [sidx]) * plsc.load_gather(dis1_v, [sidx])
        plsc.addupdate_scatter(t1_v, [didx], vals)
        return 0

    lax.fori_loop(0, EPW1P // L, acc, 0)
    pltpu.sync_copy(t1_v, t1p.at[wid])


def _agg_pass(q_hbm, src_v, dst_v, rows_v, acc_sh, sems, nch):
    def step(j, _):
        pltpu.async_copy(q_hbm.at[src_v.at[j]], rows_v, sems).wait()
        pltpu.sync_copy(rows_v, acc_sh.at[dst_v.at[j]], add=True)
        return 0

    lax.fori_loop(0, nch, step, 0)


_AGG_SCRATCH = [
    pltpu.VMEM((CH, CW), jnp.int32),
    pltpu.VMEM((CH, CW), jnp.int32),
    pltpu.VMEM((CW, 128), jnp.float32),
    pltpu.VMEM_SHARED((N2P, 128), jnp.float32),
    pltpu.SemaphoreType.DMA,
]


@functools.partial(
    pl.kernel,
    out_type=_f32(NC, N2P, 128),
    mesh=_MESH,
    compiler_params=_SC_PARAMS,
    scratch_types=_AGG_SCRATCH,
)
def _sc_agg128(q_hbm, src_hbm, dst_hbm, zeros_hbm, outp,
               src_v, dst_v, rows_v, acc_sh, sems):
    cid = lax.axis_index("c")
    sid = lax.axis_index("s")
    wid = cid * NS + sid
    base = sid * RPT

    pltpu.sync_copy(src_hbm.at[wid], src_v)
    pltpu.sync_copy(dst_hbm.at[wid], dst_v)
    pltpu.sync_copy(zeros_hbm, acc_sh.at[pl.ds(base, RPT)])
    plsc.subcore_barrier()
    _agg_pass(q_hbm, src_v, dst_v, rows_v, acc_sh, sems, CH)
    plsc.subcore_barrier()
    pltpu.sync_copy(acc_sh.at[pl.ds(base, RPT)],
                    outp.at[cid].at[pl.ds(base, RPT)])


_CB = 8000


@functools.partial(
    pl.kernel,
    out_type=_f32(NC, 16, N2),
    mesh=_MESH,
    compiler_params=_SC_PARAMS,
    scratch_types=[
        pltpu.VMEM((N2,), jnp.float32),
        pltpu.VMEM((N2,), jnp.float32),
        pltpu.VMEM((_CB,), jnp.int32),
        pltpu.VMEM((_CB,), jnp.int32),
    ],
)
def _sc_agg16(qxt_hbm, src_hbm, dst_hbm, outp, qrow_v, acc_v, src_v, dst_v):
    cid = lax.axis_index("c")
    sid = lax.axis_index("s")
    eh = E2 // NC

    pltpu.sync_copy(qxt_hbm.at[sid], qrow_v)

    def zero(i, _):
        acc_v[pl.ds(i * L, L)] = jnp.zeros((L,), jnp.float32)
        return 0

    lax.fori_loop(0, N2 // L, zero, 0)

    def chunk(c, _):
        pltpu.sync_copy(src_hbm.at[cid].at[c], src_v)
        pltpu.sync_copy(dst_hbm.at[cid].at[c], dst_v)

        def grp(i, _):
            s = src_v[pl.ds(i * L, L)]
            d = dst_v[pl.ds(i * L, L)]
            plsc.addupdate_scatter(acc_v, [d], plsc.load_gather(qrow_v, [s]))
            return 0

        lax.fori_loop(0, _CB // L, grp, 0)
        return 0

    lax.fori_loop(0, eh // _CB, chunk, 0)
    pltpu.sync_copy(acc_v, outp.at[cid].at[sid])


def _tc_a_body(deg0p, deg1p, z, wd, bd, delta, u1, wg0,
               dis0_o, dis1_o, s1_o, w1_o, vl_o):
    deg0 = jnp.sum(deg0p[...], axis=0, keepdims=True) + 1.0
    dis0_o[...] = lax.rsqrt(deg0)
    deg1 = jnp.sum(deg1p[...], axis=0, keepdims=True) + 1.0
    dis1_o[...] = lax.rsqrt(deg1)
    s1_o[...] = jnp.sum(u1[...], axis=1, keepdims=True)
    x = jnp.dot(z[...], wd[...], preferred_element_type=jnp.float32) \
        + bd[...] + delta[...]
    w1_o[...] = jnp.dot(x[:, :128], wg0[...], preferred_element_type=jnp.float32)
    vl_o[...] = x[:, 128:]


def _tc_bg_body(t1pt, dis1c, s1c, w1, bg0, wg1, u0, dis0c, q128_o):
    q1c = dis1c[...] * s1c[...]
    t1c = jnp.sum(t1pt[...], axis=1, keepdims=True)
    a1 = dis1c[...] * (t1c + q1c)
    pre = a1 * w1[...] + bg0[...]
    xg1 = jnp.where(pre >= 0, pre, 0.01 * pre)
    g = jnp.dot(xg1, wg1[...], preferred_element_type=jnp.float32)
    h2 = jnp.dot(u0[...], g, preferred_element_type=jnp.float32)
    q128_o[...] = h2 * dis0c[...]


def _tc_wl_body(vl, wl, bl, out_o):
    out_o[...] = jnp.dot(vl[...], wl[...], preferred_element_type=jnp.float32) \
        + bl[...]


def _tc_bl_body(xl0, dis0c, wp0, bp0, qx_o, y1p_o):
    qx_o[...] = xl0[...] * dis0c[...]
    y1p_o[...] = jnp.dot(xl0[...], wp0[...], preferred_element_type=jnp.float32) \
        + bp0[...]


def _tc_c_body(tpb, qx, dis0c, y1p, wc0, bc0, wc1, y1_o, q2_o):
    d = dis0c[...]
    z = tpb[0] + tpb[1] + qx[...]
    a = jnp.dot(z, wc0[...], preferred_element_type=jnp.float32)
    c0 = d * a + bc0[...]
    y1 = jnp.where(c0 >= 0, c0, 0.01 * c0) + y1p[...]
    y1_o[...] = y1
    q2_o[...] = jnp.dot(y1, wc1[...], preferred_element_type=jnp.float32) * d


def _tc_d_body(t2p, q2, dis0c, y1, tpa, q128, bg1, bc1, wp1, bp1, wa0g,
               wa0l, ba0, wa1, ba1, out_o):
    d = dis0c[...]
    t2 = t2p[0] + t2p[1]
    xl = d * (t2 + q2[...]) + bc1[...] \
        + jnp.dot(y1[...], wp1[...], preferred_element_type=jnp.float32) \
        + bp1[...]
    ta = tpa[0] + tpa[1]
    xgv = d * (ta + q128[...]) + bg1[...]
    h = jnp.dot(xgv, wa0g[...], preferred_element_type=jnp.float32) \
        + jnp.dot(xl, wa0l[...], preferred_element_type=jnp.float32) + ba0[...]
    h = jnp.maximum(h, 0.0)
    la = jnp.dot(h, wa1[...], preferred_element_type=jnp.float32) + ba1[...]
    d = la[:, 0:1] - la[:, 1:2]
    w0 = 1.0 / (1.0 + jnp.exp(-d))
    out_o[...] = w0 * xgv + (1.0 - w0) * xl


_RB = 1000
_NRB = N2 // _RB


def _row_spec(w):
    return pl.BlockSpec((_RB, w), lambda i: (i, 0))


def _full_spec(shape):
    return pl.BlockSpec(shape, lambda i: tuple(0 for _ in shape))


def kernel(z, Wd, bd, Wl, bl, Wg0, bg0, Wg1, bg1, Wc0, bc0, Wc1, bc1,
           Wp0, bp0, Wp1, bp1, Wa0, ba0, Wa1, ba1, U0, U1, A0, A1, batch_size):
    f32 = jnp.float32
    delta = (jnp.asarray(batch_size) - z.shape[0]).astype(f32).reshape(1, 1)

    dst0w = A0[1].reshape(NW, EPW0)
    pad = ((0, 0), (0, EPW1P - EPW1))
    src1w = jnp.pad(A1[0].reshape(NW, EPW1), pad)
    dst1w = jnp.pad(A1[1].reshape(NW, EPW1), pad,
                    constant_values=N1)
    src0t = A0[0].reshape(NW, CH, CW)
    dst0t = A0[1].reshape(NW, CH, CW)

    deg0p, deg1p = _sc_degrees(dst0w, dst1w)

    dis0, dis1, s1c, w1, vl = pl.pallas_call(
        _tc_a_body,
        out_shape=[_f32(1, N2), _f32(1, N1P), _f32(N1, 1), _f32(1, 128),
                   _f32(1, 128)],
    )(deg0p, deg1p, z, Wd, bd.reshape(1, -1), delta, U1, Wg0)

    s1p = jnp.pad(s1c.reshape(N1), (0, N1P - N1))
    t1p = _sc_a1_agg(s1p, dis1.reshape(N1P), src1w, dst1w)

    dis0c = dis0.reshape(N2, 1)

    q128 = pl.pallas_call(
        _tc_bg_body,
        grid=(_NRB,),
        in_specs=[_full_spec((N1, NW)), _full_spec((N1, 1)),
                  _full_spec((N1, 1)), _full_spec((1, 128)),
                  _full_spec((1, 128)), _full_spec((128, 128)),
                  pl.BlockSpec((_RB, N1), lambda i: (i, 0)), _row_spec(1)],
        out_specs=_row_spec(128),
        out_shape=_f32(N2, 128),
    )(t1p[:, :N1].T, dis1[:, :N1].reshape(N1, 1), s1c, w1,
      bg0.reshape(1, -1), Wg1, U0, dis0c)

    xl0 = pl.pallas_call(
        _tc_wl_body,
        grid=(10,),
        in_specs=[_full_spec((1, 128)),
                  pl.BlockSpec((128, 16000), lambda i: (0, i)),
                  pl.BlockSpec((1, 16000), lambda i: (0, i))],
        out_specs=pl.BlockSpec((1, 16000), lambda i: (0, i)),
        out_shape=_f32(1, 16 * N2),
    )(vl, Wl, bl.reshape(1, -1)).reshape(N2, 16)

    qx16, y1p = pl.pallas_call(
        _tc_bl_body,
        grid=(_NRB,),
        in_specs=[_row_spec(16), _row_spec(1),
                  _full_spec((16, 64)), _full_spec((1, 64))],
        out_specs=[_row_spec(16), _row_spec(64)],
        out_shape=[_f32(N2, 16), _f32(N2, 64)],
    )(xl0, dis0c, Wp0, bp0.reshape(1, -1))

    zeros128 = jnp.zeros((RPT, 128), f32)
    tpa = _sc_agg128(q128, src0t, dst0t, zeros128)
    src0e = A0[0].reshape(NC, E2 // NC // _CB, _CB)
    dst0e = A0[1].reshape(NC, E2 // NC // _CB, _CB)
    tpb = _sc_agg16(qx16.T, src0e, dst0e)

    y1, q2 = pl.pallas_call(
        _tc_c_body,
        grid=(_NRB,),
        in_specs=[pl.BlockSpec((NC, _RB, 16), lambda i: (0, i, 0)),
                  _row_spec(16), _row_spec(1), _row_spec(64),
                  _full_spec((16, 64)), _full_spec((1, 64)),
                  _full_spec((64, 128))],
        out_specs=[_row_spec(64), _row_spec(128)],
        out_shape=[_f32(N2, 64), _f32(N2, 128)],
    )(jnp.transpose(tpb, (0, 2, 1)), qx16, dis0c, y1p, Wc0,
      bc0.reshape(1, -1), Wc1)

    t2p = _sc_agg128(q2, src0t, dst0t, zeros128)

    out = pl.pallas_call(
        _tc_d_body,
        grid=(_NRB,),
        in_specs=[pl.BlockSpec((NC, _RB, 128), lambda i: (0, i, 0)),
                  _row_spec(128), _row_spec(1), _row_spec(64),
                  pl.BlockSpec((NC, _RB, 128), lambda i: (0, i, 0)),
                  _row_spec(128), _full_spec((1, 128)),
                  _full_spec((1, 128)), _full_spec((64, 128)),
                  _full_spec((1, 128)), _full_spec((128, 64)),
                  _full_spec((128, 64)), _full_spec((1, 64)),
                  _full_spec((64, 2)), _full_spec((1, 2))],
        out_specs=_row_spec(128),
        out_shape=_f32(N2, 128),
    )(t2p, q2, dis0c, y1, tpa, q128, bg1.reshape(1, -1),
      bc1.reshape(1, -1), Wp1, bp1.reshape(1, -1),
      Wa0[:128], Wa0[128:], ba0.reshape(1, -1), Wa1, ba1.reshape(1, -1))

    return out

# --- scband reference (transcript-rebuilt; emitter-appended) ---
"""Pipeline reference for scband-fmgen-decoder-34574486732840 (READ-ONLY COPY).

The authoritative reference and input builder live on the scoring server;
editing this copy changes nothing except your own understanding.
"""

import jax
import jax.numpy as jnp
import numpy as np

N2, N1, N0 = 10000, 1000, 250
E2, E1 = 320000, 16000
ZL = 128


def gcn_conv(x, edge_index, W, b):
    # Faithful PyG GCNConv: add self-loops, symmetric normalization, scatter-add aggregation.
    N = x.shape[0]
    loop = jnp.arange(N, dtype=edge_index.dtype)
    src = jnp.concatenate([edge_index[0], loop])
    dst = jnp.concatenate([edge_index[1], loop])
    ones = jnp.ones(src.shape[0], dtype=x.dtype)
    deg = jnp.zeros(N, dtype=x.dtype).at[dst].add(ones)
    dis = jnp.where(deg > 0, 1.0 / jnp.sqrt(deg), 0.0)
    norm = dis[src] * dis[dst]
    h = x @ W
    msg = h[src] * norm[:, None]
    out = jnp.zeros((N, W.shape[1]), dtype=x.dtype).at[dst].add(msg)
    return out + b


def setup_inputs(seed: int = 0):
    key = jax.random.key(seed)
    ks = jax.random.split(key, 24)
    d = {}
    d["z"] = jax.random.normal(ks[0], (1, ZL), dtype=jnp.float32)
    d["Wd"] = jax.random.normal(ks[1], (ZL, ZL + 128), dtype=jnp.float32) * 0.1
    d["bd"] = jnp.zeros((ZL + 128,), jnp.float32)
    d["Wl"] = jax.random.normal(ks[2], (ZL, 16 * N2), dtype=jnp.float32) * 0.1
    d["bl"] = jnp.zeros((16 * N2,), jnp.float32)
    d["Wg0"] = jax.random.normal(ks[3], (128, 128), dtype=jnp.float32) * 0.05
    d["bg0"] = jnp.zeros((128,), jnp.float32)
    d["Wg1"] = jax.random.normal(ks[4], (128, 128), dtype=jnp.float32) * 0.05
    d["bg1"] = jnp.zeros((128,), jnp.float32)
    d["Wc0"] = jax.random.normal(ks[5], (16, 64), dtype=jnp.float32) * 0.05
    d["bc0"] = jnp.zeros((64,), jnp.float32)
    d["Wc1"] = jax.random.normal(ks[6], (64, 128), dtype=jnp.float32) * 0.05
    d["bc1"] = jnp.zeros((128,), jnp.float32)
    d["Wp0"] = jax.random.normal(ks[7], (16, 64), dtype=jnp.float32) * 0.05
    d["bp0"] = jnp.zeros((64,), jnp.float32)
    d["Wp1"] = jax.random.normal(ks[8], (64, 128), dtype=jnp.float32) * 0.05
    d["bp1"] = jnp.zeros((128,), jnp.float32)
    d["Wa0"] = jax.random.normal(ks[9], (256, 64), dtype=jnp.float32) * 0.1
    d["ba0"] = jnp.zeros((64,), jnp.float32)
    d["Wa1"] = jax.random.normal(ks[10], (64, 2), dtype=jnp.float32) * 0.1
    d["ba1"] = jnp.zeros((2,), jnp.float32)
    d["U0"] = jax.random.normal(ks[11], (N2, N1), dtype=jnp.float32) * 0.05
    d["U1"] = jax.random.normal(ks[12], (N1, N0), dtype=jnp.float32) * 0.05
    d["A0"] = jax.random.randint(ks[13], (2, E2), 0, N2, dtype=jnp.int32)
    d["A1"] = jax.random.randint(ks[14], (2, E1), 0, N1, dtype=jnp.int32)
    d["batch_size"] = 1
    return d


def reference(z, Wd, bd, Wl, bl, Wg0, bg0, Wg1, bg1, Wc0, bc0, Wc1, bc1,
              Wp0, bp0, Wp1, bp1, Wa0, ba0, Wa1, ba1, U0, U1, A0, A1, batch_size):
    # full path, conv_type='gcn', n_layers=2
    B = z.shape[0]
    x = z @ Wd + bd                      # decoder_lin: [B, z_length + nfg[-1]]
    x = x + (jnp.asarray(batch_size) - B).astype(x.dtype)
    xg = x[:, :128]                      # global latent
    xl = x[:, 128:]                      # local latent (z_length dims)
    # ---- global path ----
    xg = jnp.repeat(xg[:, None, :], U1.shape[1], axis=1)   # [B, 250, 128]
    # layer 0: upsample with U[-1]=U1, conv on A[-2]=A1
    xg = xg.reshape(B, -1, 128)
    xg = jnp.einsum('nk,bkd->bnd', U1, xg)                 # [B, 1000, 128]
    xg = xg.reshape(-1, 128)
    xg = gcn_conv(xg, A1, Wg0, bg0)
    xg = jax.nn.leaky_relu(xg, 0.01)
    # layer 1: upsample with U[-2]=U0, conv on A[-3]=A0
    xg = xg.reshape(B, -1, 128)
    xg = jnp.einsum('nk,bkd->bnd', U0, xg)                 # [B, 10000, 128]
    xg = xg.reshape(-1, 128)
    xg = gcn_conv(xg, A0, Wg1, bg1)
    xg = xg.reshape(-1, 128)
    # ---- local path ----
    xl = xl @ Wl + bl                    # decoder_local_lin -> [B, 16*10000]
    xl = xl.reshape(-1, 16)
    idt = xl
    xl = gcn_conv(xl, A0, Wc0, bc0)      # 16 -> 64
    xl = jax.nn.leaky_relu(xl, 0.01)
    xl = xl + (idt @ Wp0 + bp0)
    idt = xl
    xl = gcn_conv(xl, A0, Wc1, bc1)      # 64 -> 128 (no relu on last layer)
    xl = xl + (idt @ Wp1 + bp1)
    # ---- attention fusion ----
    cat = jnp.concatenate([xg, xl], axis=-1)               # [10000, 256]
    h = jax.nn.relu(cat @ Wa0 + ba0)
    w = jax.nn.softmax(h @ Wa1 + ba1, axis=-1)             # [10000, 2]
    out = w[:, 0:1] * xg + w[:, 1:2] * xl                  # [10000, 128]
    return out

if __name__ == "__main__":
    import jax
    _d = setup_inputs()
    print(jax.jit(kernel)(*tuple(_d.values())))

</pallas_src>

<mosaic_0001>
#map = affine_map<(d0, d1) -> (0)>
#map1 = affine_map<(d0, d1) -> (0, 0)>
module attributes {stable_mosaic.version = 14 : i64} {
  func.func @_sc_a1_agg(%arg0: i32, %arg1: i32, %arg2: memref<1024xf32, #tpu.memory_space<hbm>>, %arg3: memref<1024xf32, #tpu.memory_space<hbm>>, %arg4: memref<32x512xi32, #tpu.memory_space<hbm>>, %arg5: memref<32x512xi32, #tpu.memory_space<hbm>>, %arg6: memref<32x1024xf32, #tpu.memory_space<hbm>>, %arg7: memref<1024xf32, #tpu.memory_space<vmem>>, %arg8: memref<1024xf32, #tpu.memory_space<vmem>>, %arg9: memref<512xi32, #tpu.memory_space<vmem>>, %arg10: memref<512xi32, #tpu.memory_space<vmem>>, %arg11: memref<1024xf32, #tpu.memory_space<vmem>>) attributes {dimension_semantics = [#tpu.dimension_semantics<core_parallel>, #tpu.dimension_semantics<subcore_parallel>], iteration_bounds = array<i64: 2, 16>, scalar_prefetch = 0 : i64, scratch_operands = 5 : i64, tpu.core_type = #tpu.core_type<sc_vector_subcore>, window_params = [{transform_indices = #map}, {transform_indices = #map}, {transform_indices = #map1}, {transform_indices = #map1}, {transform_indices = #map1}]} {
    %mul3A = arith.constant 16 : i32
    %mul3A_0 = arith.muli %arg0, %mul3A : i32
    %add3A = arith.addi %mul3A_0, %arg1 : i32
    "tpu.region"() ({
      %run_scoped3A = tpu.sem_alloc : memref<!tpu.dma_semaphore, #tpu.memory_space<semaphore_mem>>
      tpu.enqueue_dma source(%arg2 : memref<1024xf32, #tpu.memory_space<hbm>>) target(%arg7 : memref<1024xf32, #tpu.memory_space<vmem>>) target_semaphore(%run_scoped3A : memref<!tpu.dma_semaphore, #tpu.memory_space<semaphore_mem>>)
      tpu.wait_dma2 semaphore(%run_scoped3A : memref<!tpu.dma_semaphore, #tpu.memory_space<semaphore_mem>>) src(%arg2 : memref<1024xf32, #tpu.memory_space<hbm>>) dst(%arg7 : memref<1024xf32, #tpu.memory_space<vmem>>)
      tpu.yield
    }) : () -> ()
    "tpu.region"() ({
      %run_scoped3A = tpu.sem_alloc : memref<!tpu.dma_semaphore, #tpu.memory_space<semaphore_mem>>
      tpu.enqueue_dma source(%arg3 : memref<1024xf32, #tpu.memory_space<hbm>>) target(%arg8 : memref<1024xf32, #tpu.memory_space<vmem>>) target_semaphore(%run_scoped3A : memref<!tpu.dma_semaphore, #tpu.memory_space<semaphore_mem>>)
      tpu.wait_dma2 semaphore(%run_scoped3A : memref<!tpu.dma_semaphore, #tpu.memory_space<semaphore_mem>>) src(%arg3 : memref<1024xf32, #tpu.memory_space<hbm>>) dst(%arg8 : memref<1024xf32, #tpu.memory_space<vmem>>)
      tpu.yield
    }) : () -> ()
    %scan3A = arith.constant 0 : i32
    %scan3A_1 = arith.constant 0 : i32
    %scan3A_2 = arith.constant 64 : i32
    %scan3A_3 = arith.addi %scan3A_1, %scan3A_2 : i32
    %scan3A_4 = arith.constant 1 : i32
    %scan3A_5 = scf.for %scan3A_14 = %scan3A_1 to %scan3A_3 step %scan3A_4 iter_args(%scan3A_15 = %scan3A) -> (i32)  : i32 {
      %broadcast_in_dim3A = arith.constant 0.000000e+00 : f32
      %broadcast_in_dim3A_16 = vector.broadcast %broadcast_in_dim3A : f32 to vector<16xf32>
      %mul3A_17 = arith.constant 16 : i32
      %mul3A_18 = arith.muli %scan3A_14, %mul3A_17 : i32
      %swap3A = arith.index_cast %mul3A_18 : i32 to index
      %swap3A_19 = tpu.vector_load %arg11[%swap3A] {strides = array<i32>} : memref<1024xf32, #tpu.memory_space<vmem>>, vector<16xf32>,
      tpu.vector_store %arg11[%swap3A], %broadcast_in_dim3A_16 {strides = array<i32>} : memref<1024xf32, #tpu.memory_space<vmem>>, vector<16xf32>,
      %scan3A_20 = arith.constant 0 : i32
      scf.yield %scan3A_20 : i32
    }
    %scan3A_6 = arith.constant 64 : i32
    "tpu.region"() ({
      %run_scoped3A = tpu.sem_alloc : memref<!tpu.dma_semaphore, #tpu.memory_space<semaphore_mem>>
      %dma_start3A = arith.constant 0 : i32
      %dma_start3A_14 = tpu.memref_slice %arg4[%add3A, %dma_start3A] : memref<32x512xi32, #tpu.memory_space<hbm>> -> memref<1x512xi32, #tpu.memory_space<hbm>>
      %dma_start3A_15 = tpu.memref_squeeze %dma_start3A_14 : memref<1x512xi32, #tpu.memory_space<hbm>> -> memref<512xi32, #tpu.memory_space<hbm>>
      %dma_start3A_16 = arith.constant 0 : i32
      %dma_start3A_17 = tpu.memref_slice %arg4[%add3A, %dma_start3A_16] : memref<32x512xi32, #tpu.memory_space<hbm>> -> memref<1x512xi32, #tpu.memory_space<hbm>>
      %dma_start3A_18 = tpu.memref_squeeze %dma_start3A_17 : memref<1x512xi32, #tpu.memory_space<hbm>> -> memref<512xi32, #tpu.memory_space<hbm>>
      tpu.enqueue_dma source(%dma_start3A_18 : memref<512xi32, #tpu.memory_space<hbm>>) target(%arg9 : memref<512xi32, #tpu.memory_space<vmem>>) target_semaphore(%run_scoped3A : memref<!tpu.dma_semaphore, #tpu.memory_space<semaphore_mem>>)
      %dma_wait3A = arith.constant 0 : i32
      %dma_wait3A_19 = tpu.memref_slice %arg4[%add3A, %dma_wait3A] : memref<32x512xi32, #tpu.memory_space<hbm>> -> memref<1x512xi32, #tpu.memory_space<hbm>>
      %dma_wait3A_20 = tpu.memref_squeeze %dma_wait3A_19 : memref<1x512xi32, #tpu.memory_space<hbm>> -> memref<512xi32, #tpu.memory_space<hbm>>
      %dma_wait3A_21 = arith.constant 0 : i32
      %dma_wait3A_22 = tpu.memref_slice %arg4[%add3A, %dma_wait3A_21] : memref<32x512xi32, #tpu.memory_space<hbm>> -> memref<1x512xi32, #tpu.memory_space<hbm>>
      %dma_wait3A_23 = tpu.memref_squeeze %dma_wait3A_22 : memref<1x512xi32, #tpu.memory_space<hbm>> -> memref<512xi32, #tpu.memory_space<hbm>>
      tpu.wait_dma2 semaphore(%run_scoped3A : memref<!tpu.dma_semaphore, #tpu.memory_space<semaphore_mem>>) src(%dma_wait3A_23 : memref<512xi32, #tpu.memory_space<hbm>>) dst(%arg9 : memref<512xi32, #tpu.memory_space<vmem>>)
      tpu.yield
    }) : () -> ()
    "tpu.region"() ({
      %run_scoped3A = tpu.sem_alloc : memref<!tpu.dma_semaphore, #tpu.memory_space<semaphore_mem>>
      %dma_start3A = arith.constant 0 : i32
      %dma_start3A_14 = tpu.memref_slice %arg5[%add3A, %dma_start3A] : memref<32x512xi32, #tpu.memory_space<hbm>> -> memref<1x512xi32, #tpu.memory_space<hbm>>
      %dma_start3A_15 = tpu.memref_squeeze %dma_start3A_14 : memref<1x512xi32, #tpu.memory_space<hbm>> -> memref<512xi32, #tpu.memory_space<hbm>>
      %dma_start3A_16 = arith.constant 0 : i32
      %dma_start3A_17 = tpu.memref_slice %arg5[%add3A, %dma_start3A_16] : memref<32x512xi32, #tpu.memory_space<hbm>> -> memref<1x512xi32, #tpu.memory_space<hbm>>
      %dma_start3A_18 = tpu.memref_squeeze %dma_start3A_17 : memref<1x512xi32, #tpu.memory_space<hbm>> -> memref<512xi32, #tpu.memory_space<hbm>>
      tpu.enqueue_dma source(%dma_start3A_18 : memref<512xi32, #tpu.memory_space<hbm>>) target(%arg10 : memref<512xi32, #tpu.memory_space<vmem>>) target_semaphore(%run_scoped3A : memref<!tpu.dma_semaphore, #tpu.memory_space<semaphore_mem>>)
      %dma_wait3A = arith.constant 0 : i32
      %dma_wait3A_19 = tpu.memref_slice %arg5[%add3A, %dma_wait3A] : memref<32x512xi32, #tpu.memory_space<hbm>> -> memref<1x512xi32, #tpu.memory_space<hbm>>
      %dma_wait3A_20 = tpu.memref_squeeze %dma_wait3A_19 : memref<1x512xi32, #tpu.memory_space<hbm>> -> memref<512xi32, #tpu.memory_space<hbm>>
      %dma_wait3A_21 = arith.constant 0 : i32
      %dma_wait3A_22 = tpu.memref_slice %arg5[%add3A, %dma_wait3A_21] : memref<32x512xi32, #tpu.memory_space<hbm>> -> memref<1x512xi32, #tpu.memory_space<hbm>>
      %dma_wait3A_23 = tpu.memref_squeeze %dma_wait3A_22 : memref<1x512xi32, #tpu.memory_space<hbm>> -> memref<512xi32, #tpu.memory_space<hbm>>
      tpu.wait_dma2 semaphore(%run_scoped3A : memref<!tpu.dma_semaphore, #tpu.memory_space<semaphore_mem>>) src(%dma_wait3A_23 : memref<512xi32, #tpu.memory_space<hbm>>) dst(%arg10 : memref<512xi32, #tpu.memory_space<vmem>>)
      tpu.yield
    }) : () -> ()
    %scan3A_7 = arith.constant 0 : i32
    %scan3A_8 = arith.constant 0 : i32
    %scan3A_9 = arith.constant 32 : i32
    %scan3A_10 = arith.addi %scan3A_8, %scan3A_9 : i32
    %scan3A_11 = arith.constant 1 : i32
    %scan3A_12 = scf.for %scan3A_14 = %scan3A_8 to %scan3A_10 step %scan3A_11 iter_args(%scan3A_15 = %scan3A_7) -> (i32)  : i32 {
      %mul3A_16 = arith.constant 16 : i32
      %mul3A_17 = arith.muli %scan3A_14, %mul3A_16 : i32
      %get3A = arith.index_cast %mul3A_17 : i32 to index
      %get3A_18 = tpu.vector_load %arg9[%get3A] {strides = array<i32>} : memref<512xi32, #tpu.memory_space<vmem>>, vector<16xi32>,
      %mul3A_19 = arith.constant 16 : i32
      %mul3A_20 = arith.muli %scan3A_14, %mul3A_19 : i32
      %get3A_21 = arith.index_cast %mul3A_20 : i32 to index
      %get3A_22 = tpu.vector_load %arg10[%get3A_21] {strides = array<i32>} : memref<512xi32, #tpu.memory_space<vmem>>, vector<16xi32>,
      %gather3A = tpu.vector_load_idx %arg7[%get3A_18] : memref<1024xf32, #tpu.memory_space<vmem>>[vector<16xi32>], vector<16xf32>,
      %gather3A_23 = tpu.vector_load_idx %arg8[%get3A_18] : memref<1024xf32, #tpu.memory_space<vmem>>[vector<16xi32>], vector<16xf32>,
      %mul3A_24 = arith.mulf %gather3A, %gather3A_23 : vector<16xf32>
      tpu.vector_store_idx %arg11[%get3A_22], %mul3A_24 {add = true} : memref<1024xf32, #tpu.memory_space<vmem>>[vector<16xi32>], vector<16xf32>,
      %scan3A_25 = arith.constant 0 : i32
      scf.yield %scan3A_25 : i32
    }
    %scan3A_13 = arith.constant 32 : i32
    "tpu.region"() ({
      %run_scoped3A = tpu.sem_alloc : memref<!tpu.dma_semaphore, #tpu.memory_space<semaphore_mem>>
      %dma_start3A = arith.constant 0 : i32
      %dma_start3A_14 = tpu.memref_slice %arg6[%add3A, %dma_start3A] : memref<32x1024xf32, #tpu.memory_space<hbm>> -> memref<1x1024xf32, #tpu.memory_space<hbm>>
      %dma_start3A_15 = tpu.memref_squeeze %dma_start3A_14 : memref<1x1024xf32, #tpu.memory_space<hbm>> -> memref<1024xf32, #tpu.memory_space<hbm>>
      %dma_start3A_16 = arith.constant 0 : i32
      %dma_start3A_17 = tpu.memref_slice %arg6[%add3A, %dma_start3A_16] : memref<32x1024xf32, #tpu.memory_space<hbm>> -> memref<1x1024xf32, #tpu.memory_space<hbm>>
      %dma_start3A_18 = tpu.memref_squeeze %dma_start3A_17 : memref<1x1024xf32, #tpu.memory_space<hbm>> -> memref<1024xf32, #tpu.memory_space<hbm>>
      tpu.enqueue_dma source(%arg11 : memref<1024xf32, #tpu.memory_space<vmem>>) target(%dma_start3A_18 : memref<1024xf32, #tpu.memory_space<hbm>>) target_semaphore(%run_scoped3A : memref<!tpu.dma_semaphore, #tpu.memory_space<semaphore_mem>>)
      %dma_wait3A = arith.constant 0 : i32
      %dma_wait3A_19 = tpu.memref_slice %arg6[%add3A, %dma_wait3A] : memref<32x1024xf32, #tpu.memory_space<hbm>> -> memref<1x1024xf32, #tpu.memory_space<hbm>>
      %dma_wait3A_20 = tpu.memref_squeeze %dma_wait3A_19 : memref<1x1024xf32, #tpu.memory_space<hbm>> -> memref<1024xf32, #tpu.memory_space<hbm>>
      %dma_wait3A_21 = arith.constant 0 : i32
      %dma_wait3A_22 = tpu.memref_slice %arg6[%add3A, %dma_wait3A_21] : memref<32x1024xf32, #tpu.memory_space<hbm>> -> memref<1x1024xf32, #tpu.memory_space<hbm>>
      %dma_wait3A_23 = tpu.memref_squeeze %dma_wait3A_22 : memref<1x1024xf32, #tpu.memory_space<hbm>> -> memref<1024xf32, #tpu.memory_space<hbm>>
      tpu.wait_dma2 semaphore(%run_scoped3A : memref<!tpu.dma_semaphore, #tpu.memory_space<semaphore_mem>>) src(%arg11 : memref<1024xf32, #tpu.memory_space<vmem>>) dst(%dma_wait3A_23 : memref<1024xf32, #tpu.memory_space<hbm>>)
      tpu.yield
    }) : () -> ()
    return
  }
}

#map = affine_map<(d0, d1) -> (0, 0)>
#map1 = affine_map<(d0, d1) -> (0, 0, 0)>
module attributes {stable_mosaic.version = 14 : i64} {
  func.func @_sc_agg16(%arg0: i32, %arg1: i32, %arg2: memref<16x10000xf32, #tpu.memory_space<hbm>>, %arg3: memref<2x20x8000xi32, #tpu.memory_space<hbm>>, %arg4: memref<2x20x8000xi32, #tpu.memory_space<hbm>>, %arg5: memref<2x16x10000xf32, #tpu.memory_space<hbm>>, %arg6: memref<10000xf32, #tpu.memory_space<vmem>>, %arg7: memref<10000xf32, #tpu.memory_space<vmem>>, %arg8: memref<8000xi32, #tpu.memory_space<vmem>>, %arg9: memref<8000xi32, #tpu.memory_space<vmem>>) attributes {dimension_semantics = [#tpu.dimension_semantics<core_parallel>, #tpu.dimension_semantics<subcore_parallel>], iteration_bounds = array<i64: 2, 16>, scalar_prefetch = 0 : i64, scratch_operands = 4 : i64, tpu.core_type = #tpu.core_type<sc_vector_subcore>, window_params = [{transform_indices = #map}, {transform_indices = #map1}, {transform_indices = #map1}, {transform_indices = #map1}]} {
    "tpu.region"() ({
      %run_scoped3A = tpu.sem_alloc : memref<!tpu.dma_semaphore, #tpu.memory_space<semaphore_mem>>
      %dma_start3A = arith.constant 0 : i32
      %dma_start3A_13 = tpu.memref_slice %arg2[%arg1, %dma_start3A] : memref<16x10000xf32, #tpu.memory_space<hbm>> -> memref<1x10000xf32, #tpu.memory_space<hbm>>
      %dma_start3A_14 = tpu.memref_squeeze %dma_start3A_13 : memref<1x10000xf32, #tpu.memory_space<hbm>> -> memref<10000xf32, #tpu.memory_space<hbm>>
      %dma_start3A_15 = arith.constant 0 : i32
      %dma_start3A_16 = tpu.memref_slice %arg2[%arg1, %dma_start3A_15] : memref<16x10000xf32, #tpu.memory_space<hbm>> -> memref<1x10000xf32, #tpu.memory_space<hbm>>
      %dma_start3A_17 = tpu.memref_squeeze %dma_start3A_16 : memref<1x10000xf32, #tpu.memory_space<hbm>> -> memref<10000xf32, #tpu.memory_space<hbm>>
      tpu.enqueue_dma source(%dma_start3A_17 : memref<10000xf32, #tpu.memory_space<hbm>>) target(%arg6 : memref<10000xf32, #tpu.memory_space<vmem>>) target_semaphore(%run_scoped3A : memref<!tpu.dma_semaphore, #tpu.memory_space<semaphore_mem>>)
      %dma_wait3A = arith.constant 0 : i32
      %dma_wait3A_18 = tpu.memref_slice %arg2[%arg1, %dma_wait3A] : memref<16x10000xf32, #tpu.memory_space<hbm>> -> memref<1x10000xf32, #tpu.memory_space<hbm>>
      %dma_wait3A_19 = tpu.memref_squeeze %dma_wait3A_18 : memref<1x10000xf32, #tpu.memory_space<hbm>> -> memref<10000xf32, #tpu.memory_space<hbm>>
      %dma_wait3A_20 = arith.constant 0 : i32
      %dma_wait3A_21 = tpu.memref_slice %arg2[%arg1, %dma_wait3A_20] : memref<16x10000xf32, #tpu.memory_space<hbm>> -> memref<1x10000xf32, #tpu.memory_space<hbm>>
      %dma_wait3A_22 = tpu.memref_squeeze %dma_wait3A_21 : memref<1x10000xf32, #tpu.memory_space<hbm>> -> memref<10000xf32, #tpu.memory_space<hbm>>
      tpu.wait_dma2 semaphore(%run_scoped3A : memref<!tpu.dma_semaphore, #tpu.memory_space<semaphore_mem>>) src(%dma_wait3A_22 : memref<10000xf32, #tpu.memory_space<hbm>>) dst(%arg6 : memref<10000xf32, #tpu.memory_space<vmem>>)
      tpu.yield
    }) : () -> ()
    %scan3A = arith.constant 0 : i32
    %scan3A_0 = arith.constant 0 : i32
    %scan3A_1 = arith.constant 625 : i32
    %scan3A_2 = arith.addi %scan3A_0, %scan3A_1 : i32
    %scan3A_3 = arith.constant 1 : i32
    %scan3A_4 = scf.for %scan3A_13 = %scan3A_0 to %scan3A_2 step %scan3A_3 iter_args(%scan3A_14 = %scan3A) -> (i32)  : i32 {
      %broadcast_in_dim3A = arith.constant 0.000000e+00 : f32
      %broadcast_in_dim3A_15 = vector.broadcast %broadcast_in_dim3A : f32 to vector<16xf32>
      %mul3A = arith.constant 16 : i32
      %mul3A_16 = arith.muli %scan3A_13, %mul3A : i32
      %swap3A = arith.index_cast %mul3A_16 : i32 to index
      %swap3A_17 = tpu.vector_load %arg7[%swap3A] {strides = array<i32>} : memref<10000xf32, #tpu.memory_space<vmem>>, vector<16xf32>,
      tpu.vector_store %arg7[%swap3A], %broadcast_in_dim3A_15 {strides = array<i32>} : memref<10000xf32, #tpu.memory_space<vmem>>, vector<16xf32>,
      %scan3A_18 = arith.constant 0 : i32
      scf.yield %scan3A_18 : i32
    }
    %scan3A_5 = arith.constant 625 : i32
    %scan3A_6 = arith.constant 0 : i32
    %scan3A_7 = arith.constant 0 : i32
    %scan3A_8 = arith.constant 20 : i32
    %scan3A_9 = arith.addi %scan3A_7, %scan3A_8 : i32
    %scan3A_10 = arith.constant 1 : i32
    %scan3A_11 = scf.for %scan3A_13 = %scan3A_7 to %scan3A_9 step %scan3A_10 iter_args(%scan3A_14 = %scan3A_6) -> (i32)  : i32 {
      "tpu.region"() ({
        %run_scoped3A = tpu.sem_alloc : memref<!tpu.dma_semaphore, #tpu.memory_space<semaphore_mem>>
        %dma_start3A = arith.constant 0 : i32
        %dma_start3A_23 = arith.constant 0 : i32
        %dma_start3A_24 = tpu.memref_slice %arg3[%arg0, %dma_start3A, %dma_start3A_23] : memref<2x20x8000xi32, #tpu.memory_space<hbm>> -> memref<1x20x8000xi32, #tpu.memory_space<hbm>>
        %dma_start3A_25 = tpu.memref_squeeze %dma_start3A_24 : memref<1x20x8000xi32, #tpu.memory_space<hbm>> -> memref<20x8000xi32, #tpu.memory_space<hbm>>
        %dma_start3A_26 = arith.constant 0 : i32
        %dma_start3A_27 = tpu.memref_slice %dma_start3A_25[%scan3A_13, %dma_start3A_26] : memref<20x8000xi32, #tpu.memory_space<hbm>> -> memref<1x8000xi32, #tpu.memory_space<hbm>>
        %dma_start3A_28 = tpu.memref_squeeze %dma_start3A_27 : memref<1x8000xi32, #tpu.memory_space<hbm>> -> memref<8000xi32, #tpu.memory_space<hbm>>
        %dma_start3A_29 = arith.constant 0 : i32
        %dma_start3A_30 = arith.constant 0 : i32
        %dma_start3A_31 = tpu.memref_slice %arg3[%arg0, %dma_start3A_29, %dma_start3A_30] : memref<2x20x8000xi32, #tpu.memory_space<hbm>> -> memref<1x20x8000xi32, #tpu.memory_space<hbm>>
        %dma_start3A_32 = tpu.memref_squeeze %dma_start3A_31 : memref<1x20x8000xi32, #tpu.memory_space<hbm>> -> memref<20x8000xi32, #tpu.memory_space<hbm>>
        %dma_start3A_33 = arith.constant 0 : i32
        %dma_start3A_34 = tpu.memref_slice %dma_start3A_32[%scan3A_13, %dma_start3A_33] : memref<20x8000xi32, #tpu.memory_space<hbm>> -> memref<1x8000xi32, #tpu.memory_space<hbm>>
        %dma_start3A_35 = tpu.memref_squeeze %dma_start3A_34 : memref<1x8000xi32, #tpu.memory_space<hbm>> -> memref<8000xi32, #tpu.memory_space<hbm>>
        tpu.enqueue_dma source(%dma_start3A_35 : memref<8000xi32, #tpu.memory_space<hbm>>) target(%arg8 : memref<8000xi32, #tpu.memory_space<vmem>>) target_semaphore(%run_scoped3A : memref<!tpu.dma_semaphore, #tpu.memory_space<semaphore_mem>>)
        %dma_wait3A = arith.constant 0 : i32
        %dma_wait3A_36 = arith.constant 0 : i32
        %dma_wait3A_37 = tpu.memref_slice %arg3[%arg0, %dma_wait3A, %dma_wait3A_36] : memref<2x20x8000xi32, #tpu.memory_space<hbm>> -> memref<1x20x8000xi32, #tpu.memory_space<hbm>>
        %dma_wait3A_38 = tpu.memref_squeeze %dma_wait3A_37 : memref<1x20x8000xi32, #tpu.memory_space<hbm>> -> memref<20x8000xi32, #tpu.memory_space<hbm>>
        %dma_wait3A_39 = arith.constant 0 : i32
        %dma_wait3A_40 = tpu.memref_slice %dma_wait3A_38[%scan3A_13, %dma_wait3A_39] : memref<20x8000xi32, #tpu.memory_space<hbm>> -> memref<1x8000xi32, #tpu.memory_space<hbm>>
        %dma_wait3A_41 = tpu.memref_squeeze %dma_wait3A_40 : memref<1x8000xi32, #tpu.memory_space<hbm>> -> memref<8000xi32, #tpu.memory_space<hbm>>
        %dma_wait3A_42 = arith.constant 0 : i32
        %dma_wait3A_43 = arith.constant 0 : i32
        %dma_wait3A_44 = tpu.memref_slice %arg3[%arg0, %dma_wait3A_42, %dma_wait3A_43] : memref<2x20x8000xi32, #tpu.memory_space<hbm>> -> memref<1x20x8000xi32, #tpu.memory_space<hbm>>
        %dma_wait3A_45 = tpu.memref_squeeze %dma_wait3A_44 : memref<1x20x8000xi32, #tpu.memory_space<hbm>> -> memref<20x8000xi32, #tpu.memory_space<hbm>>
        %dma_wait3A_46 = arith.constant 0 : i32
        %dma_wait3A_47 = tpu.memref_slice %dma_wait3A_45[%scan3A_13, %dma_wait3A_46] : memref<20x8000xi32, #tpu.memory_space<hbm>> -> memref<1x8000xi32, #tpu.memory_space<hbm>>
        %dma_wait3A_48 = tpu.memref_squeeze %dma_wait3A_47 : memref<1x8000xi32, #tpu.memory_space<hbm>> -> memref<8000xi32, #tpu.memory_space<hbm>>
        tpu.wait_dma2 semaphore(%run_scoped3A : memref<!tpu.dma_semaphore, #tpu.memory_space<semaphore_mem>>) src(%dma_wait3A_48 : memref<8000xi32, #tpu.memory_space<hbm>>) dst(%arg8 : memref<8000xi32, #tpu.memory_space<vmem>>)
        tpu.yield
      }) : () -> ()
      "tpu.region"() ({
        %run_scoped3A = tpu.sem_alloc : memref<!tpu.dma_semaphore, #tpu.memory_space<semaphore_mem>>
        %dma_start3A = arith.constant 0 : i32
        %dma_start3A_23 = arith.constant 0 : i32
        %dma_start3A_24 = tpu.memref_slice %arg4[%arg0, %dma_start3A, %dma_start3A_23] : memref<2x20x8000xi32, #tpu.memory_space<hbm>> -> memref<1x20x8000xi32, #tpu.memory_space<hbm>>
        %dma_start3A_25 = tpu.memref_squeeze %dma_start3A_24 : memref<1x20x8000xi32, #tpu.memory_space<hbm>> -> memref<20x8000xi32, #tpu.memory_space<hbm>>
        %dma_start3A_26 = arith.constant 0 : i32
        %dma_start3A_27 = tpu.memref_slice %dma_start3A_25[%scan3A_13, %dma_start3A_26] : memref<20x8000xi32, #tpu.memory_space<hbm>> -> memref<1x8000xi32, #tpu.memory_space<hbm>>
        %dma_start3A_28 = tpu.memref_squeeze %dma_start3A_27 : memref<1x8000xi32, #tpu.memory_space<hbm>> -> memref<8000xi32, #tpu.memory_space<hbm>>
        %dma_start3A_29 = arith.constant 0 : i32
        %dma_start3A_30 = arith.constant 0 : i32
        %dma_start3A_31 = tpu.memref_slice %arg4[%arg0, %dma_start3A_29, %dma_start3A_30] : memref<2x20x8000xi32, #tpu.memory_space<hbm>> -> memref<1x20x8000xi32, #tpu.memory_space<hbm>>
        %dma_start3A_32 = tpu.memref_squeeze %dma_start3A_31 : memref<1x20x8000xi32, #tpu.memory_space<hbm>> -> memref<20x8000xi32, #tpu.memory_space<hbm>>
        %dma_start3A_33 = arith.constant 0 : i32
        %dma_start3A_34 = tpu.memref_slice %dma_start3A_32[%scan3A_13, %dma_start3A_33] : memref<20x8000xi32, #tpu.memory_space<hbm>> -> memref<1x8000xi32, #tpu.memory_space<hbm>>
        %dma_start3A_35 = tpu.memref_squeeze %dma_start3A_34 : memref<1x8000xi32, #tpu.memory_space<hbm>> -> memref<8000xi32, #tpu.memory_space<hbm>>
        tpu.enqueue_dma source(%dma_start3A_35 : memref<8000xi32, #tpu.memory_space<hbm>>) target(%arg9 : memref<8000xi32, #tpu.memory_space<vmem>>) target_semaphore(%run_scoped3A : memref<!tpu.dma_semaphore, #tpu.memory_space<semaphore_mem>>)
        %dma_wait3A = arith.constant 0 : i32
        %dma_wait3A_36 = arith.constant 0 : i32
        %dma_wait3A_37 = tpu.memref_slice %arg4[%arg0, %dma_wait3A, %dma_wait3A_36] : memref<2x20x8000xi32, #tpu.memory_space<hbm>> -> memref<1x20x8000xi32, #tpu.memory_space<hbm>>
        %dma_wait3A_38 = tpu.memref_squeeze %dma_wait3A_37 : memref<1x20x8000xi32, #tpu.memory_space<hbm>> -> memref<20x8000xi32, #tpu.memory_space<hbm>>
        %dma_wait3A_39 = arith.constant 0 : i32
        %dma_wait3A_40 = tpu.memref_slice %dma_wait3A_38[%scan3A_13, %dma_wait3A_39] : memref<20x8000xi32, #tpu.memory_space<hbm>> -> memref<1x8000xi32, #tpu.memory_space<hbm>>
        %dma_wait3A_41 = tpu.memref_squeeze %dma_wait3A_40 : memref<1x8000xi32, #tpu.memory_space<hbm>> -> memref<8000xi32, #tpu.memory_space<hbm>>
        %dma_wait3A_42 = arith.constant 0 : i32
        %dma_wait3A_43 = arith.constant 0 : i32
        %dma_wait3A_44 = tpu.memref_slice %arg4[%arg0, %dma_wait3A_42, %dma_wait3A_43] : memref<2x20x8000xi32, #tpu.memory_space<hbm>> -> memref<1x20x8000xi32, #tpu.memory_space<hbm>>
        %dma_wait3A_45 = tpu.memref_squeeze %dma_wait3A_44 : memref<1x20x8000xi32, #tpu.memory_space<hbm>> -> memref<20x8000xi32, #tpu.memory_space<hbm>>
        %dma_wait3A_46 = arith.constant 0 : i32
        %dma_wait3A_47 = tpu.memref_slice %dma_wait3A_45[%scan3A_13, %dma_wait3A_46] : memref<20x8000xi32, #tpu.memory_space<hbm>> -> memref<1x8000xi32, #tpu.memory_space<hbm>>
        %dma_wait3A_48 = tpu.memref_squeeze %dma_wait3A_47 : memref<1x8000xi32, #tpu.memory_space<hbm>> -> memref<8000xi32, #tpu.memory_space<hbm>>
        tpu.wait_dma2 semaphore(%run_scoped3A : memref<!tpu.dma_semaphore, #tpu.memory_space<semaphore_mem>>) src(%dma_wait3A_48 : memref<8000xi32, #tpu.memory_space<hbm>>) dst(%arg9 : memref<8000xi32, #tpu.memory_space<vmem>>)
        tpu.yield
      }) : () -> ()
      %scan3A_15 = arith.constant 0 : i32
      %scan3A_16 = arith.constant 0 : i32
      %scan3A_17 = arith.constant 500 : i32
      %scan3A_18 = arith.addi %scan3A_16, %scan3A_17 : i32
      %scan3A_19 = arith.constant 1 : i32
      %scan3A_20 = scf.for %scan3A_23 = %scan3A_16 to %scan3A_18 step %scan3A_19 iter_args(%scan3A_24 = %scan3A_15) -> (i32)  : i32 {
        %mul3A = arith.constant 16 : i32
        %mul3A_25 = arith.muli %scan3A_23, %mul3A : i32
        %get3A = arith.index_cast %mul3A_25 : i32 to index
        %get3A_26 = tpu.vector_load %arg8[%get3A] {strides = array<i32>} : memref<8000xi32, #tpu.memory_space<vmem>>, vector<16xi32>,
        %mul3A_27 = arith.constant 16 : i32
        %mul3A_28 = arith.muli %scan3A_23, %mul3A_27 : i32
        %get3A_29 = arith.index_cast %mul3A_28 : i32 to index
        %get3A_30 = tpu.vector_load %arg9[%get3A_29] {strides = array<i32>} : memref<8000xi32, #tpu.memory_space<vmem>>, vector<16xi32>,
        %gather3A = tpu.vector_load_idx %arg6[%get3A_26] : memref<10000xf32, #tpu.memory_space<vmem>>[vector<16xi32>], vector<16xf32>,
        tpu.vector_store_idx %arg7[%get3A_30], %gather3A {add = true} : memref<10000xf32, #tpu.memory_space<vmem>>[vector<16xi32>], vector<16xf32>,
        %scan3A_31 = arith.constant 0 : i32
        scf.yield %scan3A_31 : i32
      }
      %scan3A_21 = arith.constant 500 : i32
      %scan3A_22 = arith.constant 0 : i32
      scf.yield %scan3A_22 : i32
    }
    %scan3A_12 = arith.constant 20 : i32
    "tpu.region"() ({
      %run_scoped3A = tpu.sem_alloc : memref<!tpu.dma_semaphore, #tpu.memory_space<semaphore_mem>>
      %dma_start3A = arith.constant 0 : i32
      %dma_start3A_13 = arith.constant 0 : i32
      %dma_start3A_14 = tpu.memref_slice %arg5[%arg0, %dma_start3A, %dma_start3A_13] : memref<2x16x10000xf32, #tpu.memory_space<hbm>> -> memref<1x16x10000xf32, #tpu.memory_space<hbm>>
      %dma_start3A_15 = tpu.memref_squeeze %dma_start3A_14 : memref<1x16x10000xf32, #tpu.memory_space<hbm>> -> memref<16x10000xf32, #tpu.memory_space<hbm>>
      %dma_start3A_16 = arith.constant 0 : i32
      %dma_start3A_17 = tpu.memref_slice %dma_start3A_15[%arg1, %dma_start3A_16] : memref<16x10000xf32, #tpu.memory_space<hbm>> -> memref<1x10000xf32, #tpu.memory_space<hbm>>
      %dma_start3A_18 = tpu.memref_squeeze %dma_start3A_17 : memref<1x10000xf32, #tpu.memory_space<hbm>> -> memref<10000xf32, #tpu.memory_space<hbm>>
      %dma_start3A_19 = arith.constant 0 : i32
      %dma_start3A_20 = arith.constant 0 : i32
      %dma_start3A_21 = tpu.memref_slice %arg5[%arg0, %dma_start3A_19, %dma_start3A_20] : memref<2x16x10000xf32, #tpu.memory_space<hbm>> -> memref<1x16x10000xf32, #tpu.memory_space<hbm>>
      %dma_start3A_22 = tpu.memref_squeeze %dma_start3A_21 : memref<1x16x10000xf32, #tpu.memory_space<hbm>> -> memref<16x10000xf32, #tpu.memory_space<hbm>>
      %dma_start3A_23 = arith.constant 0 : i32
      %dma_start3A_24 = tpu.memref_slice %dma_start3A_22[%arg1, %dma_start3A_23] : memref<16x10000xf32, #tpu.memory_space<hbm>> -> memref<1x10000xf32, #tpu.memory_space<hbm>>
      %dma_start3A_25 = tpu.memref_squeeze %dma_start3A_24 : memref<1x10000xf32, #tpu.memory_space<hbm>> -> memref<10000xf32, #tpu.memory_space<hbm>>
      tpu.enqueue_dma source(%arg7 : memref<10000xf32, #tpu.memory_space<vmem>>) target(%dma_start3A_25 : memref<10000xf32, #tpu.memory_space<hbm>>) target_semaphore(%run_scoped3A : memref<!tpu.dma_semaphore, #tpu.memory_space<semaphore_mem>>)
      %dma_wait3A = arith.constant 0 : i32
      %dma_wait3A_26 = arith.constant 0 : i32
      %dma_wait3A_27 = tpu.memref_slice %arg5[%arg0, %dma_wait3A, %dma_wait3A_26] : memref<2x16x10000xf32, #tpu.memory_space<hbm>> -> memref<1x16x10000xf32, #tpu.memory_space<hbm>>
      %dma_wait3A_28 = tpu.memref_squeeze %dma_wait3A_27 : memref<1x16x10000xf32, #tpu.memory_space<hbm>> -> memref<16x10000xf32, #tpu.memory_space<hbm>>
      %dma_wait3A_29 = arith.constant 0 : i32
      %dma_wait3A_30 = tpu.memref_slice %dma_wait3A_28[%arg1, %dma_wait3A_29] : memref<16x10000xf32, #tpu.memory_space<hbm>> -> memref<1x10000xf32, #tpu.memory_space<hbm>>
      %dma_wait3A_31 = tpu.memref_squeeze %dma_wait3A_30 : memref<1x10000xf32, #tpu.memory_space<hbm>> -> memref<10000xf32, #tpu.memory_space<hbm>>
      %dma_wait3A_32 = arith.constant 0 : i32
      %dma_wait3A_33 = arith.constant 0 : i32
      %dma_wait3A_34 = tpu.memref_slice %arg5[%arg0, %dma_wait3A_32, %dma_wait3A_33] : memref<2x16x10000xf32, #tpu.memory_space<hbm>> -> memref<1x16x10000xf32, #tpu.memory_space<hbm>>
      %dma_wait3A_35 = tpu.memref_squeeze %dma_wait3A_34 : memref<1x16x10000xf32, #tpu.memory_space<hbm>> -> memref<16x10000xf32, #tpu.memory_space<hbm>>
      %dma_wait3A_36 = arith.constant 0 : i32
      %dma_wait3A_37 = tpu.memref_slice %dma_wait3A_35[%arg1, %dma_wait3A_36] : memref<16x10000xf32, #tpu.memory_space<hbm>> -> memref<1x10000xf32, #tpu.memory_space<hbm>>
      %dma_wait3A_38 = tpu.memref_squeeze %dma_wait3A_37 : memref<1x10000xf32, #tpu.memory_space<hbm>> -> memref<10000xf32, #tpu.memory_space<hbm>>
      tpu.wait_dma2 semaphore(%run_scoped3A : memref<!tpu.dma_semaphore, #tpu.memory_space<semaphore_mem>>) src(%arg7 : memref<10000xf32, #tpu.memory_space<vmem>>) dst(%dma_wait3A_38 : memref<10000xf32, #tpu.memory_space<hbm>>)
      tpu.yield
    }) : () -> ()
    return
  }
}

#map = affine_map<(d0, d1) -> (0, 0)>
module attributes {stable_mosaic.version = 14 : i64} {
  func.func @_sc_degrees(%arg0: i32, %arg1: i32, %arg2: memref<32x10000xi32, #tpu.memory_space<hbm>>, %arg3: memref<32x512xi32, #tpu.memory_space<hbm>>, %arg4: memref<32x10000xf32, #tpu.memory_space<hbm>>, %arg5: memref<32x1024xf32, #tpu.memory_space<hbm>>, %arg6: memref<10000xi32, #tpu.memory_space<vmem>>, %arg7: memref<10000xf32, #tpu.memory_space<vmem>>, %arg8: memref<512xi32, #tpu.memory_space<vmem>>, %arg9: memref<1024xf32, #tpu.memory_space<vmem>>) attributes {dimension_semantics = [#tpu.dimension_semantics<core_parallel>, #tpu.dimension_semantics<subcore_parallel>], iteration_bounds = array<i64: 2, 16>, scalar_prefetch = 0 : i64, scratch_operands = 4 : i64, tpu.core_type = #tpu.core_type<sc_vector_subcore>, window_params = [{transform_indices = #map}, {transform_indices = #map}, {transform_indices = #map}, {transform_indices = #map}]} {
    %mul3A = arith.constant 16 : i32
    %mul3A_0 = arith.muli %arg0, %mul3A : i32
    %add3A = arith.addi %mul3A_0, %arg1 : i32
    %broadcast_in_dim3A = arith.constant 1.000000e+00 : f32
    %broadcast_in_dim3A_1 = vector.broadcast %broadcast_in_dim3A : f32 to vector<16xf32>
    %broadcast_in_dim3A_2 = arith.constant 0.000000e+00 : f32
    %broadcast_in_dim3A_3 = vector.broadcast %broadcast_in_dim3A_2 : f32 to vector<16xf32>
    "tpu.region"() ({
      %run_scoped3A = tpu.sem_alloc : memref<!tpu.dma_semaphore, #tpu.memory_space<semaphore_mem>>
      %dma_start3A = arith.constant 0 : i32
      %dma_start3A_31 = tpu.memref_slice %arg2[%add3A, %dma_start3A] : memref<32x10000xi32, #tpu.memory_space<hbm>> -> memref<1x10000xi32, #tpu.memory_space<hbm>>
      %dma_start3A_32 = tpu.memref_squeeze %dma_start3A_31 : memref<1x10000xi32, #tpu.memory_space<hbm>> -> memref<10000xi32, #tpu.memory_space<hbm>>
      %dma_start3A_33 = arith.constant 0 : i32
      %dma_start3A_34 = tpu.memref_slice %arg2[%add3A, %dma_start3A_33] : memref<32x10000xi32, #tpu.memory_space<hbm>> -> memref<1x10000xi32, #tpu.memory_space<hbm>>
      %dma_start3A_35 = tpu.memref_squeeze %dma_start3A_34 : memref<1x10000xi32, #tpu.memory_space<hbm>> -> memref<10000xi32, #tpu.memory_space<hbm>>
      tpu.enqueue_dma source(%dma_start3A_35 : memref<10000xi32, #tpu.memory_space<hbm>>) target(%arg6 : memref<10000xi32, #tpu.memory_space<vmem>>) target_semaphore(%run_scoped3A : memref<!tpu.dma_semaphore, #tpu.memory_space<semaphore_mem>>)
      %dma_wait3A = arith.constant 0 : i32
      %dma_wait3A_36 = tpu.memref_slice %arg2[%add3A, %dma_wait3A] : memref<32x10000xi32, #tpu.memory_space<hbm>> -> memref<1x10000xi32, #tpu.memory_space<hbm>>
      %dma_wait3A_37 = tpu.memref_squeeze %dma_wait3A_36 : memref<1x10000xi32, #tpu.memory_space<hbm>> -> memref<10000xi32, #tpu.memory_space<hbm>>
      %dma_wait3A_38 = arith.constant 0 : i32
      %dma_wait3A_39 = tpu.memref_slice %arg2[%add3A, %dma_wait3A_38] : memref<32x10000xi32, #tpu.memory_space<hbm>> -> memref<1x10000xi32, #tpu.memory_space<hbm>>
      %dma_wait3A_40 = tpu.memref_squeeze %dma_wait3A_39 : memref<1x10000xi32, #tpu.memory_space<hbm>> -> memref<10000xi32, #tpu.memory_space<hbm>>
      tpu.wait_dma2 semaphore(%run_scoped3A : memref<!tpu.dma_semaphore, #tpu.memory_space<semaphore_mem>>) src(%dma_wait3A_40 : memref<10000xi32, #tpu.memory_space<hbm>>) dst(%arg6 : memref<10000xi32, #tpu.memory_space<vmem>>)
      tpu.yield
    }) : () -> ()
    %scan3A = arith.constant 0 : i32
    %scan3A_4 = arith.constant 0 : i32
    %scan3A_5 = arith.constant 625 : i32
    %scan3A_6 = arith.addi %scan3A_4, %scan3A_5 : i32
    %scan3A_7 = arith.constant 1 : i32
    %scan3A_8 = scf.for %scan3A_31 = %scan3A_4 to %scan3A_6 step %scan3A_7 iter_args(%scan3A_32 = %scan3A) -> (i32)  : i32 {
      %mul3A_33 = arith.constant 16 : i32
      %mul3A_34 = arith.muli %scan3A_31, %mul3A_33 : i32
      %swap3A = arith.index_cast %mul3A_34 : i32 to index
      %swap3A_35 = tpu.vector_load %arg7[%swap3A] {strides = array<i32>} : memref<10000xf32, #tpu.memory_space<vmem>>, vector<16xf32>,
      tpu.vector_store %arg7[%swap3A], %broadcast_in_dim3A_3 {strides = array<i32>} : memref<10000xf32, #tpu.memory_space<vmem>>, vector<16xf32>,
      %scan3A_36 = arith.constant 0 : i32
      scf.yield %scan3A_36 : i32
    }
    %scan3A_9 = arith.constant 625 : i32
    %scan3A_10 = arith.constant 0 : i32
    %scan3A_11 = arith.constant 0 : i32
    %scan3A_12 = arith.constant 625 : i32
    %scan3A_13 = arith.addi %scan3A_11, %scan3A_12 : i32
    %scan3A_14 = arith.constant 1 : i32
    %scan3A_15 = scf.for %scan3A_31 = %scan3A_11 to %scan3A_13 step %scan3A_14 iter_args(%scan3A_32 = %scan3A_10) -> (i32)  : i32 {
      %mul3A_33 = arith.constant 16 : i32
      %mul3A_34 = arith.muli %scan3A_31, %mul3A_33 : i32
      %get3A = arith.index_cast %mul3A_34 : i32 to index
      %get3A_35 = tpu.vector_load %arg6[%get3A] {strides = array<i32>} : memref<10000xi32, #tpu.memory_space<vmem>>, vector<16xi32>,
      tpu.vector_store_idx %arg7[%get3A_35], %broadcast_in_dim3A_1 {add = true} : memref<10000xf32, #tpu.memory_space<vmem>>[vector<16xi32>], vector<16xf32>,
      %scan3A_36 = arith.constant 0 : i32
      scf.yield %scan3A_36 : i32
    }
    %scan3A_16 = arith.constant 625 : i32
    "tpu.region"() ({
      %run_scoped3A = tpu.sem_alloc : memref<!tpu.dma_semaphore, #tpu.memory_space<semaphore_mem>>
      %dma_start3A = arith.constant 0 : i32
      %dma_start3A_31 = tpu.memref_slice %arg4[%add3A, %dma_start3A] : memref<32x10000xf32, #tpu.memory_space<hbm>> -> memref<1x10000xf32, #tpu.memory_space<hbm>>
      %dma_start3A_32 = tpu.memref_squeeze %dma_start3A_31 : memref<1x10000xf32, #tpu.memory_space<hbm>> -> memref<10000xf32, #tpu.memory_space<hbm>>
      %dma_start3A_33 = arith.constant 0 : i32
      %dma_start3A_34 = tpu.memref_slice %arg4[%add3A, %dma_start3A_33] : memref<32x10000xf32, #tpu.memory_space<hbm>> -> memref<1x10000xf32, #tpu.memory_space<hbm>>
      %dma_start3A_35 = tpu.memref_squeeze %dma_start3A_34 : memref<1x10000xf32, #tpu.memory_space<hbm>> -> memref<10000xf32, #tpu.memory_space<hbm>>
      tpu.enqueue_dma source(%arg7 : memref<10000xf32, #tpu.memory_space<vmem>>) target(%dma_start3A_35 : memref<10000xf32, #tpu.memory_space<hbm>>) target_semaphore(%run_scoped3A : memref<!tpu.dma_semaphore, #tpu.memory_space<semaphore_mem>>)
      %dma_wait3A = arith.constant 0 : i32
      %dma_wait3A_36 = tpu.memref_slice %arg4[%add3A, %dma_wait3A] : memref<32x10000xf32, #tpu.memory_space<hbm>> -> memref<1x10000xf32, #tpu.memory_space<hbm>>
      %dma_wait3A_37 = tpu.memref_squeeze %dma_wait3A_36 : memref<1x10000xf32, #tpu.memory_space<hbm>> -> memref<10000xf32, #tpu.memory_space<hbm>>
      %dma_wait3A_38 = arith.constant 0 : i32
      %dma_wait3A_39 = tpu.memref_slice %arg4[%add3A, %dma_wait3A_38] : memref<32x10000xf32, #tpu.memory_space<hbm>> -> memref<1x10000xf32, #tpu.memory_space<hbm>>
      %dma_wait3A_40 = tpu.memref_squeeze %dma_wait3A_39 : memref<1x10000xf32, #tpu.memory_space<hbm>> -> memref<10000xf32, #tpu.memory_space<hbm>>
      tpu.wait_dma2 semaphore(%run_scoped3A : memref<!tpu.dma_semaphore, #tpu.memory_space<semaphore_mem>>) src(%arg7 : memref<10000xf32, #tpu.memory_space<vmem>>) dst(%dma_wait3A_40 : memref<10000xf32, #tpu.memory_space<hbm>>)
      tpu.yield
    }) : () -> ()
    %scan3A_17 = arith.constant 0 : i32
    %scan3A_18 = arith.constant 0 : i32
    %scan3A_19 = arith.constant 64 : i32
    %scan3A_20 = arith.addi %scan3A_18, %scan3A_19 : i32
    %scan3A_21 = arith.constant 1 : i32
    %scan3A_22 = scf.for %scan3A_31 = %scan3A_18 to %scan3A_20 step %scan3A_21 iter_args(%scan3A_32 = %scan3A_17) -> (i32)  : i32 {
      %mul3A_33 = arith.constant 16 : i32
      %mul3A_34 = arith.muli %scan3A_31, %mul3A_33 : i32
      %swap3A = arith.index_cast %mul3A_34 : i32 to index
      %swap3A_35 = tpu.vector_load %arg9[%swap3A] {strides = array<i32>} : memref<1024xf32, #tpu.memory_space<vmem>>, vector<16xf32>,
      tpu.vector_store %arg9[%swap3A], %broadcast_in_dim3A_3 {strides = array<i32>} : memref<1024xf32, #tpu.memory_space<vmem>>, vector<16xf32>,
      %scan3A_36 = arith.constant 0 : i32
      scf.yield %scan3A_36 : i32
    }
    %scan3A_23 = arith.constant 64 : i32
    "tpu.region"() ({
      %run_scoped3A = tpu.sem_alloc : memref<!tpu.dma_semaphore, #tpu.memory_space<semaphore_mem>>
      %dma_start3A = arith.constant 0 : i32
      %dma_start3A_31 = tpu.memref_slice %arg3[%add3A, %dma_start3A] : memref<32x512xi32, #tpu.memory_space<hbm>> -> memref<1x512xi32, #tpu.memory_space<hbm>>
      %dma_start3A_32 = tpu.memref_squeeze %dma_start3A_31 : memref<1x512xi32, #tpu.memory_space<hbm>> -> memref<512xi32, #tpu.memory_space<hbm>>
      %dma_start3A_33 = arith.constant 0 : i32
      %dma_start3A_34 = tpu.memref_slice %arg3[%add3A, %dma_start3A_33] : memref<32x512xi32, #tpu.memory_space<hbm>> -> memref<1x512xi32, #tpu.memory_space<hbm>>
      %dma_start3A_35 = tpu.memref_squeeze %dma_start3A_34 : memref<1x512xi32, #tpu.memory_space<hbm>> -> memref<512xi32, #tpu.memory_space<hbm>>
      tpu.enqueue_dma source(%dma_start3A_35 : memref<512xi32, #tpu.memory_space<hbm>>) target(%arg8 : memref<512xi32, #tpu.memory_space<vmem>>) target_semaphore(%run_scoped3A : memref<!tpu.dma_semaphore, #tpu.memory_space<semaphore_mem>>)
      %dma_wait3A = arith.constant 0 : i32
      %dma_wait3A_36 = tpu.memref_slice %arg3[%add3A, %dma_wait3A] : memref<32x512xi32, #tpu.memory_space<hbm>> -> memref<1x512xi32, #tpu.memory_space<hbm>>
      %dma_wait3A_37 = tpu.memref_squeeze %dma_wait3A_36 : memref<1x512xi32, #tpu.memory_space<hbm>> -> memref<512xi32, #tpu.memory_space<hbm>>
      %dma_wait3A_38 = arith.constant 0 : i32
      %dma_wait3A_39 = tpu.memref_slice %arg3[%add3A, %dma_wait3A_38] : memref<32x512xi32, #tpu.memory_space<hbm>> -> memref<1x512xi32, #tpu.memory_space<hbm>>
      %dma_wait3A_40 = tpu.memref_squeeze %dma_wait3A_39 : memref<1x512xi32, #tpu.memory_space<hbm>> -> memref<512xi32, #tpu.memory_space<hbm>>
      tpu.wait_dma2 semaphore(%run_scoped3A : memref<!tpu.dma_semaphore, #tpu.memory_space<semaphore_mem>>) src(%dma_wait3A_40 : memref<512xi32, #tpu.memory_space<hbm>>) dst(%arg8 : memref<512xi32, #tpu.memory_space<vmem>>)
      tpu.yield
    }) : () -> ()
    %scan3A_24 = arith.constant 0 : i32
    %scan3A_25 = arith.constant 0 : i32
    %scan3A_26 = arith.constant 32 : i32
    %scan3A_27 = arith.addi %scan3A_25, %scan3A_26 : i32
    %scan3A_28 = arith.constant 1 : i32
    %scan3A_29 = scf.for %scan3A_31 = %scan3A_25 to %scan3A_27 step %scan3A_28 iter_args(%scan3A_32 = %scan3A_24) -> (i32)  : i32 {
      %mul3A_33 = arith.constant 16 : i32
      %mul3A_34 = arith.muli %scan3A_31, %mul3A_33 : i32
      %get3A = arith.index_cast %mul3A_34 : i32 to index
      %get3A_35 = tpu.vector_load %arg8[%get3A] {strides = array<i32>} : memref<512xi32, #tpu.memory_space<vmem>>, vector<16xi32>,
      tpu.vector_store_idx %arg9[%get3A_35], %broadcast_in_dim3A_1 {add = true} : memref<1024xf32, #tpu.memory_space<vmem>>[vector<16xi32>], vector<16xf32>,
      %scan3A_36 = arith.constant 0 : i32
      scf.yield %scan3A_36 : i32
    }
    %scan3A_30 = arith.constant 32 : i32
    "tpu.region"() ({
      %run_scoped3A = tpu.sem_alloc : memref<!tpu.dma_semaphore, #tpu.memory_space<semaphore_mem>>
      %dma_start3A = arith.constant 0 : i32
      %dma_start3A_31 = tpu.memref_slice %arg5[%add3A, %dma_start3A] : memref<32x1024xf32, #tpu.memory_space<hbm>> -> memref<1x1024xf32, #tpu.memory_space<hbm>>
      %dma_start3A_32 = tpu.memref_squeeze %dma_start3A_31 : memref<1x1024xf32, #tpu.memory_space<hbm>> -> memref<1024xf32, #tpu.memory_space<hbm>>
      %dma_start3A_33 = arith.constant 0 : i32
      %dma_start3A_34 = tpu.memref_slice %arg5[%add3A, %dma_start3A_33] : memref<32x1024xf32, #tpu.memory_space<hbm>> -> memref<1x1024xf32, #tpu.memory_space<hbm>>
      %dma_start3A_35 = tpu.memref_squeeze %dma_start3A_34 : memref<1x1024xf32, #tpu.memory_space<hbm>> -> memref<1024xf32, #tpu.memory_space<hbm>>
      tpu.enqueue_dma source(%arg9 : memref<1024xf32, #tpu.memory_space<vmem>>) target(%dma_start3A_35 : memref<1024xf32, #tpu.memory_space<hbm>>) target_semaphore(%run_scoped3A : memref<!tpu.dma_semaphore, #tpu.memory_space<semaphore_mem>>)
      %dma_wait3A = arith.constant 0 : i32
      %dma_wait3A_36 = tpu.memref_slice %arg5[%add3A, %dma_wait3A] : memref<32x1024xf32, #tpu.memory_space<hbm>> -> memref<1x1024xf32, #tpu.memory_space<hbm>>
      %dma_wait3A_37 = tpu.memref_squeeze %dma_wait3A_36 : memref<1x1024xf32, #tpu.memory_space<hbm>> -> memref<1024xf32, #tpu.memory_space<hbm>>
      %dma_wait3A_38 = arith.constant 0 : i32
      %dma_wait3A_39 = tpu.memref_slice %arg5[%add3A, %dma_wait3A_38] : memref<32x1024xf32, #tpu.memory_space<hbm>> -> memref<1x1024xf32, #tpu.memory_space<hbm>>
      %dma_wait3A_40 = tpu.memref_squeeze %dma_wait3A_39 : memref<1x1024xf32, #tpu.memory_space<hbm>> -> memref<1024xf32, #tpu.memory_space<hbm>>
      tpu.wait_dma2 semaphore(%run_scoped3A : memref<!tpu.dma_semaphore, #tpu.memory_space<semaphore_mem>>) src(%arg9 : memref<1024xf32, #tpu.memory_space<vmem>>) dst(%dma_wait3A_40 : memref<1024xf32, #tpu.memory_space<hbm>>)
      tpu.yield
    }) : () -> ()
    return
  }
}

#map = affine_map<(d0, d1) -> (0, 0)>
#map1 = affine_map<(d0, d1) -> (0, 0, 0)>
module attributes {stable_mosaic.version = 14 : i64} {
  func.func @_sc_agg128(%arg0: i32, %arg1: i32, %arg2: memref<10000x128xf32, #tpu.memory_space<hbm>>, %arg3: memref<32x125x80xi32, #tpu.memory_space<hbm>>, %arg4: memref<32x125x80xi32, #tpu.memory_space<hbm>>, %arg5: memref<632x128xf32, #tpu.memory_space<hbm>>, %arg6: memref<2x10112x128xf32, #tpu.memory_space<hbm>>, %arg7: memref<125x80xi32, #tpu.memory_space<vmem>>, %arg8: memref<125x80xi32, #tpu.memory_space<vmem>>, %arg9: memref<80x128xf32, #tpu.memory_space<vmem>>, %arg10: memref<10112x128xf32, #tpu.memory_space<vmem_shared>>, %arg11: memref<!tpu.dma_semaphore, #tpu.memory_space<semaphore_mem>>) attributes {dimension_semantics = [#tpu.dimension_semantics<core_parallel>, #tpu.dimension_semantics<subcore_parallel>], iteration_bounds = array<i64: 2, 16>, scalar_prefetch = 0 : i64, scratch_operands = 5 : i64, tpu.core_type = #tpu.core_type<sc_vector_subcore>, window_params = [{transform_indices = #map}, {transform_indices = #map1}, {transform_indices = #map1}, {transform_indices = #map}, {transform_indices = #map1}]} {
    %mul3A = arith.constant 16 : i32
    %mul3A_0 = arith.muli %arg0, %mul3A : i32
    %add3A = arith.addi %mul3A_0, %arg1 : i32
    %mul3A_1 = arith.constant 632 : i32
    %mul3A_2 = arith.muli %arg1, %mul3A_1 : i32
    "tpu.region"() ({
      %run_scoped3A = tpu.sem_alloc : memref<!tpu.dma_semaphore, #tpu.memory_space<semaphore_mem>>
      %dma_start3A = arith.constant 0 : i32
      %dma_start3A_10 = arith.constant 0 : i32
      %dma_start3A_11 = tpu.memref_slice %arg3[%add3A, %dma_start3A, %dma_start3A_10] : memref<32x125x80xi32, #tpu.memory_space<hbm>> -> memref<1x125x80xi32, #tpu.memory_space<hbm>>
      %dma_start3A_12 = tpu.memref_squeeze %dma_start3A_11 : memref<1x125x80xi32, #tpu.memory_space<hbm>> -> memref<125x80xi32, #tpu.memory_space<hbm>>
      %dma_start3A_13 = arith.constant 0 : i32
      %dma_start3A_14 = arith.constant 0 : i32
      %dma_start3A_15 = tpu.memref_slice %arg3[%add3A, %dma_start3A_13, %dma_start3A_14] : memref<32x125x80xi32, #tpu.memory_space<hbm>> -> memref<1x125x80xi32, #tpu.memory_space<hbm>>
      %dma_start3A_16 = tpu.memref_squeeze %dma_start3A_15 : memref<1x125x80xi32, #tpu.memory_space<hbm>> -> memref<125x80xi32, #tpu.memory_space<hbm>>
      tpu.enqueue_dma source(%dma_start3A_16 : memref<125x80xi32, #tpu.memory_space<hbm>>) target(%arg7 : memref<125x80xi32, #tpu.memory_space<vmem>>) target_semaphore(%run_scoped3A : memref<!tpu.dma_semaphore, #tpu.memory_space<semaphore_mem>>)
      %dma_wait3A = arith.constant 0 : i32
      %dma_wait3A_17 = arith.constant 0 : i32
      %dma_wait3A_18 = tpu.memref_slice %arg3[%add3A, %dma_wait3A, %dma_wait3A_17] : memref<32x125x80xi32, #tpu.memory_space<hbm>> -> memref<1x125x80xi32, #tpu.memory_space<hbm>>
      %dma_wait3A_19 = tpu.memref_squeeze %dma_wait3A_18 : memref<1x125x80xi32, #tpu.memory_space<hbm>> -> memref<125x80xi32, #tpu.memory_space<hbm>>
      %dma_wait3A_20 = arith.constant 0 : i32
      %dma_wait3A_21 = arith.constant 0 : i32
      %dma_wait3A_22 = tpu.memref_slice %arg3[%add3A, %dma_wait3A_20, %dma_wait3A_21] : memref<32x125x80xi32, #tpu.memory_space<hbm>> -> memref<1x125x80xi32, #tpu.memory_space<hbm>>
      %dma_wait3A_23 = tpu.memref_squeeze %dma_wait3A_22 : memref<1x125x80xi32, #tpu.memory_space<hbm>> -> memref<125x80xi32, #tpu.memory_space<hbm>>
      tpu.wait_dma2 semaphore(%run_scoped3A : memref<!tpu.dma_semaphore, #tpu.memory_space<semaphore_mem>>) src(%dma_wait3A_23 : memref<125x80xi32, #tpu.memory_space<hbm>>) dst(%arg7 : memref<125x80xi32, #tpu.memory_space<vmem>>)
      tpu.yield
    }) : () -> ()
    "tpu.region"() ({
      %run_scoped3A = tpu.sem_alloc : memref<!tpu.dma_semaphore, #tpu.memory_space<semaphore_mem>>
      %dma_start3A = arith.constant 0 : i32
      %dma_start3A_10 = arith.constant 0 : i32
      %dma_start3A_11 = tpu.memref_slice %arg4[%add3A, %dma_start3A, %dma_start3A_10] : memref<32x125x80xi32, #tpu.memory_space<hbm>> -> memref<1x125x80xi32, #tpu.memory_space<hbm>>
      %dma_start3A_12 = tpu.memref_squeeze %dma_start3A_11 : memref<1x125x80xi32, #tpu.memory_space<hbm>> -> memref<125x80xi32, #tpu.memory_space<hbm>>
      %dma_start3A_13 = arith.constant 0 : i32
      %dma_start3A_14 = arith.constant 0 : i32
      %dma_start3A_15 = tpu.memref_slice %arg4[%add3A, %dma_start3A_13, %dma_start3A_14] : memref<32x125x80xi32, #tpu.memory_space<hbm>> -> memref<1x125x80xi32, #tpu.memory_space<hbm>>
      %dma_start3A_16 = tpu.memref_squeeze %dma_start3A_15 : memref<1x125x80xi32, #tpu.memory_space<hbm>> -> memref<125x80xi32, #tpu.memory_space<hbm>>
      tpu.enqueue_dma source(%dma_start3A_16 : memref<125x80xi32, #tpu.memory_space<hbm>>) target(%arg8 : memref<125x80xi32, #tpu.memory_space<vmem>>) target_semaphore(%run_scoped3A : memref<!tpu.dma_semaphore, #tpu.memory_space<semaphore_mem>>)
      %dma_wait3A = arith.constant 0 : i32
      %dma_wait3A_17 = arith.constant 0 : i32
      %dma_wait3A_18 = tpu.memref_slice %arg4[%add3A, %dma_wait3A, %dma_wait3A_17] : memref<32x125x80xi32, #tpu.memory_space<hbm>> -> memref<1x125x80xi32, #tpu.memory_space<hbm>>
      %dma_wait3A_19 = tpu.memref_squeeze %dma_wait3A_18 : memref<1x125x80xi32, #tpu.memory_space<hbm>> -> memref<125x80xi32, #tpu.memory_space<hbm>>
      %dma_wait3A_20 = arith.constant 0 : i32
      %dma_wait3A_21 = arith.constant 0 : i32
      %dma_wait3A_22 = tpu.memref_slice %arg4[%add3A, %dma_wait3A_20, %dma_wait3A_21] : memref<32x125x80xi32, #tpu.memory_space<hbm>> -> memref<1x125x80xi32, #tpu.memory_space<hbm>>
      %dma_wait3A_23 = tpu.memref_squeeze %dma_wait3A_22 : memref<1x125x80xi32, #tpu.memory_space<hbm>> -> memref<125x80xi32, #tpu.memory_space<hbm>>
      tpu.wait_dma2 semaphore(%run_scoped3A : memref<!tpu.dma_semaphore, #tpu.memory_space<semaphore_mem>>) src(%dma_wait3A_23 : memref<125x80xi32, #tpu.memory_space<hbm>>) dst(%arg8 : memref<125x80xi32, #tpu.memory_space<vmem>>)
      tpu.yield
    }) : () -> ()
    "tpu.region"() ({
      %run_scoped3A = tpu.sem_alloc : memref<!tpu.dma_semaphore, #tpu.memory_space<semaphore_mem>>
      %dma_start3A = arith.constant 0 : i32
      %dma_start3A_10 = tpu.memref_slice %arg10[%mul3A_2, %dma_start3A] : memref<10112x128xf32, #tpu.memory_space<vmem_shared>> -> memref<632x128xf32, #tpu.memory_space<vmem_shared>>
      tpu.enqueue_dma source(%arg5 : memref<632x128xf32, #tpu.memory_space<hbm>>) target(%dma_start3A_10 : memref<632x128xf32, #tpu.memory_space<vmem_shared>>) target_semaphore(%run_scoped3A : memref<!tpu.dma_semaphore, #tpu.memory_space<semaphore_mem>>)
      %dma_wait3A = arith.constant 0 : i32
      %dma_wait3A_11 = tpu.memref_slice %arg10[%mul3A_2, %dma_wait3A] : memref<10112x128xf32, #tpu.memory_space<vmem_shared>> -> memref<632x128xf32, #tpu.memory_space<vmem_shared>>
      tpu.wait_dma2 semaphore(%run_scoped3A : memref<!tpu.dma_semaphore, #tpu.memory_space<semaphore_mem>>) src(%arg5 : memref<632x128xf32, #tpu.memory_space<hbm>>) dst(%dma_wait3A_11 : memref<632x128xf32, #tpu.memory_space<vmem_shared>>)
      tpu.yield
    }) : () -> ()
    %barrier3A = arith.constant 0 : index
    tpu.barrier barrier_id(%barrier3A)
    %scan3A = arith.constant 0 : i32
    %scan3A_3 = arith.constant 0 : i32
    %scan3A_4 = arith.constant 125 : i32
    %scan3A_5 = arith.addi %scan3A_3, %scan3A_4 : i32
    %scan3A_6 = arith.constant 1 : i32
    %scan3A_7 = scf.for %scan3A_10 = %scan3A_3 to %scan3A_5 step %scan3A_6 iter_args(%scan3A_11 = %scan3A) -> (i32)  : i32 {
      %dma_start3A = arith.constant 0 : i32
      %dma_start3A_12 = tpu.memref_slice %arg7[%scan3A_10, %dma_start3A] : memref<125x80xi32, #tpu.memory_space<vmem>> -> memref<1x80xi32, #tpu.memory_space<vmem>>
      %dma_start3A_13 = tpu.memref_squeeze %dma_start3A_12 : memref<1x80xi32, #tpu.memory_space<vmem>> -> memref<80xi32, #tpu.memory_space<vmem>>
      %dma_start3A_14 = arith.constant 0 : i32
      %dma_start3A_15 = arith.constant 0 : i32
      %dma_start3A_16 = tpu.memref_slice %arg2[%dma_start3A_14, %dma_start3A_15] : memref<10000x128xf32, #tpu.memory_space<hbm>> -> memref<10000x128xf32, #tpu.memory_space<hbm>>
      tpu.enqueue_indirect_dma source(%dma_start3A_16 : memref<10000x128xf32, #tpu.memory_space<hbm>>) target(%arg9 : memref<80x128xf32, #tpu.memory_space<vmem>>) offsets(%dma_start3A_13 : memref<80xi32, #tpu.memory_space<vmem>>) semaphore(%arg11 : memref<!tpu.dma_semaphore, #tpu.memory_space<semaphore_mem>>)
      %dma_wait3A = arith.constant 0 : i32
      %dma_wait3A_17 = tpu.memref_slice %arg7[%scan3A_10, %dma_wait3A] : memref<125x80xi32, #tpu.memory_space<vmem>> -> memref<1x80xi32, #tpu.memory_space<vmem>>
      %dma_wait3A_18 = tpu.memref_squeeze %dma_wait3A_17 : memref<1x80xi32, #tpu.memory_space<vmem>> -> memref<80xi32, #tpu.memory_space<vmem>>
      %dma_wait3A_19 = arith.constant 0 : i32
      %dma_wait3A_20 = arith.constant 0 : i32
      %dma_wait3A_21 = tpu.memref_slice %arg2[%dma_wait3A_19, %dma_wait3A_20] : memref<10000x128xf32, #tpu.memory_space<hbm>> -> memref<10000x128xf32, #tpu.memory_space<hbm>>
      tpu.wait_indirect_dma semaphore(%arg11 : memref<!tpu.dma_semaphore, #tpu.memory_space<semaphore_mem>>) src(%dma_wait3A_21 : memref<10000x128xf32, #tpu.memory_space<hbm>>) dst(%arg9 : memref<80x128xf32, #tpu.memory_space<vmem>>)
      "tpu.region"() ({
        %run_scoped3A = tpu.sem_alloc : memref<!tpu.dma_semaphore, #tpu.memory_space<semaphore_mem>>
        %dma_start3A_23 = arith.constant 0 : i32
        %dma_start3A_24 = tpu.memref_slice %arg8[%scan3A_10, %dma_start3A_23] : memref<125x80xi32, #tpu.memory_space<vmem>> -> memref<1x80xi32, #tpu.memory_space<vmem>>
        %dma_start3A_25 = tpu.memref_squeeze %dma_start3A_24 : memref<1x80xi32, #tpu.memory_space<vmem>> -> memref<80xi32, #tpu.memory_space<vmem>>
        %dma_start3A_26 = arith.constant 0 : i32
        %dma_start3A_27 = arith.constant 0 : i32
        %dma_start3A_28 = tpu.memref_slice %arg10[%dma_start3A_26, %dma_start3A_27] : memref<10112x128xf32, #tpu.memory_space<vmem_shared>> -> memref<10112x128xf32, #tpu.memory_space<vmem_shared>>
        tpu.enqueue_indirect_dma source(%arg9 : memref<80x128xf32, #tpu.memory_space<vmem>>) target(%dma_start3A_28 : memref<10112x128xf32, #tpu.memory_space<vmem_shared>>) offsets(%dma_start3A_25 : memref<80xi32, #tpu.memory_space<vmem>>) semaphore(%run_scoped3A : memref<!tpu.dma_semaphore, #tpu.memory_space<semaphore_mem>>) {add = true}
        %dma_wait3A_29 = arith.constant 0 : i32
        %dma_wait3A_30 = tpu.memref_slice %arg8[%scan3A_10, %dma_wait3A_29] : memref<125x80xi32, #tpu.memory_space<vmem>> -> memref<1x80xi32, #tpu.memory_space<vmem>>
        %dma_wait3A_31 = tpu.memref_squeeze %dma_wait3A_30 : memref<1x80xi32, #tpu.memory_space<vmem>> -> memref<80xi32, #tpu.memory_space<vmem>>
        %dma_wait3A_32 = arith.constant 0 : i32
        %dma_wait3A_33 = arith.constant 0 : i32
        %dma_wait3A_34 = tpu.memref_slice %arg10[%dma_wait3A_32, %dma_wait3A_33] : memref<10112x128xf32, #tpu.memory_space<vmem_shared>> -> memref<10112x128xf32, #tpu.memory_space<vmem_shared>>
        tpu.wait_indirect_dma semaphore(%run_scoped3A : memref<!tpu.dma_semaphore, #tpu.memory_space<semaphore_mem>>) src(%arg9 : memref<80x128xf32, #tpu.memory_space<vmem>>) dst(%dma_wait3A_34 : memref<10112x128xf32, #tpu.memory_space<vmem_shared>>)
        tpu.yield
      }) : () -> ()
      %scan3A_22 = arith.constant 0 : i32
      scf.yield %scan3A_22 : i32
    }
    %scan3A_8 = arith.constant 125 : i32
    %barrier3A_9 = arith.constant 0 : index
    tpu.barrier barrier_id(%barrier3A_9)
    "tpu.region"() ({
      %run_scoped3A = tpu.sem_alloc : memref<!tpu.dma_semaphore, #tpu.memory_space<semaphore_mem>>
      %dma_start3A = arith.constant 0 : i32
      %dma_start3A_10 = arith.constant 0 : i32
      %dma_start3A_11 = tpu.memref_slice %arg6[%arg0, %dma_start3A, %dma_start3A_10] : memref<2x10112x128xf32, #tpu.memory_space<hbm>> -> memref<1x10112x128xf32, #tpu.memory_space<hbm>>
      %dma_start3A_12 = tpu.memref_squeeze %dma_start3A_11 : memref<1x10112x128xf32, #tpu.memory_space<hbm>> -> memref<10112x128xf32, #tpu.memory_space<hbm>>
      %dma_start3A_13 = arith.constant 0 : i32
      %dma_start3A_14 = tpu.memref_slice %dma_start3A_12[%mul3A_2, %dma_start3A_13] : memref<10112x128xf32, #tpu.memory_space<hbm>> -> memref<632x128xf32, #tpu.memory_space<hbm>>
      %dma_start3A_15 = arith.constant 0 : i32
      %dma_start3A_16 = tpu.memref_slice %arg10[%mul3A_2, %dma_start3A_15] : memref<10112x128xf32, #tpu.memory_space<vmem_shared>> -> memref<632x128xf32, #tpu.memory_space<vmem_shared>>
      tpu.enqueue_dma source(%dma_start3A_16 : memref<632x128xf32, #tpu.memory_space<vmem_shared>>) target(%dma_start3A_14 : memref<632x128xf32, #tpu.memory_space<hbm>>) target_semaphore(%run_scoped3A : memref<!tpu.dma_semaphore, #tpu.memory_space<semaphore_mem>>)
      %dma_wait3A = arith.constant 0 : i32
      %dma_wait3A_17 = arith.constant 0 : i32
      %dma_wait3A_18 = tpu.memref_slice %arg6[%arg0, %dma_wait3A, %dma_wait3A_17] : memref<2x10112x128xf32, #tpu.memory_space<hbm>> -> memref<1x10112x128xf32, #tpu.memory_space<hbm>>
      %dma_wait3A_19 = tpu.memref_squeeze %dma_wait3A_18 : memref<1x10112x128xf32, #tpu.memory_space<hbm>> -> memref<10112x128xf32, #tpu.memory_space<hbm>>
      %dma_wait3A_20 = arith.constant 0 : i32
      %dma_wait3A_21 = tpu.memref_slice %dma_wait3A_19[%mul3A_2, %dma_wait3A_20] : memref<10112x128xf32, #tpu.memory_space<hbm>> -> memref<632x128xf32, #tpu.memory_space<hbm>>
      %dma_wait3A_22 = arith.constant 0 : i32
      %dma_wait3A_23 = tpu.memref_slice %arg10[%mul3A_2, %dma_wait3A_22] : memref<10112x128xf32, #tpu.memory_space<vmem_shared>> -> memref<632x128xf32, #tpu.memory_space<vmem_shared>>
      tpu.wait_dma2 semaphore(%run_scoped3A : memref<!tpu.dma_semaphore, #tpu.memory_space<semaphore_mem>>) src(%dma_wait3A_23 : memref<632x128xf32, #tpu.memory_space<vmem_shared>>) dst(%dma_wait3A_21 : memref<632x128xf32, #tpu.memory_space<hbm>>)
      tpu.yield
    }) : () -> ()
    return
  }
}

#map = affine_map<(d0, d1) -> (0, 0)>
#map1 = affine_map<(d0, d1) -> (0, 0, 0)>
module attributes {stable_mosaic.version = 14 : i64} {
  func.func @_sc_agg128(%arg0: i32, %arg1: i32, %arg2: memref<10000x128xf32, #tpu.memory_space<hbm>>, %arg3: memref<32x125x80xi32, #tpu.memory_space<hbm>>, %arg4: memref<32x125x80xi32, #tpu.memory_space<hbm>>, %arg5: memref<632x128xf32, #tpu.memory_space<hbm>>, %arg6: memref<2x10112x128xf32, #tpu.memory_space<hbm>>, %arg7: memref<125x80xi32, #tpu.memory_space<vmem>>, %arg8: memref<125x80xi32, #tpu.memory_space<vmem>>, %arg9: memref<80x128xf32, #tpu.memory_space<vmem>>, %arg10: memref<10112x128xf32, #tpu.memory_space<vmem_shared>>, %arg11: memref<!tpu.dma_semaphore, #tpu.memory_space<semaphore_mem>>) attributes {dimension_semantics = [#tpu.dimension_semantics<core_parallel>, #tpu.dimension_semantics<subcore_parallel>], iteration_bounds = array<i64: 2, 16>, scalar_prefetch = 0 : i64, scratch_operands = 5 : i64, tpu.core_type = #tpu.core_type<sc_vector_subcore>, window_params = [{transform_indices = #map}, {transform_indices = #map1}, {transform_indices = #map1}, {transform_indices = #map}, {transform_indices = #map1}]} {
    %mul3A = arith.constant 16 : i32
    %mul3A_0 = arith.muli %arg0, %mul3A : i32
    %add3A = arith.addi %mul3A_0, %arg1 : i32
    %mul3A_1 = arith.constant 632 : i32
    %mul3A_2 = arith.muli %arg1, %mul3A_1 : i32
    "tpu.region"() ({
      %run_scoped3A = tpu.sem_alloc : memref<!tpu.dma_semaphore, #tpu.memory_space<semaphore_mem>>
      %dma_start3A = arith.constant 0 : i32
      %dma_start3A_10 = arith.constant 0 : i32
      %dma_start3A_11 = tpu.memref_slice %arg3[%add3A, %dma_start3A, %dma_start3A_10] : memref<32x125x80xi32, #tpu.memory_space<hbm>> -> memref<1x125x80xi32, #tpu.memory_space<hbm>>
      %dma_start3A_12 = tpu.memref_squeeze %dma_start3A_11 : memref<1x125x80xi32, #tpu.memory_space<hbm>> -> memref<125x80xi32, #tpu.memory_space<hbm>>
      %dma_start3A_13 = arith.constant 0 : i32
      %dma_start3A_14 = arith.constant 0 : i32
      %dma_start3A_15 = tpu.memref_slice %arg3[%add3A, %dma_start3A_13, %dma_start3A_14] : memref<32x125x80xi32, #tpu.memory_space<hbm>> -> memref<1x125x80xi32, #tpu.memory_space<hbm>>
      %dma_start3A_16 = tpu.memref_squeeze %dma_start3A_15 : memref<1x125x80xi32, #tpu.memory_space<hbm>> -> memref<125x80xi32, #tpu.memory_space<hbm>>
      tpu.enqueue_dma source(%dma_start3A_16 : memref<125x80xi32, #tpu.memory_space<hbm>>) target(%arg7 : memref<125x80xi32, #tpu.memory_space<vmem>>) target_semaphore(%run_scoped3A : memref<!tpu.dma_semaphore, #tpu.memory_space<semaphore_mem>>)
      %dma_wait3A = arith.constant 0 : i32
      %dma_wait3A_17 = arith.constant 0 : i32
      %dma_wait3A_18 = tpu.memref_slice %arg3[%add3A, %dma_wait3A, %dma_wait3A_17] : memref<32x125x80xi32, #tpu.memory_space<hbm>> -> memref<1x125x80xi32, #tpu.memory_space<hbm>>
      %dma_wait3A_19 = tpu.memref_squeeze %dma_wait3A_18 : memref<1x125x80xi32, #tpu.memory_space<hbm>> -> memref<125x80xi32, #tpu.memory_space<hbm>>
      %dma_wait3A_20 = arith.constant 0 : i32
      %dma_wait3A_21 = arith.constant 0 : i32
      %dma_wait3A_22 = tpu.memref_slice %arg3[%add3A, %dma_wait3A_20, %dma_wait3A_21] : memref<32x125x80xi32, #tpu.memory_space<hbm>> -> memref<1x125x80xi32, #tpu.memory_space<hbm>>
      %dma_wait3A_23 = tpu.memref_squeeze %dma_wait3A_22 : memref<1x125x80xi32, #tpu.memory_space<hbm>> -> memref<125x80xi32, #tpu.memory_space<hbm>>
      tpu.wait_dma2 semaphore(%run_scoped3A : memref<!tpu.dma_semaphore, #tpu.memory_space<semaphore_mem>>) src(%dma_wait3A_23 : memref<125x80xi32, #tpu.memory_space<hbm>>) dst(%arg7 : memref<125x80xi32, #tpu.memory_space<vmem>>)
      tpu.yield
    }) : () -> ()
    "tpu.region"() ({
      %run_scoped3A = tpu.sem_alloc : memref<!tpu.dma_semaphore, #tpu.memory_space<semaphore_mem>>
      %dma_start3A = arith.constant 0 : i32
      %dma_start3A_10 = arith.constant 0 : i32
      %dma_start3A_11 = tpu.memref_slice %arg4[%add3A, %dma_start3A, %dma_start3A_10] : memref<32x125x80xi32, #tpu.memory_space<hbm>> -> memref<1x125x80xi32, #tpu.memory_space<hbm>>
      %dma_start3A_12 = tpu.memref_squeeze %dma_start3A_11 : memref<1x125x80xi32, #tpu.memory_space<hbm>> -> memref<125x80xi32, #tpu.memory_space<hbm>>
      %dma_start3A_13 = arith.constant 0 : i32
      %dma_start3A_14 = arith.constant 0 : i32
      %dma_start3A_15 = tpu.memref_slice %arg4[%add3A, %dma_start3A_13, %dma_start3A_14] : memref<32x125x80xi32, #tpu.memory_space<hbm>> -> memref<1x125x80xi32, #tpu.memory_space<hbm>>
      %dma_start3A_16 = tpu.memref_squeeze %dma_start3A_15 : memref<1x125x80xi32, #tpu.memory_space<hbm>> -> memref<125x80xi32, #tpu.memory_space<hbm>>
      tpu.enqueue_dma source(%dma_start3A_16 : memref<125x80xi32, #tpu.memory_space<hbm>>) target(%arg8 : memref<125x80xi32, #tpu.memory_space<vmem>>) target_semaphore(%run_scoped3A : memref<!tpu.dma_semaphore, #tpu.memory_space<semaphore_mem>>)
      %dma_wait3A = arith.constant 0 : i32
      %dma_wait3A_17 = arith.constant 0 : i32
      %dma_wait3A_18 = tpu.memref_slice %arg4[%add3A, %dma_wait3A, %dma_wait3A_17] : memref<32x125x80xi32, #tpu.memory_space<hbm>> -> memref<1x125x80xi32, #tpu.memory_space<hbm>>
      %dma_wait3A_19 = tpu.memref_squeeze %dma_wait3A_18 : memref<1x125x80xi32, #tpu.memory_space<hbm>> -> memref<125x80xi32, #tpu.memory_space<hbm>>
      %dma_wait3A_20 = arith.constant 0 : i32
      %dma_wait3A_21 = arith.constant 0 : i32
      %dma_wait3A_22 = tpu.memref_slice %arg4[%add3A, %dma_wait3A_20, %dma_wait3A_21] : memref<32x125x80xi32, #tpu.memory_space<hbm>> -> memref<1x125x80xi32, #tpu.memory_space<hbm>>
      %dma_wait3A_23 = tpu.memref_squeeze %dma_wait3A_22 : memref<1x125x80xi32, #tpu.memory_space<hbm>> -> memref<125x80xi32, #tpu.memory_space<hbm>>
      tpu.wait_dma2 semaphore(%run_scoped3A : memref<!tpu.dma_semaphore, #tpu.memory_space<semaphore_mem>>) src(%dma_wait3A_23 : memref<125x80xi32, #tpu.memory_space<hbm>>) dst(%arg8 : memref<125x80xi32, #tpu.memory_space<vmem>>)
      tpu.yield
    }) : () -> ()
    "tpu.region"() ({
      %run_scoped3A = tpu.sem_alloc : memref<!tpu.dma_semaphore, #tpu.memory_space<semaphore_mem>>
      %dma_start3A = arith.constant 0 : i32
      %dma_start3A_10 = tpu.memref_slice %arg10[%mul3A_2, %dma_start3A] : memref<10112x128xf32, #tpu.memory_space<vmem_shared>> -> memref<632x128xf32, #tpu.memory_space<vmem_shared>>
      tpu.enqueue_dma source(%arg5 : memref<632x128xf32, #tpu.memory_space<hbm>>) target(%dma_start3A_10 : memref<632x128xf32, #tpu.memory_space<vmem_shared>>) target_semaphore(%run_scoped3A : memref<!tpu.dma_semaphore, #tpu.memory_space<semaphore_mem>>)
      %dma_wait3A = arith.constant 0 : i32
      %dma_wait3A_11 = tpu.memref_slice %arg10[%mul3A_2, %dma_wait3A] : memref<10112x128xf32, #tpu.memory_space<vmem_shared>> -> memref<632x128xf32, #tpu.memory_space<vmem_shared>>
      tpu.wait_dma2 semaphore(%run_scoped3A : memref<!tpu.dma_semaphore, #tpu.memory_space<semaphore_mem>>) src(%arg5 : memref<632x128xf32, #tpu.memory_space<hbm>>) dst(%dma_wait3A_11 : memref<632x128xf32, #tpu.memory_space<vmem_shared>>)
      tpu.yield
    }) : () -> ()
    %barrier3A = arith.constant 0 : index
    tpu.barrier barrier_id(%barrier3A)
    %scan3A = arith.constant 0 : i32
    %scan3A_3 = arith.constant 0 : i32
    %scan3A_4 = arith.constant 125 : i32
    %scan3A_5 = arith.addi %scan3A_3, %scan3A_4 : i32
    %scan3A_6 = arith.constant 1 : i32
    %scan3A_7 = scf.for %scan3A_10 = %scan3A_3 to %scan3A_5 step %scan3A_6 iter_args(%scan3A_11 = %scan3A) -> (i32)  : i32 {
      %dma_start3A = arith.constant 0 : i32
      %dma_start3A_12 = tpu.memref_slice %arg7[%scan3A_10, %dma_start3A] : memref<125x80xi32, #tpu.memory_space<vmem>> -> memref<1x80xi32, #tpu.memory_space<vmem>>
      %dma_start3A_13 = tpu.memref_squeeze %dma_start3A_12 : memref<1x80xi32, #tpu.memory_space<vmem>> -> memref<80xi32, #tpu.memory_space<vmem>>
      %dma_start3A_14 = arith.constant 0 : i32
      %dma_start3A_15 = arith.constant 0 : i32
      %dma_start3A_16 = tpu.memref_slice %arg2[%dma_start3A_14, %dma_start3A_15] : memref<10000x128xf32, #tpu.memory_space<hbm>> -> memref<10000x128xf32, #tpu.memory_space<hbm>>
      tpu.enqueue_indirect_dma source(%dma_start3A_16 : memref<10000x128xf32, #tpu.memory_space<hbm>>) target(%arg9 : memref<80x128xf32, #tpu.memory_space<vmem>>) offsets(%dma_start3A_13 : memref<80xi32, #tpu.memory_space<vmem>>) semaphore(%arg11 : memref<!tpu.dma_semaphore, #tpu.memory_space<semaphore_mem>>)
      %dma_wait3A = arith.constant 0 : i32
      %dma_wait3A_17 = tpu.memref_slice %arg7[%scan3A_10, %dma_wait3A] : memref<125x80xi32, #tpu.memory_space<vmem>> -> memref<1x80xi32, #tpu.memory_space<vmem>>
      %dma_wait3A_18 = tpu.memref_squeeze %dma_wait3A_17 : memref<1x80xi32, #tpu.memory_space<vmem>> -> memref<80xi32, #tpu.memory_space<vmem>>
      %dma_wait3A_19 = arith.constant 0 : i32
      %dma_wait3A_20 = arith.constant 0 : i32
      %dma_wait3A_21 = tpu.memref_slice %arg2[%dma_wait3A_19, %dma_wait3A_20] : memref<10000x128xf32, #tpu.memory_space<hbm>> -> memref<10000x128xf32, #tpu.memory_space<hbm>>
      tpu.wait_indirect_dma semaphore(%arg11 : memref<!tpu.dma_semaphore, #tpu.memory_space<semaphore_mem>>) src(%dma_wait3A_21 : memref<10000x128xf32, #tpu.memory_space<hbm>>) dst(%arg9 : memref<80x128xf32, #tpu.memory_space<vmem>>)
      "tpu.region"() ({
        %run_scoped3A = tpu.sem_alloc : memref<!tpu.dma_semaphore, #tpu.memory_space<semaphore_mem>>
        %dma_start3A_23 = arith.constant 0 : i32
        %dma_start3A_24 = tpu.memref_slice %arg8[%scan3A_10, %dma_start3A_23] : memref<125x80xi32, #tpu.memory_space<vmem>> -> memref<1x80xi32, #tpu.memory_space<vmem>>
        %dma_start3A_25 = tpu.memref_squeeze %dma_start3A_24 : memref<1x80xi32, #tpu.memory_space<vmem>> -> memref<80xi32, #tpu.memory_space<vmem>>
        %dma_start3A_26 = arith.constant 0 : i32
        %dma_start3A_27 = arith.constant 0 : i32
        %dma_start3A_28 = tpu.memref_slice %arg10[%dma_start3A_26, %dma_start3A_27] : memref<10112x128xf32, #tpu.memory_space<vmem_shared>> -> memref<10112x128xf32, #tpu.memory_space<vmem_shared>>
        tpu.enqueue_indirect_dma source(%arg9 : memref<80x128xf32, #tpu.memory_space<vmem>>) target(%dma_start3A_28 : memref<10112x128xf32, #tpu.memory_space<vmem_shared>>) offsets(%dma_start3A_25 : memref<80xi32, #tpu.memory_space<vmem>>) semaphore(%run_scoped3A : memref<!tpu.dma_semaphore, #tpu.memory_space<semaphore_mem>>) {add = true}
        %dma_wait3A_29 = arith.constant 0 : i32
        %dma_wait3A_30 = tpu.memref_slice %arg8[%scan3A_10, %dma_wait3A_29] : memref<125x80xi32, #tpu.memory_space<vmem>> -> memref<1x80xi32, #tpu.memory_space<vmem>>
        %dma_wait3A_31 = tpu.memref_squeeze %dma_wait3A_30 : memref<1x80xi32, #tpu.memory_space<vmem>> -> memref<80xi32, #tpu.memory_space<vmem>>
        %dma_wait3A_32 = arith.constant 0 : i32
        %dma_wait3A_33 = arith.constant 0 : i32
        %dma_wait3A_34 = tpu.memref_slice %arg10[%dma_wait3A_32, %dma_wait3A_33] : memref<10112x128xf32, #tpu.memory_space<vmem_shared>> -> memref<10112x128xf32, #tpu.memory_space<vmem_shared>>
        tpu.wait_indirect_dma semaphore(%run_scoped3A : memref<!tpu.dma_semaphore, #tpu.memory_space<semaphore_mem>>) src(%arg9 : memref<80x128xf32, #tpu.memory_space<vmem>>) dst(%dma_wait3A_34 : memref<10112x128xf32, #tpu.memory_space<vmem_shared>>)
        tpu.yield
      }) : () -> ()
      %scan3A_22 = arith.constant 0 : i32
      scf.yield %scan3A_22 : i32
    }
    %scan3A_8 = arith.constant 125 : i32
    %barrier3A_9 = arith.constant 0 : index
    tpu.barrier barrier_id(%barrier3A_9)
    "tpu.region"() ({
      %run_scoped3A = tpu.sem_alloc : memref<!tpu.dma_semaphore, #tpu.memory_space<semaphore_mem>>
      %dma_start3A = arith.constant 0 : i32
      %dma_start3A_10 = arith.constant 0 : i32
      %dma_start3A_11 = tpu.memref_slice %arg6[%arg0, %dma_start3A, %dma_start3A_10] : memref<2x10112x128xf32, #tpu.memory_space<hbm>> -> memref<1x10112x128xf32, #tpu.memory_space<hbm>>
      %dma_start3A_12 = tpu.memref_squeeze %dma_start3A_11 : memref<1x10112x128xf32, #tpu.memory_space<hbm>> -> memref<10112x128xf32, #tpu.memory_space<hbm>>
      %dma_start3A_13 = arith.constant 0 : i32
      %dma_start3A_14 = tpu.memref_slice %dma_start3A_12[%mul3A_2, %dma_start3A_13] : memref<10112x128xf32, #tpu.memory_space<hbm>> -> memref<632x128xf32, #tpu.memory_space<hbm>>
      %dma_start3A_15 = arith.constant 0 : i32
      %dma_start3A_16 = tpu.memref_slice %arg10[%mul3A_2, %dma_start3A_15] : memref<10112x128xf32, #tpu.memory_space<vmem_shared>> -> memref<632x128xf32, #tpu.memory_space<vmem_shared>>
      tpu.enqueue_dma source(%dma_start3A_16 : memref<632x128xf32, #tpu.memory_space<vmem_shared>>) target(%dma_start3A_14 : memref<632x128xf32, #tpu.memory_space<hbm>>) target_semaphore(%run_scoped3A : memref<!tpu.dma_semaphore, #tpu.memory_space<semaphore_mem>>)
      %dma_wait3A = arith.constant 0 : i32
      %dma_wait3A_17 = arith.constant 0 : i32
      %dma_wait3A_18 = tpu.memref_slice %arg6[%arg0, %dma_wait3A, %dma_wait3A_17] : memref<2x10112x128xf32, #tpu.memory_space<hbm>> -> memref<1x10112x128xf32, #tpu.memory_space<hbm>>
      %dma_wait3A_19 = tpu.memref_squeeze %dma_wait3A_18 : memref<1x10112x128xf32, #tpu.memory_space<hbm>> -> memref<10112x128xf32, #tpu.memory_space<hbm>>
      %dma_wait3A_20 = arith.constant 0 : i32
      %dma_wait3A_21 = tpu.memref_slice %dma_wait3A_19[%mul3A_2, %dma_wait3A_20] : memref<10112x128xf32, #tpu.memory_space<hbm>> -> memref<632x128xf32, #tpu.memory_space<hbm>>
      %dma_wait3A_22 = arith.constant 0 : i32
      %dma_wait3A_23 = tpu.memref_slice %arg10[%mul3A_2, %dma_wait3A_22] : memref<10112x128xf32, #tpu.memory_space<vmem_shared>> -> memref<632x128xf32, #tpu.memory_space<vmem_shared>>
      tpu.wait_dma2 semaphore(%run_scoped3A : memref<!tpu.dma_semaphore, #tpu.memory_space<semaphore_mem>>) src(%dma_wait3A_23 : memref<632x128xf32, #tpu.memory_space<vmem_shared>>) dst(%dma_wait3A_21 : memref<632x128xf32, #tpu.memory_space<hbm>>)
      tpu.yield
    }) : () -> ()
    return
  }
}

module attributes {stable_mosaic.version = 14 : i64} {
  func.func @_tc_a_body(%arg0: memref<32x10000xf32, #tpu.memory_space<vmem>>, %arg1: memref<32x1024xf32, #tpu.memory_space<vmem>>, %arg2: memref<1x128xf32, #tpu.memory_space<vmem>>, %arg3: memref<128x256xf32, #tpu.memory_space<vmem>>, %arg4: memref<1x256xf32, #tpu.memory_space<vmem>>, %arg5: memref<1x1xf32, #tpu.memory_space<vmem>>, %arg6: memref<1000x250xf32, #tpu.memory_space<vmem>>, %arg7: memref<128x128xf32, #tpu.memory_space<vmem>>, %arg8: memref<1x10000xf32, #tpu.memory_space<vmem>>, %arg9: memref<1x1024xf32, #tpu.memory_space<vmem>>, %arg10: memref<1000x1xf32, #tpu.memory_space<vmem>>, %arg11: memref<1x128xf32, #tpu.memory_space<vmem>>, %arg12: memref<1x128xf32, #tpu.memory_space<vmem>>) attributes {dimension_semantics = [], scalar_prefetch = 0 : i64, scratch_operands = 0 : i64, tpu.core_type = #tpu.core_type<tc>} {
    %get3A = arith.constant 0 : index
    %get3A_0 = arith.constant 0 : index
    %get3A_1 = vector.load %arg0[%get3A, %get3A_0] : memref<32x10000xf32, #tpu.memory_space<vmem>>, vector<32x10000xf32>
    %reduce_sum3A = arith.constant dense<0.000000e+00> : vector<10000xf32>
    %reduce_sum3A_2 = vector.multi_reduction <add>, %get3A_1, %reduce_sum3A [0] : vector<32x10000xf32> to vector<10000xf32>
    %broadcast_in_dim3A = vector.shape_cast %reduce_sum3A_2 : vector<10000xf32> to vector<1x10000xf32>
    %add3A = arith.constant 1.000000e+00 : f32
    %add3A_3 = vector.broadcast %add3A : f32 to vector<1x10000xf32>
    %add3A_4 = arith.addf %broadcast_in_dim3A, %add3A_3 : vector<1x10000xf32>
    %rsqrt3A = math.rsqrt %add3A_4 : vector<1x10000xf32>
    %swap3A = arith.constant 0 : index
    %swap3A_5 = arith.constant 0 : index
    %swap3A_6 = vector.load %arg8[%swap3A, %swap3A_5] : memref<1x10000xf32, #tpu.memory_space<vmem>>, vector<1x10000xf32>
    tpu.vector_store %arg8[%swap3A, %swap3A_5], %rsqrt3A {strides = array<i32>} : memref<1x10000xf32, #tpu.memory_space<vmem>>, vector<1x10000xf32>,
    %get3A_7 = arith.constant 0 : index
    %get3A_8 = arith.constant 0 : index
    %get3A_9 = vector.load %arg1[%get3A_7, %get3A_8] : memref<32x1024xf32, #tpu.memory_space<vmem>>, vector<32x1024xf32>
    %reduce_sum3A_10 = arith.constant dense<0.000000e+00> : vector<1024xf32>
    %reduce_sum3A_11 = vector.multi_reduction <add>, %get3A_9, %reduce_sum3A_10 [0] : vector<32x1024xf32> to vector<1024xf32>
    %broadcast_in_dim3A_12 = vector.shape_cast %reduce_sum3A_11 : vector<1024xf32> to vector<1x1024xf32>
    %add3A_13 = arith.constant 1.000000e+00 : f32
    %add3A_14 = vector.broadcast %add3A_13 : f32 to vector<1x1024xf32>
    %add3A_15 = arith.addf %broadcast_in_dim3A_12, %add3A_14 : vector<1x1024xf32>
    %rsqrt3A_16 = math.rsqrt %add3A_15 : vector<1x1024xf32>
    %swap3A_17 = arith.constant 0 : index
    %swap3A_18 = arith.constant 0 : index
    %swap3A_19 = vector.load %arg9[%swap3A_17, %swap3A_18] : memref<1x1024xf32, #tpu.memory_space<vmem>>, vector<1x1024xf32>
    tpu.vector_store %arg9[%swap3A_17, %swap3A_18], %rsqrt3A_16 {strides = array<i32>} : memref<1x1024xf32, #tpu.memory_space<vmem>>, vector<1x1024xf32>,
    %get3A_20 = arith.constant 0 : index
    %get3A_21 = arith.constant 0 : index
    %get3A_22 = vector.load %arg6[%get3A_20, %get3A_21] : memref<1000x250xf32, #tpu.memory_space<vmem>>, vector<1000x250xf32>
    %reduce_sum3A_23 = arith.constant dense<0.000000e+00> : vector<1000xf32>
    %reduce_sum3A_24 = vector.multi_reduction <add>, %get3A_22, %reduce_sum3A_23 [1] : vector<1000x250xf32> to vector<1000xf32>
    %broadcast_in_dim3A_25 = vector.shape_cast %reduce_sum3A_24 : vector<1000xf32> to vector<1000x1xf32>
    %swap3A_26 = arith.constant 0 : index
    %swap3A_27 = arith.constant 0 : index
    %swap3A_28 = vector.load %arg10[%swap3A_26, %swap3A_27] : memref<1000x1xf32, #tpu.memory_space<vmem>>, vector<1000x1xf32>
    tpu.vector_store %arg10[%swap3A_26, %swap3A_27], %broadcast_in_dim3A_25 {strides = array<i32>} : memref<1000x1xf32, #tpu.memory_space<vmem>>, vector<1000x1xf32>,
    %get3A_29 = arith.constant 0 : index
    %get3A_30 = arith.constant 0 : index
    %get3A_31 = vector.load %arg2[%get3A_29, %get3A_30] : memref<1x128xf32, #tpu.memory_space<vmem>>, vector<1x128xf32>
    %get3A_32 = arith.constant 0 : index
    %get3A_33 = arith.constant 0 : index
    %get3A_34 = vector.load %arg3[%get3A_32, %get3A_33] : memref<128x256xf32, #tpu.memory_space<vmem>>, vector<128x256xf32>
    %dot_general3A = arith.constant dense<0.000000e+00> : vector<1x256xf32>
    %dot_general3A_35 = tpu.matmul %get3A_31, %get3A_34, %dot_general3A {dimension_numbers = #tpu.dot_dimension_numbers<[1], [0], [0], [1], [0, 0, 1, 1], [], []>, transpose_lhs_hint = false} : vector<1x128xf32>, vector<128x256xf32>, vector<1x256xf32> -> vector<1x256xf32>
    %get3A_36 = arith.constant 0 : index
    %get3A_37 = arith.constant 0 : index
    %get3A_38 = vector.load %arg4[%get3A_36, %get3A_37] : memref<1x256xf32, #tpu.memory_space<vmem>>, vector<1x256xf32>
    %add3A_39 = arith.addf %dot_general3A_35, %get3A_38 : vector<1x256xf32>
    %get3A_40 = arith.constant 0 : index
    %get3A_41 = arith.constant 0 : index
    %get3A_42 = vector.load %arg5[%get3A_40, %get3A_41] : memref<1x1xf32, #tpu.memory_space<vmem>>, vector<1x1xf32>
    %add3A_43 = vector.broadcast %get3A_42 : vector<1x1xf32> to vector<1x256xf32>
    %add3A_44 = arith.addf %add3A_39, %add3A_43 : vector<1x256xf32>
    %slice3A = vector.extract_strided_slice %add3A_44 {offsets = [0, 0], sizes = [1, 128], strides = [1, 1]} : vector<1x256xf32> to vector<1x128xf32>
    %get3A_45 = arith.constant 0 : index
    %get3A_46 = arith.constant 0 : index
    %get3A_47 = vector.load %arg7[%get3A_45, %get3A_46] : memref<128x128xf32, #tpu.memory_space<vmem>>, vector<128x128xf32>
    %dot_general3A_48 = arith.constant dense<0.000000e+00> : vector<1x128xf32>
    %dot_general3A_49 = tpu.matmul %slice3A, %get3A_47, %dot_general3A_48 {dimension_numbers = #tpu.dot_dimension_numbers<[1], [0], [0], [1], [0, 0, 1, 1], [], []>, transpose_lhs_hint = false} : vector<1x128xf32>, vector<128x128xf32>, vector<1x128xf32> -> vector<1x128xf32>
    %swap3A_50 = arith.constant 0 : index
    %swap3A_51 = arith.constant 0 : index
    %swap3A_52 = vector.load %arg11[%swap3A_50, %swap3A_51] : memref<1x128xf32, #tpu.memory_space<vmem>>, vector<1x128xf32>
    tpu.vector_store %arg11[%swap3A_50, %swap3A_51], %dot_general3A_49 {strides = array<i32>} : memref<1x128xf32, #tpu.memory_space<vmem>>, vector<1x128xf32>,
    %slice3A_53 = vector.extract_strided_slice %add3A_44 {offsets = [0, 128], sizes = [1, 128], strides = [1, 1]} : vector<1x256xf32> to vector<1x128xf32>
    %swap3A_54 = arith.constant 0 : index
    %swap3A_55 = arith.constant 0 : index
    %swap3A_56 = vector.load %arg12[%swap3A_54, %swap3A_55] : memref<1x128xf32, #tpu.memory_space<vmem>>, vector<1x128xf32>
    tpu.vector_store %arg12[%swap3A_54, %swap3A_55], %slice3A_53 {strides = array<i32>} : memref<1x128xf32, #tpu.memory_space<vmem>>, vector<1x128xf32>,
    return
  }
}

module attributes {stable_mosaic.version = 14 : i64} {
  func.func @_tc_wl_body(%arg0: i32, %arg1: memref<1x128xf32, #tpu.memory_space<vmem>>, %arg2: memref<128x16000xf32, #tpu.memory_space<vmem>>, %arg3: memref<1x16000xf32, #tpu.memory_space<vmem>>, %arg4: memref<1x16000xf32, #tpu.memory_space<vmem>>) attributes {dimension_semantics = [#tpu.dimension_semantics<arbitrary>], iteration_bounds = array<i64: 10>, scalar_prefetch = 0 : i64, scratch_operands = 0 : i64, tpu.core_type = #tpu.core_type<tc>, window_params = [{pipeline_mode = #tpu.pipeline_mode<synchronous>, transform_indices = @transform_0, window_bounds = array<i64: 1, 128>}, {transform_indices = @transform_1, window_bounds = array<i64: 128, 16000>}, {transform_indices = @transform_2, window_bounds = array<i64: 1, 16000>}, {transform_indices = @transform_3, window_bounds = array<i64: 1, 16000>}]} {
    %get3A = arith.constant 0 : index
    %get3A_0 = arith.constant 0 : index
    %get3A_1 = vector.load %arg1[%get3A, %get3A_0] : memref<1x128xf32, #tpu.memory_space<vmem>>, vector<1x128xf32>
    %get3A_2 = arith.constant 0 : index
    %get3A_3 = arith.constant 0 : index
    %get3A_4 = vector.load %arg2[%get3A_2, %get3A_3] : memref<128x16000xf32, #tpu.memory_space<vmem>>, vector<128x16000xf32>
    %dot_general3A = arith.constant dense<0.000000e+00> : vector<1x16000xf32>
    %dot_general3A_5 = tpu.matmul %get3A_1, %get3A_4, %dot_general3A {dimension_numbers = #tpu.dot_dimension_numbers<[1], [0], [0], [1], [0, 0, 1, 1], [], []>, transpose_lhs_hint = false} : vector<1x128xf32>, vector<128x16000xf32>, vector<1x16000xf32> -> vector<1x16000xf32>
    %get3A_6 = arith.constant 0 : index
    %get3A_7 = arith.constant 0 : index
    %get3A_8 = vector.load %arg3[%get3A_6, %get3A_7] : memref<1x16000xf32, #tpu.memory_space<vmem>>, vector<1x16000xf32>
    %add3A = arith.addf %dot_general3A_5, %get3A_8 : vector<1x16000xf32>
    %swap3A = arith.constant 0 : index
    %swap3A_9 = arith.constant 0 : index
    %swap3A_10 = vector.load %arg4[%swap3A, %swap3A_9] : memref<1x16000xf32, #tpu.memory_space<vmem>>, vector<1x16000xf32>
    tpu.vector_store %arg4[%swap3A, %swap3A_9], %add3A {strides = array<i32>} : memref<1x16000xf32, #tpu.memory_space<vmem>>, vector<1x16000xf32>,
    return
  }
  func.func @transform_0(%arg0: i32) -> (i32, i32) {
    %c0_i32 = arith.constant 0 : i32
    %c0_i32_0 = arith.constant 0 : i32
    %c0_i32_1 = arith.constant 0 : i32
    return %c0_i32, %c0_i32_0 : i32, i32
  }
  func.func @transform_1(%arg0: i32) -> (i32, i32) {
    %c0_i32 = arith.constant 0 : i32
    %c0_i32_0 = arith.constant 0 : i32
    return %c0_i32, %arg0 : i32, i32
  }
  func.func @transform_2(%arg0: i32) -> (i32, i32) {
    %c0_i32 = arith.constant 0 : i32
    %c0_i32_0 = arith.constant 0 : i32
    return %c0_i32, %arg0 : i32, i32
  }
  func.func @transform_3(%arg0: i32) -> (i32, i32) {
    %c0_i32 = arith.constant 0 : i32
    %c0_i32_0 = arith.constant 0 : i32
    return %c0_i32, %arg0 : i32, i32
  }
}

module attributes {stable_mosaic.version = 14 : i64} {
  func.func @_tc_bl_body(%arg0: i32, %arg1: memref<1000x16xf32, #tpu.memory_space<vmem>>, %arg2: memref<1000x1xf32, #tpu.memory_space<vmem>>, %arg3: memref<16x64xf32, #tpu.memory_space<vmem>>, %arg4: memref<1x64xf32, #tpu.memory_space<vmem>>, %arg5: memref<1000x16xf32, #tpu.memory_space<vmem>>, %arg6: memref<1000x64xf32, #tpu.memory_space<vmem>>) attributes {dimension_semantics = [#tpu.dimension_semantics<arbitrary>], iteration_bounds = array<i64: 10>, scalar_prefetch = 0 : i64, scratch_operands = 0 : i64, tpu.core_type = #tpu.core_type<tc>, window_params = [{transform_indices = @transform_0, window_bounds = array<i64: 1000, 16>}, {transform_indices = @transform_1, window_bounds = array<i64: 1000, 1>}, {pipeline_mode = #tpu.pipeline_mode<synchronous>, transform_indices = @transform_2, window_bounds = array<i64: 16, 64>}, {pipeline_mode = #tpu.pipeline_mode<synchronous>, transform_indices = @transform_3, window_bounds = array<i64: 1, 64>}, {transform_indices = @transform_4, window_bounds = array<i64: 1000, 16>}, {transform_indices = @transform_5, window_bounds = array<i64: 1000, 64>}]} {
    %get3A = arith.constant 0 : index
    %get3A_0 = arith.constant 0 : index
    %get3A_1 = vector.load %arg1[%get3A, %get3A_0] : memref<1000x16xf32, #tpu.memory_space<vmem>>, vector<1000x16xf32>
    %get3A_2 = arith.constant 0 : index
    %get3A_3 = arith.constant 0 : index
    %get3A_4 = vector.load %arg2[%get3A_2, %get3A_3] : memref<1000x1xf32, #tpu.memory_space<vmem>>, vector<1000x1xf32>
    %mul3A = vector.broadcast %get3A_4 : vector<1000x1xf32> to vector<1000x16xf32>
    %mul3A_5 = arith.mulf %get3A_1, %mul3A : vector<1000x16xf32>
    %swap3A = arith.constant 0 : index
    %swap3A_6 = arith.constant 0 : index
    %swap3A_7 = vector.load %arg5[%swap3A, %swap3A_6] : memref<1000x16xf32, #tpu.memory_space<vmem>>, vector<1000x16xf32>
    tpu.vector_store %arg5[%swap3A, %swap3A_6], %mul3A_5 {strides = array<i32>} : memref<1000x16xf32, #tpu.memory_space<vmem>>, vector<1000x16xf32>,
    %get3A_8 = arith.constant 0 : index
    %get3A_9 = arith.constant 0 : index
    %get3A_10 = vector.load %arg1[%get3A_8, %get3A_9] : memref<1000x16xf32, #tpu.memory_space<vmem>>, vector<1000x16xf32>
    %get3A_11 = arith.constant 0 : index
    %get3A_12 = arith.constant 0 : index
    %get3A_13 = vector.load %arg3[%get3A_11, %get3A_12] : memref<16x64xf32, #tpu.memory_space<vmem>>, vector<16x64xf32>
    %dot_general3A = arith.constant dense<0.000000e+00> : vector<1000x64xf32>
    %dot_general3A_14 = tpu.matmul %get3A_10, %get3A_13, %dot_general3A {dimension_numbers = #tpu.dot_dimension_numbers<[1], [0], [0], [1], [0, 0, 1, 1], [], []>, transpose_lhs_hint = false} : vector<1000x16xf32>, vector<16x64xf32>, vector<1000x64xf32> -> vector<1000x64xf32>
    %get3A_15 = arith.constant 0 : index
    %get3A_16 = arith.constant 0 : index
    %get3A_17 = vector.load %arg4[%get3A_15, %get3A_16] : memref<1x64xf32, #tpu.memory_space<vmem>>, vector<1x64xf32>
    %add3A = vector.broadcast %get3A_17 : vector<1x64xf32> to vector<1000x64xf32>
    %add3A_18 = arith.addf %dot_general3A_14, %add3A : vector<1000x64xf32>
    %swap3A_19 = arith.constant 0 : index
    %swap3A_20 = arith.constant 0 : index
    %swap3A_21 = vector.load %arg6[%swap3A_19, %swap3A_20] : memref<1000x64xf32, #tpu.memory_space<vmem>>, vector<1000x64xf32>
    tpu.vector_store %arg6[%swap3A_19, %swap3A_20], %add3A_18 {strides = array<i32>} : memref<1000x64xf32, #tpu.memory_space<vmem>>, vector<1000x64xf32>,
    return
  }
  func.func @transform_0(%arg0: i32) -> (i32, i32) {
    %c0_i32 = arith.constant 0 : i32
    %c0_i32_0 = arith.constant 0 : i32
    return %arg0, %c0_i32 : i32, i32
  }
  func.func @transform_1(%arg0: i32) -> (i32, i32) {
    %c0_i32 = arith.constant 0 : i32
    %c0_i32_0 = arith.constant 0 : i32
    return %arg0, %c0_i32 : i32, i32
  }
  func.func @transform_2(%arg0: i32) -> (i32, i32) {
    %c0_i32 = arith.constant 0 : i32
    %c0_i32_0 = arith.constant 0 : i32
    %c0_i32_1 = arith.constant 0 : i32
    return %c0_i32, %c0_i32_0 : i32, i32
  }
  func.func @transform_3(%arg0: i32) -> (i32, i32) {
    %c0_i32 = arith.constant 0 : i32
    %c0_i32_0 = arith.constant 0 : i32
    %c0_i32_1 = arith.constant 0 : i32
    return %c0_i32, %c0_i32_0 : i32, i32
  }
  func.func @transform_4(%arg0: i32) -> (i32, i32) {
    %c0_i32 = arith.constant 0 : i32
    %c0_i32_0 = arith.constant 0 : i32
    return %arg0, %c0_i32 : i32, i32
  }
  func.func @transform_5(%arg0: i32) -> (i32, i32) {
    %c0_i32 = arith.constant 0 : i32
    %c0_i32_0 = arith.constant 0 : i32
    return %arg0, %c0_i32 : i32, i32
  }
}

module attributes {stable_mosaic.version = 14 : i64} {
  func.func @_tc_bg_body(%arg0: i32, %arg1: memref<1000x32xf32, #tpu.memory_space<vmem>>, %arg2: memref<1000x1xf32, #tpu.memory_space<vmem>>, %arg3: memref<1000x1xf32, #tpu.memory_space<vmem>>, %arg4: memref<1x128xf32, #tpu.memory_space<vmem>>, %arg5: memref<1x128xf32, #tpu.memory_space<vmem>>, %arg6: memref<128x128xf32, #tpu.memory_space<vmem>>, %arg7: memref<1000x1000xf32, #tpu.memory_space<vmem>>, %arg8: memref<1000x1xf32, #tpu.memory_space<vmem>>, %arg9: memref<1000x128xf32, #tpu.memory_space<vmem>>) attributes {dimension_semantics = [#tpu.dimension_semantics<arbitrary>], iteration_bounds = array<i64: 10>, scalar_prefetch = 0 : i64, scratch_operands = 0 : i64, tpu.core_type = #tpu.core_type<tc>, window_params = [{pipeline_mode = #tpu.pipeline_mode<synchronous>, transform_indices = @transform_0, window_bounds = array<i64: 1000, 32>}, {pipeline_mode = #tpu.pipeline_mode<synchronous>, transform_indices = @transform_1, window_bounds = array<i64: 1000, 1>}, {pipeline_mode = #tpu.pipeline_mode<synchronous>, transform_indices = @transform_2, window_bounds = array<i64: 1000, 1>}, {pipeline_mode = #tpu.pipeline_mode<synchronous>, transform_indices = @transform_3, window_bounds = array<i64: 1, 128>}, {pipeline_mode = #tpu.pipeline_mode<synchronous>, transform_indices = @transform_4, window_bounds = array<i64: 1, 128>}, {pipeline_mode = #tpu.pipeline_mode<synchronous>, transform_indices = @transform_5, window_bounds = array<i64: 128, 128>}, {transform_indices = @transform_6, window_bounds = array<i64: 1000, 1000>}, {transform_indices = @transform_7, window_bounds = array<i64: 1000, 1>}, {transform_indices = @transform_8, window_bounds = array<i64: 1000, 128>}]} {
    %get3A = arith.constant 0 : index
    %get3A_0 = arith.constant 0 : index
    %get3A_1 = vector.load %arg2[%get3A, %get3A_0] : memref<1000x1xf32, #tpu.memory_space<vmem>>, vector<1000x1xf32>
    %get3A_2 = arith.constant 0 : index
    %get3A_3 = arith.constant 0 : index
    %get3A_4 = vector.load %arg3[%get3A_2, %get3A_3] : memref<1000x1xf32, #tpu.memory_space<vmem>>, vector<1000x1xf32>
    %mul3A = arith.mulf %get3A_1, %get3A_4 : vector<1000x1xf32>
    %get3A_5 = arith.constant 0 : index
    %get3A_6 = arith.constant 0 : index
    %get3A_7 = vector.load %arg1[%get3A_5, %get3A_6] : memref<1000x32xf32, #tpu.memory_space<vmem>>, vector<1000x32xf32>
    %reduce_sum3A = arith.constant dense<0.000000e+00> : vector<1000xf32>
    %reduce_sum3A_8 = vector.multi_reduction <add>, %get3A_7, %reduce_sum3A [1] : vector<1000x32xf32> to vector<1000xf32>
    %broadcast_in_dim3A = vector.shape_cast %reduce_sum3A_8 : vector<1000xf32> to vector<1000x1xf32>
    %get3A_9 = arith.constant 0 : index
    %get3A_10 = arith.constant 0 : index
    %get3A_11 = vector.load %arg2[%get3A_9, %get3A_10] : memref<1000x1xf32, #tpu.memory_space<vmem>>, vector<1000x1xf32>
    %add3A = arith.addf %broadcast_in_dim3A, %mul3A : vector<1000x1xf32>
    %mul3A_12 = arith.mulf %get3A_11, %add3A : vector<1000x1xf32>
    %get3A_13 = arith.constant 0 : index
    %get3A_14 = arith.constant 0 : index
    %get3A_15 = vector.load %arg4[%get3A_13, %get3A_14] : memref<1x128xf32, #tpu.memory_space<vmem>>, vector<1x128xf32>
    %mul3A_16 = vector.broadcast %mul3A_12 : vector<1000x1xf32> to vector<1000x128xf32>
    %mul3A_17 = vector.broadcast %get3A_15 : vector<1x128xf32> to vector<1000x128xf32>
    %mul3A_18 = arith.mulf %mul3A_16, %mul3A_17 : vector<1000x128xf32>
    %get3A_19 = arith.constant 0 : index
    %get3A_20 = arith.constant 0 : index
    %get3A_21 = vector.load %arg5[%get3A_19, %get3A_20] : memref<1x128xf32, #tpu.memory_space<vmem>>, vector<1x128xf32>
    %add3A_22 = vector.broadcast %get3A_21 : vector<1x128xf32> to vector<1000x128xf32>
    %add3A_23 = arith.addf %mul3A_18, %add3A_22 : vector<1000x128xf32>
    %ge3A = arith.constant 0.000000e+00 : f32
    %ge3A_24 = vector.broadcast %ge3A : f32 to vector<1000x128xf32>
    %ge3A_25 = arith.cmpf oge, %add3A_23, %ge3A_24 : vector<1000x128xf32>
    %mul3A_26 = arith.constant 0.00999999977 : f32
    %mul3A_27 = vector.broadcast %mul3A_26 : f32 to vector<1000x128xf32>
    %mul3A_28 = arith.mulf %mul3A_27, %add3A_23 : vector<1000x128xf32>
    %select_n3A = arith.select %ge3A_25, %add3A_23, %mul3A_28 : vector<1000x128xi1>, vector<1000x128xf32>
    %get3A_29 = arith.constant 0 : index
    %get3A_30 = arith.constant 0 : index
    %get3A_31 = vector.load %arg6[%get3A_29, %get3A_30] : memref<128x128xf32, #tpu.memory_space<vmem>>, vector<128x128xf32>
    %dot_general3A = arith.constant dense<0.000000e+00> : vector<1000x128xf32>
    %dot_general3A_32 = tpu.matmul %select_n3A, %get3A_31, %dot_general3A {dimension_numbers = #tpu.dot_dimension_numbers<[1], [0], [0], [1], [0, 0, 1, 1], [], []>, transpose_lhs_hint = false} : vector<1000x128xf32>, vector<128x128xf32>, vector<1000x128xf32> -> vector<1000x128xf32>
    %get3A_33 = arith.constant 0 : index
    %get3A_34 = arith.constant 0 : index
    %get3A_35 = vector.load %arg7[%get3A_33, %get3A_34] : memref<1000x1000xf32, #tpu.memory_space<vmem>>, vector<1000x1000xf32>
    %dot_general3A_36 = arith.constant dense<0.000000e+00> : vector<1000x128xf32>
    %dot_general3A_37 = tpu.matmul %get3A_35, %dot_general3A_32, %dot_general3A_36 {dimension_numbers = #tpu.dot_dimension_numbers<[1], [0], [0], [1], [0, 0, 1, 1], [], []>, transpose_lhs_hint = false} : vector<1000x1000xf32>, vector<1000x128xf32>, vector<1000x128xf32> -> vector<1000x128xf32>
    %get3A_38 = arith.constant 0 : index
    %get3A_39 = arith.constant 0 : index
    %get3A_40 = vector.load %arg8[%get3A_38, %get3A_39] : memref<1000x1xf32, #tpu.memory_space<vmem>>, vector<1000x1xf32>
    %mul3A_41 = vector.broadcast %get3A_40 : vector<1000x1xf32> to vector<1000x128xf32>
    %mul3A_42 = arith.mulf %dot_general3A_37, %mul3A_41 : vector<1000x128xf32>
    %swap3A = arith.constant 0 : index
    %swap3A_43 = arith.constant 0 : index
    %swap3A_44 = vector.load %arg9[%swap3A, %swap3A_43] : memref<1000x128xf32, #tpu.memory_space<vmem>>, vector<1000x128xf32>
    tpu.vector_store %arg9[%swap3A, %swap3A_43], %mul3A_42 {strides = array<i32>} : memref<1000x128xf32, #tpu.memory_space<vmem>>, vector<1000x128xf32>,
    return
  }
  func.func @transform_0(%arg0: i32) -> (i32, i32) {
    %c0_i32 = arith.constant 0 : i32
    %c0_i32_0 = arith.constant 0 : i32
    %c0_i32_1 = arith.constant 0 : i32
    return %c0_i32, %c0_i32_0 : i32, i32
  }
  func.func @transform_1(%arg0: i32) -> (i32, i32) {
    %c0_i32 = arith.constant 0 : i32
    %c0_i32_0 = arith.constant 0 : i32
    %c0_i32_1 = arith.constant 0 : i32
    return %c0_i32, %c0_i32_0 : i32, i32
  }
  func.func @transform_2(%arg0: i32) -> (i32, i32) {
    %c0_i32 = arith.constant 0 : i32
    %c0_i32_0 = arith.constant 0 : i32
    %c0_i32_1 = arith.constant 0 : i32
    return %c0_i32, %c0_i32_0 : i32, i32
  }
  func.func @transform_3(%arg0: i32) -> (i32, i32) {
    %c0_i32 = arith.constant 0 : i32
    %c0_i32_0 = arith.constant 0 : i32
    %c0_i32_1 = arith.constant 0 : i32
    return %c0_i32, %c0_i32_0 : i32, i32
  }
  func.func @transform_4(%arg0: i32) -> (i32, i32) {
    %c0_i32 = arith.constant 0 : i32
    %c0_i32_0 = arith.constant 0 : i32
    %c0_i32_1 = arith.constant 0 : i32
    return %c0_i32, %c0_i32_0 : i32, i32
  }
  func.func @transform_5(%arg0: i32) -> (i32, i32) {
    %c0_i32 = arith.constant 0 : i32
    %c0_i32_0 = arith.constant 0 : i32
    %c0_i32_1 = arith.constant 0 : i32
    return %c0_i32, %c0_i32_0 : i32, i32
  }
  func.func @transform_6(%arg0: i32) -> (i32, i32) {
    %c0_i32 = arith.constant 0 : i32
    %c0_i32_0 = arith.constant 0 : i32
    return %arg0, %c0_i32 : i32, i32
  }
  func.func @transform_7(%arg0: i32) -> (i32, i32) {
    %c0_i32 = arith.constant 0 : i32
    %c0_i32_0 = arith.constant 0 : i32
    return %arg0, %c0_i32 : i32, i32
  }
  func.func @transform_8(%arg0: i32) -> (i32, i32) {
    %c0_i32 = arith.constant 0 : i32
    %c0_i32_0 = arith.constant 0 : i32
    return %arg0, %c0_i32 : i32, i32
  }
}

module attributes {stable_mosaic.version = 14 : i64} {
  func.func @_tc_c_body(%arg0: i32, %arg1: memref<2x1000x16xf32, #tpu.memory_space<vmem>>, %arg2: memref<1000x16xf32, #tpu.memory_space<vmem>>, %arg3: memref<1000x1xf32, #tpu.memory_space<vmem>>, %arg4: memref<1000x64xf32, #tpu.memory_space<vmem>>, %arg5: memref<16x64xf32, #tpu.memory_space<vmem>>, %arg6: memref<1x64xf32, #tpu.memory_space<vmem>>, %arg7: memref<64x128xf32, #tpu.memory_space<vmem>>, %arg8: memref<1000x64xf32, #tpu.memory_space<vmem>>, %arg9: memref<1000x128xf32, #tpu.memory_space<vmem>>) attributes {dimension_semantics = [#tpu.dimension_semantics<arbitrary>], iteration_bounds = array<i64: 10>, scalar_prefetch = 0 : i64, scratch_operands = 0 : i64, tpu.core_type = #tpu.core_type<tc>, window_params = [{transform_indices = @transform_0, window_bounds = array<i64: 2, 1000, 16>}, {transform_indices = @transform_1, window_bounds = array<i64: 1000, 16>}, {transform_indices = @transform_2, window_bounds = array<i64: 1000, 1>}, {transform_indices = @transform_3, window_bounds = array<i64: 1000, 64>}, {pipeline_mode = #tpu.pipeline_mode<synchronous>, transform_indices = @transform_4, window_bounds = array<i64: 16, 64>}, {pipeline_mode = #tpu.pipeline_mode<synchronous>, transform_indices = @transform_5, window_bounds = array<i64: 1, 64>}, {pipeline_mode = #tpu.pipeline_mode<synchronous>, transform_indices = @transform_6, window_bounds = array<i64: 64, 128>}, {transform_indices = @transform_7, window_bounds = array<i64: 1000, 64>}, {transform_indices = @transform_8, window_bounds = array<i64: 1000, 128>}]} {
    %get3A = arith.constant 0 : index
    %get3A_0 = arith.constant 0 : index
    %get3A_1 = vector.load %arg3[%get3A, %get3A_0] : memref<1000x1xf32, #tpu.memory_space<vmem>>, vector<1000x1xf32>
    %get3A_2 = arith.constant 0 : index
    %get3A_3 = arith.constant 0 : index
    %get3A_4 = arith.constant 0 : index
    %get3A_5 = vector.load %arg1[%get3A_2, %get3A_3, %get3A_4] : memref<2x1000x16xf32, #tpu.memory_space<vmem>>, vector<1x1000x16xf32>
    %get3A_6 = vector.shape_cast %get3A_5 : vector<1x1000x16xf32> to vector<1000x16xf32>
    %get3A_7 = arith.constant 1 : index
    %get3A_8 = arith.constant 0 : index
    %get3A_9 = arith.constant 0 : index
    %get3A_10 = vector.load %arg1[%get3A_7, %get3A_8, %get3A_9] : memref<2x1000x16xf32, #tpu.memory_space<vmem>>, vector<1x1000x16xf32>
    %get3A_11 = vector.shape_cast %get3A_10 : vector<1x1000x16xf32> to vector<1000x16xf32>
    %add3A = arith.addf %get3A_6, %get3A_11 : vector<1000x16xf32>
    %get3A_12 = arith.constant 0 : index
    %get3A_13 = arith.constant 0 : index
    %get3A_14 = vector.load %arg2[%get3A_12, %get3A_13] : memref<1000x16xf32, #tpu.memory_space<vmem>>, vector<1000x16xf32>
    %add3A_15 = arith.addf %add3A, %get3A_14 : vector<1000x16xf32>
    %get3A_16 = arith.constant 0 : index
    %get3A_17 = arith.constant 0 : index
    %get3A_18 = vector.load %arg5[%get3A_16, %get3A_17] : memref<16x64xf32, #tpu.memory_space<vmem>>, vector<16x64xf32>
    %dot_general3A = arith.constant dense<0.000000e+00> : vector<1000x64xf32>
    %dot_general3A_19 = tpu.matmul %add3A_15, %get3A_18, %dot_general3A {dimension_numbers = #tpu.dot_dimension_numbers<[1], [0], [0], [1], [0, 0, 1, 1], [], []>, transpose_lhs_hint = false} : vector<1000x16xf32>, vector<16x64xf32>, vector<1000x64xf32> -> vector<1000x64xf32>
    %mul3A = vector.broadcast %get3A_1 : vector<1000x1xf32> to vector<1000x64xf32>
    %mul3A_20 = arith.mulf %mul3A, %dot_general3A_19 : vector<1000x64xf32>
    %get3A_21 = arith.constant 0 : index
    %get3A_22 = arith.constant 0 : index
    %get3A_23 = vector.load %arg6[%get3A_21, %get3A_22] : memref<1x64xf32, #tpu.memory_space<vmem>>, vector<1x64xf32>
    %add3A_24 = vector.broadcast %get3A_23 : vector<1x64xf32> to vector<1000x64xf32>
    %add3A_25 = arith.addf %mul3A_20, %add3A_24 : vector<1000x64xf32>
    %ge3A = arith.constant 0.000000e+00 : f32
    %ge3A_26 = vector.broadcast %ge3A : f32 to vector<1000x64xf32>
    %ge3A_27 = arith.cmpf oge, %add3A_25, %ge3A_26 : vector<1000x64xf32>
    %mul3A_28 = arith.constant 0.00999999977 : f32
    %mul3A_29 = vector.broadcast %mul3A_28 : f32 to vector<1000x64xf32>
    %mul3A_30 = arith.mulf %mul3A_29, %add3A_25 : vector<1000x64xf32>
    %select_n3A = arith.select %ge3A_27, %add3A_25, %mul3A_30 : vector<1000x64xi1>, vector<1000x64xf32>
    %get3A_31 = arith.constant 0 : index
    %get3A_32 = arith.constant 0 : index
    %get3A_33 = vector.load %arg4[%get3A_31, %get3A_32] : memref<1000x64xf32, #tpu.memory_space<vmem>>, vector<1000x64xf32>
    %add3A_34 = arith.addf %select_n3A, %get3A_33 : vector<1000x64xf32>
    %swap3A = arith.constant 0 : index
    %swap3A_35 = arith.constant 0 : index
    %swap3A_36 = vector.load %arg8[%swap3A, %swap3A_35] : memref<1000x64xf32, #tpu.memory_space<vmem>>, vector<1000x64xf32>
    tpu.vector_store %arg8[%swap3A, %swap3A_35], %add3A_34 {strides = array<i32>} : memref<1000x64xf32, #tpu.memory_space<vmem>>, vector<1000x64xf32>,
    %get3A_37 = arith.constant 0 : index
    %get3A_38 = arith.constant 0 : index
    %get3A_39 = vector.load %arg7[%get3A_37, %get3A_38] : memref<64x128xf32, #tpu.memory_space<vmem>>, vector<64x128xf32>
    %dot_general3A_40 = arith.constant dense<0.000000e+00> : vector<1000x128xf32>
    %dot_general3A_41 = tpu.matmul %add3A_34, %get3A_39, %dot_general3A_40 {dimension_numbers = #tpu.dot_dimension_numbers<[1], [0], [0], [1], [0, 0, 1, 1], [], []>, transpose_lhs_hint = false} : vector<1000x64xf32>, vector<64x128xf32>, vector<1000x128xf32> -> vector<1000x128xf32>
    %mul3A_42 = vector.broadcast %get3A_1 : vector<1000x1xf32> to vector<1000x128xf32>
    %mul3A_43 = arith.mulf %dot_general3A_41, %mul3A_42 : vector<1000x128xf32>
    %swap3A_44 = arith.constant 0 : index
    %swap3A_45 = arith.constant 0 : index
    %swap3A_46 = vector.load %arg9[%swap3A_44, %swap3A_45] : memref<1000x128xf32, #tpu.memory_space<vmem>>, vector<1000x128xf32>
    tpu.vector_store %arg9[%swap3A_44, %swap3A_45], %mul3A_43 {strides = array<i32>} : memref<1000x128xf32, #tpu.memory_space<vmem>>, vector<1000x128xf32>,
    return
  }
  func.func @transform_0(%arg0: i32) -> (i32, i32, i32) {
    %c0_i32 = arith.constant 0 : i32
    %c0_i32_0 = arith.constant 0 : i32
    %c0_i32_1 = arith.constant 0 : i32
    return %c0_i32, %arg0, %c0_i32_0 : i32, i32, i32
  }
  func.func @transform_1(%arg0: i32) -> (i32, i32) {
    %c0_i32 = arith.constant 0 : i32
    %c0_i32_0 = arith.constant 0 : i32
    return %arg0, %c0_i32 : i32, i32
  }
  func.func @transform_2(%arg0: i32) -> (i32, i32) {
    %c0_i32 = arith.constant 0 : i32
    %c0_i32_0 = arith.constant 0 : i32
    return %arg0, %c0_i32 : i32, i32
  }
  func.func @transform_3(%arg0: i32) -> (i32, i32) {
    %c0_i32 = arith.constant 0 : i32
    %c0_i32_0 = arith.constant 0 : i32
    return %arg0, %c0_i32 : i32, i32
  }
  func.func @transform_4(%arg0: i32) -> (i32, i32) {
    %c0_i32 = arith.constant 0 : i32
    %c0_i32_0 = arith.constant 0 : i32
    %c0_i32_1 = arith.constant 0 : i32
    return %c0_i32, %c0_i32_0 : i32, i32
  }
  func.func @transform_5(%arg0: i32) -> (i32, i32) {
    %c0_i32 = arith.constant 0 : i32
    %c0_i32_0 = arith.constant 0 : i32
    %c0_i32_1 = arith.constant 0 : i32
    return %c0_i32, %c0_i32_0 : i32, i32
  }
  func.func @transform_6(%arg0: i32) -> (i32, i32) {
    %c0_i32 = arith.constant 0 : i32
    %c0_i32_0 = arith.constant 0 : i32
    %c0_i32_1 = arith.constant 0 : i32
    return %c0_i32, %c0_i32_0 : i32, i32
  }
  func.func @transform_7(%arg0: i32) -> (i32, i32) {
    %c0_i32 = arith.constant 0 : i32
    %c0_i32_0 = arith.constant 0 : i32
    return %arg0, %c0_i32 : i32, i32
  }
  func.func @transform_8(%arg0: i32) -> (i32, i32) {
    %c0_i32 = arith.constant 0 : i32
    %c0_i32_0 = arith.constant 0 : i32
    return %arg0, %c0_i32 : i32, i32
  }
}

module attributes {stable_mosaic.version = 14 : i64} {
  func.func @_tc_d_body(%arg0: i32, %arg1: memref<2x1000x128xf32, #tpu.memory_space<vmem>>, %arg2: memref<1000x128xf32, #tpu.memory_space<vmem>>, %arg3: memref<1000x1xf32, #tpu.memory_space<vmem>>, %arg4: memref<1000x64xf32, #tpu.memory_space<vmem>>, %arg5: memref<2x1000x128xf32, #tpu.memory_space<vmem>>, %arg6: memref<1000x128xf32, #tpu.memory_space<vmem>>, %arg7: memref<1x128xf32, #tpu.memory_space<vmem>>, %arg8: memref<1x128xf32, #tpu.memory_space<vmem>>, %arg9: memref<64x128xf32, #tpu.memory_space<vmem>>, %arg10: memref<1x128xf32, #tpu.memory_space<vmem>>, %arg11: memref<128x64xf32, #tpu.memory_space<vmem>>, %arg12: memref<128x64xf32, #tpu.memory_space<vmem>>, %arg13: memref<1x64xf32, #tpu.memory_space<vmem>>, %arg14: memref<64x2xf32, #tpu.memory_space<vmem>>, %arg15: memref<1x2xf32, #tpu.memory_space<vmem>>, %arg16: memref<1000x128xf32, #tpu.memory_space<vmem>>) attributes {dimension_semantics = [#tpu.dimension_semantics<arbitrary>], iteration_bounds = array<i64: 10>, scalar_prefetch = 0 : i64, scratch_operands = 0 : i64, tpu.core_type = #tpu.core_type<tc>, window_params = [{transform_indices = @transform_0, window_bounds = array<i64: 2, 1000, 128>}, {transform_indices = @transform_1, window_bounds = array<i64: 1000, 128>}, {transform_indices = @transform_2, window_bounds = array<i64: 1000, 1>}, {transform_indices = @transform_3, window_bounds = array<i64: 1000, 64>}, {transform_indices = @transform_4, window_bounds = array<i64: 2, 1000, 128>}, {transform_indices = @transform_5, window_bounds = array<i64: 1000, 128>}, {pipeline_mode = #tpu.pipeline_mode<synchronous>, transform_indices = @transform_6, window_bounds = array<i64: 1, 128>}, {pipeline_mode = #tpu.pipeline_mode<synchronous>, transform_indices = @transform_7, window_bounds = array<i64: 1, 128>}, {pipeline_mode = #tpu.pipeline_mode<synchronous>, transform_indices = @transform_8, window_bounds = array<i64: 64, 128>}, {pipeline_mode = #tpu.pipeline_mode<synchronous>, transform_indices = @transform_9, window_bounds = array<i64: 1, 128>}, {pipeline_mode = #tpu.pipeline_mode<synchronous>, transform_indices = @transform_10, window_bounds = array<i64: 128, 64>}, {pipeline_mode = #tpu.pipeline_mode<synchronous>, transform_indices = @transform_11, window_bounds = array<i64: 128, 64>}, {pipeline_mode = #tpu.pipeline_mode<synchronous>, transform_indices = @transform_12, window_bounds = array<i64: 1, 64>}, {pipeline_mode = #tpu.pipeline_mode<synchronous>, transform_indices = @transform_13, window_bounds = array<i64: 64, 2>}, {pipeline_mode = #tpu.pipeline_mode<synchronous>, transform_indices = @transform_14, window_bounds = array<i64: 1, 2>}, {transform_indices = @transform_15, window_bounds = array<i64: 1000, 128>}]} {
    %get3A = arith.constant 0 : index
    %get3A_0 = arith.constant 0 : index
    %get3A_1 = vector.load %arg3[%get3A, %get3A_0] : memref<1000x1xf32, #tpu.memory_space<vmem>>, vector<1000x1xf32>
    %get3A_2 = arith.constant 0 : index
    %get3A_3 = arith.constant 0 : index
    %get3A_4 = arith.constant 0 : index
    %get3A_5 = vector.load %arg1[%get3A_2, %get3A_3, %get3A_4] : memref<2x1000x128xf32, #tpu.memory_space<vmem>>, vector<1x1000x128xf32>
    %get3A_6 = vector.shape_cast %get3A_5 : vector<1x1000x128xf32> to vector<1000x128xf32>
    %get3A_7 = arith.constant 1 : index
    %get3A_8 = arith.constant 0 : index
    %get3A_9 = arith.constant 0 : index
    %get3A_10 = vector.load %arg1[%get3A_7, %get3A_8, %get3A_9] : memref<2x1000x128xf32, #tpu.memory_space<vmem>>, vector<1x1000x128xf32>
    %get3A_11 = vector.shape_cast %get3A_10 : vector<1x1000x128xf32> to vector<1000x128xf32>
    %add3A = arith.addf %get3A_6, %get3A_11 : vector<1000x128xf32>
    %get3A_12 = arith.constant 0 : index
    %get3A_13 = arith.constant 0 : index
    %get3A_14 = vector.load %arg2[%get3A_12, %get3A_13] : memref<1000x128xf32, #tpu.memory_space<vmem>>, vector<1000x128xf32>
    %add3A_15 = arith.addf %add3A, %get3A_14 : vector<1000x128xf32>
    %mul3A = vector.broadcast %get3A_1 : vector<1000x1xf32> to vector<1000x128xf32>
    %mul3A_16 = arith.mulf %mul3A, %add3A_15 : vector<1000x128xf32>
    %get3A_17 = arith.constant 0 : index
    %get3A_18 = arith.constant 0 : index
    %get3A_19 = vector.load %arg8[%get3A_17, %get3A_18] : memref<1x128xf32, #tpu.memory_space<vmem>>, vector<1x128xf32>
    %add3A_20 = vector.broadcast %get3A_19 : vector<1x128xf32> to vector<1000x128xf32>
    %add3A_21 = arith.addf %mul3A_16, %add3A_20 : vector<1000x128xf32>
    %get3A_22 = arith.constant 0 : index
    %get3A_23 = arith.constant 0 : index
    %get3A_24 = vector.load %arg4[%get3A_22, %get3A_23] : memref<1000x64xf32, #tpu.memory_space<vmem>>, vector<1000x64xf32>
    %get3A_25 = arith.constant 0 : index
    %get3A_26 = arith.constant 0 : index
    %get3A_27 = vector.load %arg9[%get3A_25, %get3A_26] : memref<64x128xf32, #tpu.memory_space<vmem>>, vector<64x128xf32>
    %dot_general3A = arith.constant dense<0.000000e+00> : vector<1000x128xf32>
    %dot_general3A_28 = tpu.matmul %get3A_24, %get3A_27, %dot_general3A {dimension_numbers = #tpu.dot_dimension_numbers<[1], [0], [0], [1], [0, 0, 1, 1], [], []>, transpose_lhs_hint = false} : vector<1000x64xf32>, vector<64x128xf32>, vector<1000x128xf32> -> vector<1000x128xf32>
    %add3A_29 = arith.addf %add3A_21, %dot_general3A_28 : vector<1000x128xf32>
    %get3A_30 = arith.constant 0 : index
    %get3A_31 = arith.constant 0 : index
    %get3A_32 = vector.load %arg10[%get3A_30, %get3A_31] : memref<1x128xf32, #tpu.memory_space<vmem>>, vector<1x128xf32>
    %add3A_33 = vector.broadcast %get3A_32 : vector<1x128xf32> to vector<1000x128xf32>
    %add3A_34 = arith.addf %add3A_29, %add3A_33 : vector<1000x128xf32>
    %get3A_35 = arith.constant 0 : index
    %get3A_36 = arith.constant 0 : index
    %get3A_37 = arith.constant 0 : index
    %get3A_38 = vector.load %arg5[%get3A_35, %get3A_36, %get3A_37] : memref<2x1000x128xf32, #tpu.memory_space<vmem>>, vector<1x1000x128xf32>
    %get3A_39 = vector.shape_cast %get3A_38 : vector<1x1000x128xf32> to vector<1000x128xf32>
    %get3A_40 = arith.constant 1 : index
    %get3A_41 = arith.constant 0 : index
    %get3A_42 = arith.constant 0 : index
    %get3A_43 = vector.load %arg5[%get3A_40, %get3A_41, %get3A_42] : memref<2x1000x128xf32, #tpu.memory_space<vmem>>, vector<1x1000x128xf32>
    %get3A_44 = vector.shape_cast %get3A_43 : vector<1x1000x128xf32> to vector<1000x128xf32>
    %add3A_45 = arith.addf %get3A_39, %get3A_44 : vector<1000x128xf32>
    %get3A_46 = arith.constant 0 : index
    %get3A_47 = arith.constant 0 : index
    %get3A_48 = vector.load %arg6[%get3A_46, %get3A_47] : memref<1000x128xf32, #tpu.memory_space<vmem>>, vector<1000x128xf32>
    %add3A_49 = arith.addf %add3A_45, %get3A_48 : vector<1000x128xf32>
    %mul3A_50 = vector.broadcast %get3A_1 : vector<1000x1xf32> to vector<1000x128xf32>
    %mul3A_51 = arith.mulf %mul3A_50, %add3A_49 : vector<1000x128xf32>
    %get3A_52 = arith.constant 0 : index
    %get3A_53 = arith.constant 0 : index
    %get3A_54 = vector.load %arg7[%get3A_52, %get3A_53] : memref<1x128xf32, #tpu.memory_space<vmem>>, vector<1x128xf32>
    %add3A_55 = vector.broadcast %get3A_54 : vector<1x128xf32> to vector<1000x128xf32>
    %add3A_56 = arith.addf %mul3A_51, %add3A_55 : vector<1000x128xf32>
    %get3A_57 = arith.constant 0 : index
    %get3A_58 = arith.constant 0 : index
    %get3A_59 = vector.load %arg11[%get3A_57, %get3A_58] : memref<128x64xf32, #tpu.memory_space<vmem>>, vector<128x64xf32>
    %dot_general3A_60 = arith.constant dense<0.000000e+00> : vector<1000x64xf32>
    %dot_general3A_61 = tpu.matmul %add3A_56, %get3A_59, %dot_general3A_60 {dimension_numbers = #tpu.dot_dimension_numbers<[1], [0], [0], [1], [0, 0, 1, 1], [], []>, transpose_lhs_hint = false} : vector<1000x128xf32>, vector<128x64xf32>, vector<1000x64xf32> -> vector<1000x64xf32>
    %get3A_62 = arith.constant 0 : index
    %get3A_63 = arith.constant 0 : index
    %get3A_64 = vector.load %arg12[%get3A_62, %get3A_63] : memref<128x64xf32, #tpu.memory_space<vmem>>, vector<128x64xf32>
    %dot_general3A_65 = arith.constant dense<0.000000e+00> : vector<1000x64xf32>
    %dot_general3A_66 = tpu.matmul %add3A_34, %get3A_64, %dot_general3A_65 {dimension_numbers = #tpu.dot_dimension_numbers<[1], [0], [0], [1], [0, 0, 1, 1], [], []>, transpose_lhs_hint = false} : vector<1000x128xf32>, vector<128x64xf32>, vector<1000x64xf32> -> vector<1000x64xf32>
    %add3A_67 = arith.addf %dot_general3A_61, %dot_general3A_66 : vector<1000x64xf32>
    %get3A_68 = arith.constant 0 : index
    %get3A_69 = arith.constant 0 : index
    %get3A_70 = vector.load %arg13[%get3A_68, %get3A_69] : memref<1x64xf32, #tpu.memory_space<vmem>>, vector<1x64xf32>
    %add3A_71 = vector.broadcast %get3A_70 : vector<1x64xf32> to vector<1000x64xf32>
    %add3A_72 = arith.addf %add3A_67, %add3A_71 : vector<1000x64xf32>
    %max3A = arith.constant 0.000000e+00 : f32
    %max3A_73 = vector.broadcast %max3A : f32 to vector<1000x64xf32>
    %max3A_74 = arith.maximumf %add3A_72, %max3A_73 : vector<1000x64xf32>
    %get3A_75 = arith.constant 0 : index
    %get3A_76 = arith.constant 0 : index
    %get3A_77 = vector.load %arg14[%get3A_75, %get3A_76] : memref<64x2xf32, #tpu.memory_space<vmem>>, vector<64x2xf32>
    %dot_general3A_78 = arith.constant dense<0.000000e+00> : vector<1000x2xf32>
    %dot_general3A_79 = tpu.matmul %max3A_74, %get3A_77, %dot_general3A_78 {dimension_numbers = #tpu.dot_dimension_numbers<[1], [0], [0], [1], [0, 0, 1, 1], [], []>, transpose_lhs_hint = false} : vector<1000x64xf32>, vector<64x2xf32>, vector<1000x2xf32> -> vector<1000x2xf32>
    %get3A_80 = arith.constant 0 : index
    %get3A_81 = arith.constant 0 : index
    %get3A_82 = vector.load %arg15[%get3A_80, %get3A_81] : memref<1x2xf32, #tpu.memory_space<vmem>>, vector<1x2xf32>
    %add3A_83 = vector.broadcast %get3A_82 : vector<1x2xf32> to vector<1000x2xf32>
    %add3A_84 = arith.addf %dot_general3A_79, %add3A_83 : vector<1000x2xf32>
    %slice3A = vector.extract_strided_slice %add3A_84 {offsets = [0, 0], sizes = [1000, 1], strides = [1, 1]} : vector<1000x2xf32> to vector<1000x1xf32>
    %slice3A_85 = vector.extract_strided_slice %add3A_84 {offsets = [0, 1], sizes = [1000, 1], strides = [1, 1]} : vector<1000x2xf32> to vector<1000x1xf32>
    %sub3A = arith.subf %slice3A, %slice3A_85 : vector<1000x1xf32>
    %neg3A = arith.constant 0.000000e+00 : f32
    %neg3A_86 = vector.broadcast %neg3A : f32 to vector<1000x1xf32>
    %neg3A_87 = arith.subf %neg3A_86, %sub3A : vector<1000x1xf32>
    %exp3A = math.exp %neg3A_87 : vector<1000x1xf32>
    %add3A_88 = arith.constant 1.000000e+00 : f32
    %add3A_89 = vector.broadcast %add3A_88 : f32 to vector<1000x1xf32>
    %add3A_90 = arith.addf %add3A_89, %exp3A : vector<1000x1xf32>
    %div3A = arith.constant 1.000000e+00 : f32
    %div3A_91 = vector.broadcast %div3A : f32 to vector<1000x1xf32>
    %div3A_92 = arith.divf %div3A_91, %add3A_90 : vector<1000x1xf32>
    %mul3A_93 = vector.broadcast %div3A_92 : vector<1000x1xf32> to vector<1000x128xf32>
    %mul3A_94 = arith.mulf %mul3A_93, %add3A_56 : vector<1000x128xf32>
    %sub3A_95 = arith.constant 1.000000e+00 : f32
    %sub3A_96 = vector.broadcast %sub3A_95 : f32 to vector<1000x1xf32>
    %sub3A_97 = arith.subf %sub3A_96, %div3A_92 : vector<1000x1xf32>
    %mul3A_98 = vector.broadcast %sub3A_97 : vector<1000x1xf32> to vector<1000x128xf32>
    %mul3A_99 = arith.mulf %mul3A_98, %add3A_34 : vector<1000x128xf32>
    %add3A_100 = arith.addf %mul3A_94, %mul3A_99 : vector<1000x128xf32>
    %swap3A = arith.constant 0 : index
    %swap3A_101 = arith.constant 0 : index
    %swap3A_102 = vector.load %arg16[%swap3A, %swap3A_101] : memref<1000x128xf32, #tpu.memory_space<vmem>>, vector<1000x128xf32>
    tpu.vector_store %arg16[%swap3A, %swap3A_101], %add3A_100 {strides = array<i32>} : memref<1000x128xf32, #tpu.memory_space<vmem>>, vector<1000x128xf32>,
    return
  }
  func.func @transform_0(%arg0: i32) -> (i32, i32, i32) {
    %c0_i32 = arith.constant 0 : i32
    %c0_i32_0 = arith.constant 0 : i32
    %c0_i32_1 = arith.constant 0 : i32
    return %c0_i32, %arg0, %c0_i32_0 : i32, i32, i32
  }
  func.func @transform_1(%arg0: i32) -> (i32, i32) {
    %c0_i32 = arith.constant 0 : i32
    %c0_i32_0 = arith.constant 0 : i32
    return %arg0, %c0_i32 : i32, i32
  }
  func.func @transform_2(%arg0: i32) -> (i32, i32) {
    %c0_i32 = arith.constant 0 : i32
    %c0_i32_0 = arith.constant 0 : i32
    return %arg0, %c0_i32 : i32, i32
  }
  func.func @transform_3(%arg0: i32) -> (i32, i32) {
    %c0_i32 = arith.constant 0 : i32
    %c0_i32_0 = arith.constant 0 : i32
    return %arg0, %c0_i32 : i32, i32
  }
  func.func @transform_4(%arg0: i32) -> (i32, i32, i32) {
    %c0_i32 = arith.constant 0 : i32
    %c0_i32_0 = arith.constant 0 : i32
    %c0_i32_1 = arith.constant 0 : i32
    return %c0_i32, %arg0, %c0_i32_0 : i32, i32, i32
  }
  func.func @transform_5(%arg0: i32) -> (i32, i32) {
    %c0_i32 = arith.constant 0 : i32
    %c0_i32_0 = arith.constant 0 : i32
    return %arg0, %c0_i32 : i32, i32
  }
  func.func @transform_6(%arg0: i32) -> (i32, i32) {
    %c0_i32 = arith.constant 0 : i32
    %c0_i32_0 = arith.constant 0 : i32
    %c0_i32_1 = arith.constant 0 : i32
    return %c0_i32, %c0_i32_0 : i32, i32
  }
  func.func @transform_7(%arg0: i32) -> (i32, i32) {
    %c0_i32 = arith.constant 0 : i32
    %c0_i32_0 = arith.constant 0 : i32
    %c0_i32_1 = arith.constant 0 : i32
    return %c0_i32, %c0_i32_0 : i32, i32
  }
  func.func @transform_8(%arg0: i32) -> (i32, i32) {
    %c0_i32 = arith.constant 0 : i32
    %c0_i32_0 = arith.constant 0 : i32
    %c0_i32_1 = arith.constant 0 : i32
    return %c0_i32, %c0_i32_0 : i32, i32
  }
  func.func @transform_9(%arg0: i32) -> (i32, i32) {
    %c0_i32 = arith.constant 0 : i32
    %c0_i32_0 = arith.constant 0 : i32
    %c0_i32_1 = arith.constant 0 : i32
    return %c0_i32, %c0_i32_0 : i32, i32
  }
  func.func @transform_10(%arg0: i32) -> (i32, i32) {
    %c0_i32 = arith.constant 0 : i32
    %c0_i32_0 = arith.constant 0 : i32
    %c0_i32_1 = arith.constant 0 : i32
    return %c0_i32, %c0_i32_0 : i32, i32
  }
  func.func @transform_11(%arg0: i32) -> (i32, i32) {
    %c0_i32 = arith.constant 0 : i32
    %c0_i32_0 = arith.constant 0 : i32
    %c0_i32_1 = arith.constant 0 : i32
    return %c0_i32, %c0_i32_0 : i32, i32
  }
  func.func @transform_12(%arg0: i32) -> (i32, i32) {
    %c0_i32 = arith.constant 0 : i32
    %c0_i32_0 = arith.constant 0 : i32
    %c0_i32_1 = arith.constant 0 : i32
    return %c0_i32, %c0_i32_0 : i32, i32
  }
  func.func @transform_13(%arg0: i32) -> (i32, i32) {
    %c0_i32 = arith.constant 0 : i32
    %c0_i32_0 = arith.constant 0 : i32
    %c0_i32_1 = arith.constant 0 : i32
    return %c0_i32, %c0_i32_0 : i32, i32
  }
  func.func @transform_14(%arg0: i32) -> (i32, i32) {
    %c0_i32 = arith.constant 0 : i32
    %c0_i32_0 = arith.constant 0 : i32
    %c0_i32_1 = arith.constant 0 : i32
    return %c0_i32, %c0_i32_0 : i32, i32
  }
  func.func @transform_15(%arg0: i32) -> (i32, i32) {
    %c0_i32 = arith.constant 0 : i32
    %c0_i32_0 = arith.constant 0 : i32
    return %arg0, %c0_i32 : i32, i32
  }
}

</mosaic_0001>

<sc_bundles>
// kernel: kernel.13.cloned.1.call-start
scs
__scs_entry_jumppad:
0x0: {  	(pc) =	sbr.rel $0x88, $3  }
0x1: {  	(tag) =	ssettag $0x0;
	lr =	simm.s32 $0x1  }
0x2: {  	[smem:$0x3F87] =	sst lr;
	_ =	strace $0xD0000000  }
0x3: {  	_ = 	snop  }
0x4: {  	_ = 	snop  }
0x5: {  	_ = 	snop  }
0x6: {  	_ = 	snop  }
0x7: {  	_ = 	snop  }
__scs_overlays_trampoline_lowered:
0x8: {  	[smem:$0x3F96] =	sst s0  }
0x9: {  	[smem:$0x3F97] =	sst s1  }
0xa: {  	[smem:$0x3F98] =	sst s2  }
0xb: {  	[smem:$0x3F99] =	sst s3  }
0xc: {  	[smem:$0x3F9A] =	sst s4  }
0xd: {  	[smem:$0x3F9B] =	sst s5  }
0xe: {  	[smem:$0x3F9C] =	sst s6  }
0xf: {  	[smem:$0x3F9D] =	sst s7  }
0x10: {  	[smem:$0x3F9E] =	sst s8  }
0x11: {  	[smem:$0x3F9F] =	sst s9;
	s0 =	simm.s32 @!p0 $0x0  }
0x12: {  	s1 =	sld [smem:$0x3F85];
	s0 =	simm.s32 @p0 $0x1  }
0x13: {  	[smem:$0x3FA0] =	sst s0;
	s0 =	simm.s32 @!p1 $0x0  }
0x14: {  	s2 =	sld [smem:$0x3F84];
	s0 =	simm.s32 @p1 $0x1  }
0x15: {  	[smem:$0x3FA1] =	sst s0;
	s0 =	simm.s32 @!p2 $0x0  }
0x16: {  	s3 =	sld [smem:$0x3FDB];
	s0 =	simm.s32 @p2 $0x1  }
0x17: {  	s4 =	simm.s32 $0x1BF5;
	[smem:$0x3FA3] =	sst s0  }
0x18: {  	s0 =	sld [smem:$0x3F86];
	_ =	swait.ge [sflag:s4], $0x0  }
0x19: {  	s7 =	sld [smem:$0x3F87]  }
0x1a: {  	s8 =	sadd.s32 $0xFFFFE003, lr  }
0x1b: {  	s9 =	sadd.s32 $0xFFFFFEF7, lr;
	s5 =	simm.s32 $0xFFFFFFFF;
	p2 =	slt.u32 s8, $0xFFFFF086  }
0x1c: {  	p1 =	slt.u32 s9, $0xF7A;
	s5 =	simm.s32 @!p2 $0x0  }
0x1d: {  	s5 =	simm.s32 @p1 $0x1;
	p0 =	seq.s32 s7, s2  }
0x1e: {  	s7 =	smul.u32 @!p0 $0xF7A, s2;
	p2 =	seq.s32 @!p0 s5, $0x0  }
0x1f: {  	s9 =	smul.u32 $0xF7A, s1;
	s8 =	simm.s32 @!p0 $0x1BF5;
	p2 =	por !p2, p0  }
0x20: {  	[sflag:s8] =	ssyncset.s32 @!p0 $0xFFFFF086;
	s6 =	sadd.s32 @!p0 s3, s7;
	s7 =	simm.s32 @!p0 $0x108  }
0x21: {  	s3 =	sadd.s32 s3, s9;
	s6 =	sadd.s32 @!p0 $0x88, s6;
	s7 =	simm.s32 @p2 $0x1082  }
0x22: {  	[simem:s7], [sflag:s8] =	dma.local @!p0 [hbm:s6], $0xF7A  }
0x23: {  	s9 =	sor.u32 $0xD0000000, s2;
	s6 =	simm.s32 $0x108;
	_ =	swait.ge @!p0 [sflag:s8], $0x0  }
0x24: {  	s3 =	sadd.s32 $0x88, s3;
	s6 =	simm.s32 @!p1 $0x1082;
	[sflag:s4] =	ssyncset.s32 $0xFFFFF086  }
0x25: {  	[simem:s6], [sflag:s4] =	dma.local [hbm:s3], $0xF7A  }
0x26: {  	[smem:$0x3F87] =	sst s1;
	(tag) =	ssettag s2;
	_ =	strace s9  }
0x27: {  	s1 =	sld [smem:$0x3F97]  }
0x28: {  	s2 =	sld [smem:$0x3F98]  }
0x29: {  	s4 =	sld [smem:$0x3F9A]  }
0x2a: {  	p0 =	seq.s32 s5, $0x0;
	s5 =	sld [smem:$0x3F9B]  }
0x2b: {  	s6 =	sld [smem:$0x3F9C]  }
0x2c: {  	s7 =	sld [smem:$0x3F9D]  }
0x2d: {  	s3 =	simm.s32 $0x108;
	s8 =	sld [smem:$0x3F9E]  }
0x2e: {  	s3 =	simm.s32 @!p0 $0x1082;
	s9 =	sld [smem:$0x3F9F]  }
0x2f: {  	lr =	sadd.s32 s0, s3;
	s0 =	sld [smem:$0x3F96]  }
0x30: {  	s3 =	sld [smem:$0x3F99]  }
0x31: {  	[smem:$0x3FA2] =	sst s10  }
0x32: {  	s10 =	sld [smem:$0x3FA0];
	_ =	sdelay $0x3  }
0x33: {  	p0 =	seq.s32 s10, $0x1;
	s10 =	sld [smem:$0x3FA2];
	_ =	sdelay $0x3  }
0x34: {  	[smem:$0x3FA2] =	sst s10  }
0x35: {  	s10 =	sld [smem:$0x3FA1];
	_ =	sdelay $0x3  }
0x36: {  	p1 =	seq.s32 s10, $0x1;
	s10 =	sld [smem:$0x3FA2];
	_ =	sdelay $0x3  }
0x37: {  	[smem:$0x3FA2] =	sst s10  }
0x38: {  	s10 =	sld [smem:$0x3FA3]  }
0x39: {  	_ = 	snop;
	(pc) =	sbr.ind lr, $3  }
0x3a: {  	_ = 	snop  }
0x3b: {  	_ = 	snop  }
0x3c: {  	p2 =	seq.s32 s10, $0x1;
	s10 =	sld [smem:$0x3FA2]  }
0x3d: {  	_ =	shalt  }
0x3e: {  	_ =	shalt  }
0x3f: {  	_ =	shalt  }
0x40: {  	_ =	shalt  }
0x41: {  	_ =	shalt  }
0x42: {  	_ =	shalt  }
0x43: {  	_ =	shalt  }
0x44: {  	_ =	shalt  }
0x45: {  	_ =	shalt  }
0x46: {  	_ =	shalt  }
0x47: {  	_ =	shalt  }
0x48: {  	_ =	shalt  }
0x49: {  	_ =	shalt  }
0x4a: {  	_ =	shalt  }
0x4b: {  	_ =	shalt  }
0x4c: {  	_ =	shalt  }
0x4d: {  	_ =	shalt  }
0x4e: {  	_ =	shalt  }
0x4f: {  	_ =	shalt  }
0x50: {  	_ =	shalt  }
0x51: {  	_ =	shalt  }
0x52: {  	_ =	shalt  }
0x53: {  	_ =	shalt  }
0x54: {  	_ =	shalt  }
0x55: {  	_ =	shalt  }
0x56: {  	_ =	shalt  }
0x57: {  	_ =	shalt  }
0x58: {  	_ =	shalt  }
0x59: {  	_ =	shalt  }
0x5a: {  	_ =	shalt  }
0x5b: {  	_ =	shalt  }
0x5c: {  	_ =	shalt  }
0x5d: {  	_ =	shalt  }
0x5e: {  	_ =	shalt  }
0x5f: {  	_ =	shalt  }
0x60: {  	_ =	shalt  }
0x61: {  	_ =	shalt  }
0x62: {  	_ =	shalt  }
0x63: {  	_ =	shalt  }
0x64: {  	_ =	shalt  }
0x65: {  	_ =	shalt  }
0x66: {  	_ =	shalt  }
0x67: {  	_ =	shalt  }
0x68: {  	_ =	shalt  }
0x69: {  	_ =	shalt  }
0x6a: {  	_ =	shalt  }
0x6b: {  	_ =	shalt  }
0x6c: {  	_ =	shalt  }
0x6d: {  	_ =	shalt  }
0x6e: {  	_ =	shalt  }
0x6f: {  	_ =	shalt  }
0x70: {  	_ =	shalt  }
0x71: {  	_ =	shalt  }
0x72: {  	_ =	shalt  }
0x73: {  	_ =	shalt  }
0x74: {  	_ =	shalt  }
0x75: {  	_ =	shalt  }
0x76: {  	_ =	shalt  }
0x77: {  	_ =	shalt  }
0x78: {  	_ =	shalt  }
0x79: {  	_ =	shalt  }
0x7a: {  	_ =	shalt  }
0x7b: {  	_ =	shalt  }
0x7c: {  	_ =	shalt  }
0x7d: {  	_ =	shalt  }
0x7e: {  	_ =	shalt  }
0x7f: {  	_ =	shalt  }
0x80: {  	_ =	shalt  }
0x81: {  	_ =	shalt  }
0x82: {  	_ =	shalt  }
0x83: {  	_ =	shalt  }
0x84: {  	_ =	shalt  }
0x85: {  	_ =	shalt  }
0x86: {  	_ =	shalt  }
0x87: {  	_ =	shalt  }
.Lfunc_end0:
.L_simem_size_0:
called_computation_lowered:
.L_overlay_start_0:
0x88: {  	s2 =	sld [smem:$0x3FD9]  }
0x89: {  	s3 =	sld [smem:$0x3FFE];
	_ =	sdelay $0x1  }
0x8a: {  	s1 =	srdreg.scid  }
0x8b: {  	s0 =	sand.u32 $0x1, s1  }
0x8c: {  	s17 =	sshll.u32 s0, $0xA;
	s2 =	sadd.s32 s3, s2  }
0x8d: {  	s2 =	sadd.s32 s2, s17  }
0x8e: {  	[smem:$0x3FAE] =	sst s2  }
0x8f: {  	_ = 	snop  }
0x90: {  	s2 =	sld [smem:$0x3FD0];
	(tm) =	ssettm $0x1  }
0x91: {  	s18 =	sld [smem:$0x3FFB];
	_ =	sdelay $0x3  }
0x92: {  	_ =	strace s18  }
0x93: {  	s3 =	sld [smem:$0x3FFC];
	_ =	sdelay $0x3  }
0x94: {  	_ =	strace s3  }
0x95: {  	s3 =	sld [smem:$0x3FFD];
	_ =	sdelay $0x3  }
0x96: {  	_ =	strace s3  }
0x97: {  	_ =	strace $0x8FFFFFFF  }
0x98: {  	s19 =	sld [smem:$0x3FDB];
	_ =	sdelay $0x1  }
0x99: {  	s4 =	simm.s32 $_scs_section_size  }
0x9a: {  	s5 =	simm.s32 $_size__tile_overlayer_lowered;
	s6 =	simm.s32 $_tile_overlayer_lowered  }
0x9b: {  	s22 =	simm.s32 $0x1BFF;
	s21 =	sshll.u32 s6, $0x1;
	s3 =	sadd.s32 s4, s19  }
0x9c: {  	s7 =	simm.s32 $0x0;
	s20 =	sshll.u32 s5, $0x1;
	s5 =	sadd.s32 s21, s3  }
0x9d: {  	[timem:s7], [sflag:s22] =	dma.local [hbm:s5], s20  }
0x9e: {  	_ =	swait.ge [sflag:s22], s20  }
0x9f: {  	s4 =	ssub.s32 $0x0, s20;
	[sflag:s22] =	ssyncset.done $0x0  }
0xa0: {  	[sflag:s22] =	ssyncadd.s32 s4;
	_ =	sdelay $0x1  }
0xa1: {  	s23 =	simm.s32 $0x1B8B  }
0xa2: {  	_ =	swait.ge [sflag:s23], $0x1  }
0xa3: {  	[sflag:s23] =	ssyncset.done $0x0  }
0xa4: {  	s25 =	simm.s32 $0x1B8E;
	s24 =	sld [smem:$0x3FFE];
	[sflag:s23] =	ssyncadd.s32 $0xFFFFFFFF  }
0xa5: {  	s26 =	simm.s32 $execute0_lowered;
	[smem:$0x3FD2] =	sst s25  }
0xa6: {  	s5 =	sshll.u32 s26, $0x1;
	_ =	strace $0x80000046;
	[dreg:$0x1] =	wrdreg $0xFFFFFFFF  }
0xa7: {  	s28 =	simm.s32 $_size_execute0_lowered;
	s3 =	sadd.s32 s3, s5;
	[dreg:$0x0] =	wrdreg $0x0  }
0xa8: {  	s5 =	sshll.u32 s28, $0x1;
	[dreg:$0x2] =	wrdreg s3  }
0xa9: {  	[dreg:$0x3] =	wrdreg s5  }
0xaa: {  	[dreg:$0x4] =	wrdreg $0xC0  }
0xab: {  	_ =	task [dreg:s7], $0x5FFFF  }
0xac: {  	[dreg:$0x1] =	wrdreg $0xFFFFFFFF  }
0xad: {  	[dreg:$0x0] =	wrdreg $0x60  }
0xae: {  	[dreg:$0x2] =	wrdreg s2  }
0xaf: {  	[dreg:$0x3] =	wrdreg s24  }
0xb0: {  	[dreg:$0x4] =	wrdreg $0x9  }
0xb1: {  	_ =	task.clear_ibuf [dreg:s7], $0x5FFFF;
	_ =	strace $0x90000046  }
0xb2: {  	s29 =	simm.s32 $0x9;
	_ =	strace $0x80000048  }
0xb3: {  	_ =	swait.ge [sflag:s29], $0x1  }
0xb4: {  	[sflag:s29] =	ssyncadd.s32 $0xFFFFFFFF  }
0xb5: {  	_ =	strace $0x90000048  }
0xb6: {  	_ =	sfence  }
0xb7: {  	s30 =	sld [smem:$0x0];
	_ =	sdelay $0x2  }
0xb8: {  	s31 =	sshll.u32 s1, $0xD;
	s1 =	sshrl.u32 s1, $0x2  }
0xb9: {  	s3 =	sand.u32 $0x4000, s31;
	s1 =	sadd.s32 s1, s30  }
0xba: {  	s0 =	sor.u32 s3, s0;
	s1 =	sshll.u32 s1, $0x11  }
0xbb: {  	s0 =	sor.u32 s1, s0  }
0xbc: {  	s0 =	sadd.s32 $0x8F2B, s0  }
0xbd: {  	[sflag:s0] =	ssyncadd.remote.s32 $0x1  }
0xbe: {  	_ =	sfence.sel $0xFFFF  }
0xbf: {  	[dreg:$0x0] =	wrdreg $0xFFFFFFFF;
	(pc) =	sbr.abs _section_cstart, $3  }
0xc0: {  	[dreg:$0x1] =	wrdreg $0xFFFFFFFF  }
0xc1: {  	_ =	task.clear_ibuf [dreg:s7], $0x2FFFF;
	_ =	strace $0x9FFFFFFF  }
0xc2: {  	(tm) =	ssettm $0x7FFFFFFF  }
0xc3: {  	_ =	shalt  }
tec
execute0_lowered:
.L_overlay_start_1:
0x0: {  	(tag) =	ssettag $0x1  }
0x1: {  	s0 =	srdreg.scid;
	s4 =	rddreg [dreg:$0x0]  }
0x2: {  	s6 =	rddreg [dreg:$0x1];
	s2 =	simm.s32 $0x0;
	s11 =	simm.s32 $0x2780  }
0x3: {  	s12 =	simm.s32 $0x4F00;
	s13 =	simm.s32 $0x5100;
	s3 =	sand.u32 $0x1, s0  }
0x4: {  	s14 =	simm.s32 $0x0;
	s0 =	stileid.u32;
	s1 =	sshll.u32 s3, $0x4  }
0x5: {  	[smem:$0x7FF] =	sst s2;
	s29 =	sshll.u32 s0, $0x7;
	s1 =	sor.u32 s0, s1  }
0x6: {  	s3 =	ssub.s32 $0x2, s3;
	s7 =	sand.u32 $0x380, s29;
	s5 =	sshrl.u32 s1, $0x3  }
0x7: {  	s31 =	sshrl.u32 s3, $0x1;
	s1 =	rddreg [dreg:$0x2];
	s9 =	smul.u32 $0x13C00, s5  }
0x8: {  	_ =	strace $0x80000047;
	s8 =	sshll.u32 s5, $0xC;
	s5 =	sshll.u32 s5, $0xD  }
0x9: {  	s8 =	sor.u32 s7, s8;
	s5 =	sor.u32 s7, s5;
	s9 =	sor.u32 s7, s9  }
0xa: {  	s8 =	sshrl.u32 s8, $0x3;
	s5 =	sshrl.u32 s5, $0x3;
	s30 =	sshrl.u32 s9, $0x3  }
0xb: {  	s8 =	sadd.s32 s8, s6;
	s9 =	ssub.s32 s3, s31;
	s10 =	sadd.s32 s30, s6  }
0xc: {  	s6 =	sadd.s32 s5, s6;
	s3 =	sadd.s32 s4, s30;
	s5 =	sadd.s32 $0x4C00, s8  }
0xd: {  	s7 =	smax.u32 s9, $0x1;
	s8 =	simm.s32 $0x80;
	s9 =	simm.s32 $0x400  }
0xe: {  	v0 =	vimm.f32 $0.0e+00;
	v1 =	vimm.f32 $1.000000000e+00;
	s4 =	sadd.s32 $0x5400, s10;
	s6 =	sadd.s32 $0xF200, s6;
	s10 =	simm.s32 $0x1  }
.LBB2_1:
0xf: {  	[tilespmem:s2], [sflag:$0x1] =	stream.strided.gather [hbm4b:s3+s8], $0x2780, s9, s8, $0x38;
	[tilespmem:$0x5500] =	vst v63  }
0x10: {  	_ =	swait.ge [sflag:s10], $0x2780  }
0x11: {  	[sflag:s10] =	ssyncset.done $0x0  }
0x12: {  	s15 =	simm.s32 $0x0;
	[sflag:s10] =	ssyncadd.s32 $0xFFFFD880  }
.LBB2_2:
0x13: {  	p0 =	sne.s32 s15, $0x9C00  }
.Ltmp0:
0x14: {  	_ = 	snop;
	(pc) =	sbr.rel @p0 .LBB2_2-.Ltmp0, $3  }
0x15: {  	_ =	sdelay $0x1  }
0x16: {  	s16 =	sshra.s32 s15, $0x2  }
0x17: {  	s15 =	sadd.s32 $0x40, s15;
	[tilespmem:s16+$0x2780] =	vst v0  }
0x18: {  	s16 =	simm.s32 $0x0;
	s15 =	simm.s32 $0x40  }
.LBB2_4:
0x19: {  	p0 =	sne.s32 s15, $0x9C00;
	v2 =	vld [tilespmem:s16+$0x0];
	_ =	sdelay $0x3  }
.Ltmp1:
0x1a: {  	(pc) =	sbr.rel @p0 .LBB2_4-.Ltmp1, $2  }
0x1b: {  	_ =	sdelay $0x2  }
0x1c: {  	s16 =	sshra.s32 s15, $0x2;
	s15 =	sadd.s32 $0x40, s15;
	[tilespmem:v2+s11+$0x0] =	vst.idx.add.f32.msk $0xffff, v1  }
0x1d: {  	v2 =	vld [tilespmem:s16+$0x0];
	_ =	sdelay $0x7  }
0x1e: {  	[tilespmem:v2+s11+$0x0] =	vst.idx.add.f32.msk $0xffff, v1  }
0x1f: {  	[hbm4b:s4+s8] =	stream.strided.scatter [tilespmem:s11], [sflag:$0x1], $0x2780, s9, s8, $0x38;
	[tilespmem:$0x5500] =	vst v63  }
0x20: {  	_ =	swait.ge [sflag:s10], $0x2780  }
0x21: {  	[sflag:s10] =	ssyncset.done $0x0  }
0x22: {  	s15 =	simm.s32 $0x40;
	s16 =	simm.s32 $0x0;
	[sflag:s10] =	ssyncadd.s32 $0xFFFFD880  }
.LBB2_6:
0x23: {  	p0 =	sne.s32 s15, $0xFC0;
	[tilespmem:s16+$0x5100] =	vst v0;
	s16 =	smov.u32 s15;
	s15 =	sadd.s32 $0x40, s15  }
.Ltmp2:
0x24: {  	(pc) =	sbr.rel @p0 .LBB2_6-.Ltmp2, $2  }
0x25: {  	_ =	sdelay $0x2  }
0x26: {  	s16 =	sshra.s32 s16, $0x2  }
0x27: {  	[tilespmem:s16+$0x5100] =	vst v0  }
0x28: {  	[tilespmem:s12], [sflag:$0x1] =	stream.strided.gather [hbm4b:s5+s8], $0x200, s9, s8, $0x38;
	[tilespmem:$0x5500] =	vst v63  }
0x29: {  	_ =	swait.ge [sflag:s10], $0x200  }
0x2a: {  	[sflag:s10] =	ssyncset.done $0x0  }
0x2b: {  	[sflag:s10] =	ssyncadd.s32 $0xFFFFFE00  }
0x2c: {  	v2 =	vld [tilespmem:$0x4F00];
	_ =	sdelay $0x7  }
0x2d: {  	[tilespmem:v2+s13+$0x0] =	vst.idx.add.f32.msk $0xffff, v1  }
0x2e: {  	v2 =	vld [tilespmem:$0x4F10];
	_ =	sdelay $0x7  }
0x2f: {  	[tilespmem:v2+s13+$0x0] =	vst.idx.add.f32.msk $0xffff, v1  }
0x30: {  	v2 =	vld [tilespmem:$0x4F20];
	_ =	sdelay $0x7  }
0x31: {  	[tilespmem:v2+s13+$0x0] =	vst.idx.add.f32.msk $0xffff, v1  }
0x32: {  	v2 =	vld [tilespmem:$0x4F30];
	_ =	sdelay $0x7  }
0x33: {  	[tilespmem:v2+s13+$0x0] =	vst.idx.add.f32.msk $0xffff, v1  }
0x34: {  	v2 =	vld [tilespmem:$0x4F40];
	_ =	sdelay $0x7  }
0x35: {  	[tilespmem:v2+s13+$0x0] =	vst.idx.add.f32.msk $0xffff, v1  }
0x36: {  	v2 =	vld [tilespmem:$0x4F50];
	_ =	sdelay $0x7  }
0x37: {  	[tilespmem:v2+s13+$0x0] =	vst.idx.add.f32.msk $0xffff, v1  }
0x38: {  	v2 =	vld [tilespmem:$0x4F60];
	_ =	sdelay $0x7  }
0x39: {  	[tilespmem:v2+s13+$0x0] =	vst.idx.add.f32.msk $0xffff, v1  }
0x3a: {  	v2 =	vld [tilespmem:$0x4F70];
	_ =	sdelay $0x7  }
0x3b: {  	[tilespmem:v2+s13+$0x0] =	vst.idx.add.f32.msk $0xffff, v1  }
0x3c: {  	v2 =	vld [tilespmem:$0x4F80];
	_ =	sdelay $0x7  }
0x3d: {  	[tilespmem:v2+s13+$0x0] =	vst.idx.add.f32.msk $0xffff, v1  }
0x3e: {  	v2 =	vld [tilespmem:$0x4F90];
	_ =	sdelay $0x7  }
0x3f: {  	[tilespmem:v2+s13+$0x0] =	vst.idx.add.f32.msk $0xffff, v1  }
0x40: {  	v2 =	vld [tilespmem:$0x4FA0];
	_ =	sdelay $0x7  }
0x41: {  	[tilespmem:v2+s13+$0x0] =	vst.idx.add.f32.msk $0xffff, v1  }
0x42: {  	v2 =	vld [tilespmem:$0x4FB0];
	_ =	sdelay $0x7  }
0x43: {  	[tilespmem:v2+s13+$0x0] =	vst.idx.add.f32.msk $0xffff, v1  }
0x44: {  	v2 =	vld [tilespmem:$0x4FC0];
	_ =	sdelay $0x7  }
0x45: {  	[tilespmem:v2+s13+$0x0] =	vst.idx.add.f32.msk $0xffff, v1  }
0x46: {  	v2 =	vld [tilespmem:$0x4FD0];
	_ =	sdelay $0x7  }
0x47: {  	[tilespmem:v2+s13+$0x0] =	vst.idx.add.f32.msk $0xffff, v1  }
0x48: {  	v2 =	vld [tilespmem:$0x4FE0];
	_ =	sdelay $0x7  }
0x49: {  	[tilespmem:v2+s13+$0x0] =	vst.idx.add.f32.msk $0xffff, v1  }
0x4a: {  	v2 =	vld [tilespmem:$0x4FF0];
	_ =	sdelay $0x7  }
0x4b: {  	[tilespmem:v2+s13+$0x0] =	vst.idx.add.f32.msk $0xffff, v1  }
0x4c: {  	v2 =	vld [tilespmem:$0x5000];
	_ =	sdelay $0x7  }
0x4d: {  	[tilespmem:v2+s13+$0x0] =	vst.idx.add.f32.msk $0xffff, v1  }
0x4e: {  	v2 =	vld [tilespmem:$0x5010];
	_ =	sdelay $0x7  }
0x4f: {  	[tilespmem:v2+s13+$0x0] =	vst.idx.add.f32.msk $0xffff, v1  }
0x50: {  	v2 =	vld [tilespmem:$0x5020];
	_ =	sdelay $0x7  }
0x51: {  	[tilespmem:v2+s13+$0x0] =	vst.idx.add.f32.msk $0xffff, v1  }
0x52: {  	v2 =	vld [tilespmem:$0x5030];
	_ =	sdelay $0x7  }
0x53: {  	[tilespmem:v2+s13+$0x0] =	vst.idx.add.f32.msk $0xffff, v1  }
0x54: {  	v2 =	vld [tilespmem:$0x5040];
	_ =	sdelay $0x7  }
0x55: {  	[tilespmem:v2+s13+$0x0] =	vst.idx.add.f32.msk $0xffff, v1  }
0x56: {  	v2 =	vld [tilespmem:$0x5050];
	_ =	sdelay $0x7  }
0x57: {  	[tilespmem:v2+s13+$0x0] =	vst.idx.add.f32.msk $0xffff, v1  }
0x58: {  	v2 =	vld [tilespmem:$0x5060];
	_ =	sdelay $0x7  }
0x59: {  	[tilespmem:v2+s13+$0x0] =	vst.idx.add.f32.msk $0xffff, v1  }
0x5a: {  	v2 =	vld [tilespmem:$0x5070];
	_ =	sdelay $0x7  }
0x5b: {  	[tilespmem:v2+s13+$0x0] =	vst.idx.add.f32.msk $0xffff, v1  }
0x5c: {  	v2 =	vld [tilespmem:$0x5080];
	_ =	sdelay $0x7  }
0x5d: {  	[tilespmem:v2+s13+$0x0] =	vst.idx.add.f32.msk $0xffff, v1  }
0x5e: {  	v2 =	vld [tilespmem:$0x5090];
	_ =	sdelay $0x7  }
0x5f: {  	[tilespmem:v2+s13+$0x0] =	vst.idx.add.f32.msk $0xffff, v1  }
0x60: {  	v2 =	vld [tilespmem:$0x50A0];
	_ =	sdelay $0x7  }
0x61: {  	[tilespmem:v2+s13+$0x0] =	vst.idx.add.f32.msk $0xffff, v1  }
0x62: {  	v2 =	vld [tilespmem:$0x50B0];
	_ =	sdelay $0x7  }
0x63: {  	[tilespmem:v2+s13+$0x0] =	vst.idx.add.f32.msk $0xffff, v1  }
0x64: {  	v2 =	vld [tilespmem:$0x50C0];
	_ =	sdelay $0x7  }
0x65: {  	[tilespmem:v2+s13+$0x0] =	vst.idx.add.f32.msk $0xffff, v1  }
0x66: {  	v2 =	vld [tilespmem:$0x50D0];
	_ =	sdelay $0x7  }
0x67: {  	[tilespmem:v2+s13+$0x0] =	vst.idx.add.f32.msk $0xffff, v1  }
0x68: {  	v2 =	vld [tilespmem:$0x50E0];
	_ =	sdelay $0x7  }
0x69: {  	[tilespmem:v2+s13+$0x0] =	vst.idx.add.f32.msk $0xffff, v1  }
0x6a: {  	v2 =	vld [tilespmem:$0x50F0];
	_ =	sdelay $0x5  }
0x6b: {  	s14 =	sadd.s32 $0x1, s14  }
0x6c: {  	p0 =	sne.s32 s14, s7  }
.Ltmp3:
0x6d: {  	[tilespmem:v2+s13+$0x0] =	vst.idx.add.f32.msk $0xffff, v1;
	(pc) =	sbr.rel @p0 .LBB2_1-.Ltmp3, $4  }
0x6e: {  	[hbm4b:s6+s8] =	stream.strided.scatter [tilespmem:s13], [sflag:$0x1], $0x400, s9, s8, $0x38;
	[tilespmem:$0x5500] =	vst v63  }
0x6f: {  	_ =	swait.ge [sflag:s10], $0x400  }
0x70: {  	[sflag:s10] =	ssyncset.done $0x0  }
0x71: {  	[sflag:s10] =	ssyncadd.s32 $0xFFFFFC00  }
0x72: {  	_ =	sfence.sel $0x180000  }
0x73: {  	[bflag:$0x0] =	sbarrier.arrive $0xFFFF  }
0x74: {  	p0 =	sne.s32 s0, $0x0;
	_ =	strace $0x90000047  }
0x75: {  	s0 =	sadd.s32 @!p0 $0x100000, s1;
	[bflag:$0x2] =	sbarrier.arrive $0xFFFF  }
0x76: {  	[sflag:s0] =	ssyncadd.tile.s32 @!p0 $0x1;
	_ =	shalt  }
.Lfunc_end2:
_tile_overlayer_lowered:
.L_overlay_start_2:
0x77: {  	(tag) =	ssettag $0x2  }
0x78: {  	s0 =	rddreg [dreg:$0x0];
	s2 =	stileid.u32  }
0x79: {  	s1 =	rddreg [dreg:$0x1];
	p0 =	sne.s32 s2, $0x0  }
0x7a: {  	s3 =	rddreg [dreg:$0x2];
	[bflag:$0x3] =	sbarrier.arrive $0xFFFF;
	s2 =	simm.s32 @!p0 $0x1C01  }
0x7b: {  	[timem:s3], [sflag:s2] =	dma.local @!p0 [hbm:s0], s1  }
0x7c: {  	s0 =	simm.s32 @!p0 $0x1  }
0x7d: {  	_ =	swait.ge @!p0 [sflag:s0], s1  }
0x7e: {  	s1 =	ssub.s32 @!p0 $0x0, s1;
	[sflag:s0] =	ssyncset.done @!p0 $0x0  }
0x7f: {  	[sflag:s0] =	ssyncadd.s32 @!p0 s1  }
0x80: {  	[bflag:$0x3] =	sbarrier.arrive $0xFFFF  }
0x81: {  	_ =	shalt  }

// kernel: kernel.16.cloned.1.call-start
scs
__scs_entry_jumppad:
0x0: {  	(pc) =	sbr.rel $0x88, $3  }
0x1: {  	(tag) =	ssettag $0x0;
	lr =	simm.s32 $0x1  }
0x2: {  	[smem:$0x3F87] =	sst lr;
	_ =	strace $0xD0000000  }
0x3: {  	_ = 	snop  }
0x4: {  	_ = 	snop  }
0x5: {  	_ = 	snop  }
0x6: {  	_ = 	snop  }
0x7: {  	_ = 	snop  }
__scs_overlays_trampoline_lowered:
0x8: {  	[smem:$0x3F96] =	sst s0  }
0x9: {  	[smem:$0x3F97] =	sst s1  }
0xa: {  	[smem:$0x3F98] =	sst s2  }
0xb: {  	[smem:$0x3F99] =	sst s3  }
0xc: {  	[smem:$0x3F9A] =	sst s4  }
0xd: {  	[smem:$0x3F9B] =	sst s5  }
0xe: {  	[smem:$0x3F9C] =	sst s6  }
0xf: {  	[smem:$0x3F9D] =	sst s7  }
0x10: {  	[smem:$0x3F9E] =	sst s8  }
0x11: {  	[smem:$0x3F9F] =	sst s9;
	s0 =	simm.s32 @!p0 $0x0  }
0x12: {  	s1 =	sld [smem:$0x3F85];
	s0 =	simm.s32 @p0 $0x1  }
0x13: {  	[smem:$0x3FA0] =	sst s0;
	s0 =	simm.s32 @!p1 $0x0  }
0x14: {  	s2 =	sld [smem:$0x3F84];
	s0 =	simm.s32 @p1 $0x1  }
0x15: {  	[smem:$0x3FA1] =	sst s0;
	s0 =	simm.s32 @!p2 $0x0  }
0x16: {  	s3 =	sld [smem:$0x3FDB];
	s0 =	simm.s32 @p2 $0x1  }
0x17: {  	s4 =	simm.s32 $0x1BF5;
	[smem:$0x3FA3] =	sst s0  }
0x18: {  	s0 =	sld [smem:$0x3F86];
	_ =	swait.ge [sflag:s4], $0x0  }
0x19: {  	s7 =	sld [smem:$0x3F87]  }
0x1a: {  	s8 =	sadd.s32 $0xFFFFE003, lr  }
0x1b: {  	s9 =	sadd.s32 $0xFFFFFEF7, lr;
	s5 =	simm.s32 $0xFFFFFFFF;
	p2 =	slt.u32 s8, $0xFFFFF086  }
0x1c: {  	p1 =	slt.u32 s9, $0xF7A;
	s5 =	simm.s32 @!p2 $0x0  }
0x1d: {  	s5 =	simm.s32 @p1 $0x1;
	p0 =	seq.s32 s7, s2  }
0x1e: {  	s7 =	smul.u32 @!p0 $0xF7A, s2;
	p2 =	seq.s32 @!p0 s5, $0x0  }
0x1f: {  	s9 =	smul.u32 $0xF7A, s1;
	s8 =	simm.s32 @!p0 $0x1BF5;
	p2 =	por !p2, p0  }
0x20: {  	[sflag:s8] =	ssyncset.s32 @!p0 $0xFFFFF086;
	s6 =	sadd.s32 @!p0 s3, s7;
	s7 =	simm.s32 @!p0 $0x108  }
0x21: {  	s3 =	sadd.s32 s3, s9;
	s6 =	sadd.s32 @!p0 $0x88, s6;
	s7 =	simm.s32 @p2 $0x1082  }
0x22: {  	[simem:s7], [sflag:s8] =	dma.local @!p0 [hbm:s6], $0xF7A  }
0x23: {  	s9 =	sor.u32 $0xD0000000, s2;
	s6 =	simm.s32 $0x108;
	_ =	swait.ge @!p0 [sflag:s8], $0x0  }
0x24: {  	s3 =	sadd.s32 $0x88, s3;
	s6 =	simm.s32 @!p1 $0x1082;
	[sflag:s4] =	ssyncset.s32 $0xFFFFF086  }
0x25: {  	[simem:s6], [sflag:s4] =	dma.local [hbm:s3], $0xF7A  }
0x26: {  	[smem:$0x3F87] =	sst s1;
	(tag) =	ssettag s2;
	_ =	strace s9  }
0x27: {  	s1 =	sld [smem:$0x3F97]  }
0x28: {  	s2 =	sld [smem:$0x3F98]  }
0x29: {  	s4 =	sld [smem:$0x3F9A]  }
0x2a: {  	p0 =	seq.s32 s5, $0x0;
	s5 =	sld [smem:$0x3F9B]  }
0x2b: {  	s6 =	sld [smem:$0x3F9C]  }
0x2c: {  	s7 =	sld [smem:$0x3F9D]  }
0x2d: {  	s3 =	simm.s32 $0x108;
	s8 =	sld [smem:$0x3F9E]  }
0x2e: {  	s3 =	simm.s32 @!p0 $0x1082;
	s9 =	sld [smem:$0x3F9F]  }
0x2f: {  	lr =	sadd.s32 s0, s3;
	s0 =	sld [smem:$0x3F96]  }
0x30: {  	s3 =	sld [smem:$0x3F99]  }
0x31: {  	[smem:$0x3FA2] =	sst s10  }
0x32: {  	s10 =	sld [smem:$0x3FA0];
	_ =	sdelay $0x3  }
0x33: {  	p0 =	seq.s32 s10, $0x1;
	s10 =	sld [smem:$0x3FA2];
	_ =	sdelay $0x3  }
0x34: {  	[smem:$0x3FA2] =	sst s10  }
0x35: {  	s10 =	sld [smem:$0x3FA1];
	_ =	sdelay $0x3  }
0x36: {  	p1 =	seq.s32 s10, $0x1;
	s10 =	sld [smem:$0x3FA2];
	_ =	sdelay $0x3  }
0x37: {  	[smem:$0x3FA2] =	sst s10  }
0x38: {  	s10 =	sld [smem:$0x3FA3]  }
0x39: {  	_ = 	snop;
	(pc) =	sbr.ind lr, $3  }
0x3a: {  	_ = 	snop  }
0x3b: {  	_ = 	snop  }
0x3c: {  	p2 =	seq.s32 s10, $0x1;
	s10 =	sld [smem:$0x3FA2]  }
0x3d: {  	_ =	shalt  }
0x3e: {  	_ =	shalt  }
0x3f: {  	_ =	shalt  }
0x40: {  	_ =	shalt  }
0x41: {  	_ =	shalt  }
0x42: {  	_ =	shalt  }
0x43: {  	_ =	shalt  }
0x44: {  	_ =	shalt  }
0x45: {  	_ =	shalt  }
0x46: {  	_ =	shalt  }
0x47: {  	_ =	shalt  }
0x48: {  	_ =	shalt  }
0x49: {  	_ =	shalt  }
0x4a: {  	_ =	shalt  }
0x4b: {  	_ =	shalt  }
0x4c: {  	_ =	shalt  }
0x4d: {  	_ =	shalt  }
0x4e: {  	_ =	shalt  }
0x4f: {  	_ =	shalt  }
0x50: {  	_ =	shalt  }
0x51: {  	_ =	shalt  }
0x52: {  	_ =	shalt  }
0x53: {  	_ =	shalt  }
0x54: {  	_ =	shalt  }
0x55: {  	_ =	shalt  }
0x56: {  	_ =	shalt  }
0x57: {  	_ =	shalt  }
0x58: {  	_ =	shalt  }
0x59: {  	_ =	shalt  }
0x5a: {  	_ =	shalt  }
0x5b: {  	_ =	shalt  }
0x5c: {  	_ =	shalt  }
0x5d: {  	_ =	shalt  }
0x5e: {  	_ =	shalt  }
0x5f: {  	_ =	shalt  }
0x60: {  	_ =	shalt  }
0x61: {  	_ =	shalt  }
0x62: {  	_ =	shalt  }
0x63: {  	_ =	shalt  }
0x64: {  	_ =	shalt  }
0x65: {  	_ =	shalt  }
0x66: {  	_ =	shalt  }
0x67: {  	_ =	shalt  }
0x68: {  	_ =	shalt  }
0x69: {  	_ =	shalt  }
0x6a: {  	_ =	shalt  }
0x6b: {  	_ =	shalt  }
0x6c: {  	_ =	shalt  }
0x6d: {  	_ =	shalt  }
0x6e: {  	_ =	shalt  }
0x6f: {  	_ =	shalt  }
0x70: {  	_ =	shalt  }
0x71: {  	_ =	shalt  }
0x72: {  	_ =	shalt  }
0x73: {  	_ =	shalt  }
0x74: {  	_ =	shalt  }
0x75: {  	_ =	shalt  }
0x76: {  	_ =	shalt  }
0x77: {  	_ =	shalt  }
0x78: {  	_ =	shalt  }
0x79: {  	_ =	shalt  }
0x7a: {  	_ =	shalt  }
0x7b: {  	_ =	shalt  }
0x7c: {  	_ =	shalt  }
0x7d: {  	_ =	shalt  }
0x7e: {  	_ =	shalt  }
0x7f: {  	_ =	shalt  }
0x80: {  	_ =	shalt  }
0x81: {  	_ =	shalt  }
0x82: {  	_ =	shalt  }
0x83: {  	_ =	shalt  }
0x84: {  	_ =	shalt  }
0x85: {  	_ =	shalt  }
0x86: {  	_ =	shalt  }
0x87: {  	_ =	shalt  }
.Lfunc_end0:
.L_simem_size_0:
called_computation.1_lowered:
.L_overlay_start_0:
0x88: {  	s2 =	sld [smem:$0x3FD9]  }
0x89: {  	s3 =	sld [smem:$0x3FFE];
	_ =	sdelay $0x1  }
0x8a: {  	s1 =	srdreg.scid  }
0x8b: {  	s0 =	sand.u32 $0x1, s1  }
0x8c: {  	s16 =	sshll.u32 s0, $0xA;
	s2 =	sadd.s32 s3, s2  }
0x8d: {  	s2 =	sadd.s32 s2, s16  }
0x8e: {  	[smem:$0x3FAE] =	sst s2  }
0x8f: {  	_ = 	snop  }
0x90: {  	(tm) =	ssettm $0x1  }
0x91: {  	s17 =	sld [smem:$0x3FFB];
	_ =	sdelay $0x3  }
0x92: {  	_ =	strace s17  }
0x93: {  	s2 =	sld [smem:$0x3FFC];
	_ =	sdelay $0x3  }
0x94: {  	_ =	strace s2  }
0x95: {  	s2 =	sld [smem:$0x3FFD];
	_ =	sdelay $0x3  }
0x96: {  	_ =	strace s2  }
0x97: {  	_ =	strace $0x8FFFFFFF  }
0x98: {  	s18 =	sld [smem:$0x3FDB];
	_ =	sdelay $0x1  }
0x99: {  	s19 =	simm.s32 $_scs_section_size  }
0x9a: {  	s4 =	simm.s32 $_size__tile_overlayer_lowered;
	s5 =	simm.s32 $_tile_overlayer_lowered  }
0x9b: {  	s22 =	simm.s32 $0x1BFF;
	s21 =	sshll.u32 s5, $0x1;
	s2 =	sadd.s32 s19, s18  }
0x9c: {  	s6 =	simm.s32 $0x0;
	s20 =	sshll.u32 s4, $0x1;
	s4 =	sadd.s32 s21, s2  }
0x9d: {  	[timem:s6], [sflag:s22] =	dma.local [hbm:s4], s20  }
0x9e: {  	_ =	swait.ge [sflag:s22], s20  }
0x9f: {  	s3 =	ssub.s32 $0x0, s20;
	[sflag:s22] =	ssyncset.done $0x0  }
0xa0: {  	[sflag:s22] =	ssyncadd.s32 s3;
	_ =	sdelay $0x1  }
0xa1: {  	s23 =	simm.s32 $0x1B8B  }
0xa2: {  	_ =	swait.ge [sflag:s23], $0x1  }
0xa3: {  	[sflag:s23] =	ssyncset.done $0x0  }
0xa4: {  	s25 =	simm.s32 $0x1B8E;
	s24 =	sld [smem:$0x3FFE];
	[sflag:s23] =	ssyncadd.s32 $0xFFFFFFFF  }
0xa5: {  	s26 =	simm.s32 $execute0_lowered;
	[smem:$0x3FD2] =	sst s25  }
0xa6: {  	s4 =	sshll.u32 s26, $0x1;
	_ =	strace $0x80000049;
	[dreg:$0x1] =	wrdreg $0xFFFFFFFF  }
0xa7: {  	s28 =	simm.s32 $_size_execute0_lowered;
	s2 =	sadd.s32 s2, s4;
	[dreg:$0x0] =	wrdreg $0x0  }
0xa8: {  	s4 =	sshll.u32 s28, $0x1;
	[dreg:$0x2] =	wrdreg s2  }
0xa9: {  	[dreg:$0x3] =	wrdreg s4  }
0xaa: {  	[dreg:$0x4] =	wrdreg $0xC0  }
0xab: {  	_ =	task [dreg:s6], $0x5FFFF  }
0xac: {  	[dreg:$0x1] =	wrdreg $0xFFFFFFFF  }
0xad: {  	[dreg:$0x0] =	wrdreg $0x60  }
0xae: {  	[dreg:$0x2] =	wrdreg s24  }
0xaf: {  	[dreg:$0x3] =	wrdreg $0x9  }
0xb0: {  	_ =	task.clear_ibuf [dreg:s6], $0x4FFFF;
	_ =	strace $0x90000049  }
0xb1: {  	s29 =	simm.s32 $0x9;
	_ =	strace $0x8000004B  }
0xb2: {  	_ =	swait.ge [sflag:s29], $0x1  }
0xb3: {  	[sflag:s29] =	ssyncadd.s32 $0xFFFFFFFF  }
0xb4: {  	_ =	strace $0x9000004B  }
0xb5: {  	_ =	sfence  }
0xb6: {  	s30 =	sld [smem:$0x0];
	_ =	sdelay $0x2  }
0xb7: {  	s31 =	sshll.u32 s1, $0xD;
	s1 =	sshrl.u32 s1, $0x2  }
0xb8: {  	s3 =	sand.u32 $0x4000, s31;
	s1 =	sadd.s32 s1, s30  }
0xb9: {  	s0 =	sor.u32 s3, s0;
	s1 =	sshll.u32 s1, $0x11  }
0xba: {  	s0 =	sor.u32 s1, s0  }
0xbb: {  	s0 =	sadd.s32 $0x8F2B, s0  }
0xbc: {  	[sflag:s0] =	ssyncadd.remote.s32 $0x1  }
0xbd: {  	_ =	sfence.sel $0xFFFF  }
0xbe: {  	[dreg:$0x0] =	wrdreg $0xFFFFFFFF;
	(pc) =	sbr.abs _section_cstart, $3  }
0xbf: {  	[dreg:$0x1] =	wrdreg $0xFFFFFFFF  }
0xc0: {  	_ =	task.clear_ibuf [dreg:s6], $0x2FFFF;
	_ =	strace $0x9FFFFFFF  }
0xc1: {  	(tm) =	ssettm $0x7FFFFFFF  }
tec
execute0_lowered:
.L_overlay_start_1:
0x0: {  	(tag) =	ssettag $0x1  }
0x1: {  	s5 =	rddreg [dreg:$0x0]  }
0x2: {  	s1 =	srdreg.scid;
	s0 =	rddreg [dreg:$0x1];
	s2 =	simm.s32 $0x0  }
0x3: {  	s10 =	simm.s32 $0x400;
	s11 =	simm.s32 $0x80;
	s12 =	simm.s32 $0x800  }
0x4: {  	s13 =	simm.s32 $0xA00;
	s14 =	simm.s32 $0xC00;
	s6 =	sand.u32 $0x1, s1  }
0x5: {  	[smem:$0x7FF] =	sst s2;
	s1 =	stileid.u32;
	s3 =	sshll.u32 s6, $0x4  }
0x6: {  	s15 =	simm.s32 $0x0;
	_ =	strace $0x8000004A;
	s4 =	sor.u32 s1, s3  }
0x7: {  	s7 =	sshll.u32 s1, $0x7;
	s6 =	ssub.s32 $0x2, s6;
	s4 =	sshrl.u32 s4, $0x3  }
0x8: {  	s3 =	sadd.s32 $0x5600, s5;
	s7 =	sand.u32 $0x380, s7;
	s8 =	sshll.u32 s4, $0xC  }
0x9: {  	s30 =	sshrl.u32 s6, $0x1;
	s9 =	sshll.u32 s4, $0xD;
	s8 =	sor.u32 s7, s8  }
0xa: {  	s31 =	ssub.s32 s6, s30;
	s7 =	sor.u32 s7, s9;
	s8 =	sshrl.u32 s8, $0x3  }
0xb: {  	s4 =	sadd.s32 $0x5400, s5;
	s7 =	sshrl.u32 s7, $0x3;
	s8 =	sadd.s32 s8, s5  }
0xc: {  	s9 =	simm.s32 $0x1;
	s7 =	sadd.s32 s7, s5;
	s5 =	sadd.s32 $0x10400, s8  }
0xd: {  	v0 =	vimm.f32 $0.0e+00;
	s6 =	sadd.s32 $0x4C00, s8;
	s7 =	sadd.s32 $0x5800, s7;
	s8 =	smax.u32 s31, $0x1  }
.LBB2_1:
0xe: {  	[tilespmem:s2], [sflag:$0x1] =	stream.linear.gather [hbm4b:s3+s2], $0x400, $0x38;
	[tilespmem:$0x1000] =	vst v63  }
0xf: {  	_ =	swait.ge [sflag:s9], $0x400  }
0x10: {  	[sflag:s9] =	ssyncset.done $0x0  }
0x11: {  	[sflag:s9] =	ssyncadd.s32 $0xFFFFFC00  }
0x12: {  	[tilespmem:s10], [sflag:$0x1] =	stream.linear.gather [hbm4b:s4+s2], $0x400, $0x38;
	[tilespmem:$0x1000] =	vst v63  }
0x13: {  	_ =	swait.ge [sflag:s9], $0x400  }
0x14: {  	[sflag:s9] =	ssyncset.done $0x0  }
0x15: {  	s16 =	simm.s32 $0x40;
	s17 =	simm.s32 $0x0;
	[sflag:s9] =	ssyncadd.s32 $0xFFFFFC00  }
.LBB2_2:
0x16: {  	p0 =	sne.s32 s16, $0xFC0;
	[tilespmem:s17+$0xC00] =	vst v0;
	s17 =	smov.u32 s16;
	s16 =	sadd.s32 $0x40, s16  }
.Ltmp0:
0x17: {  	(pc) =	sbr.rel @p0 .LBB2_2-.Ltmp0, $2  }
0x18: {  	_ =	sdelay $0x2  }
0x19: {  	s17 =	sshra.s32 s17, $0x2  }
0x1a: {  	[tilespmem:s17+$0xC00] =	vst v0  }
0x1b: {  	[tilespmem:s12], [sflag:$0x1] =	stream.strided.gather [hbm4b:s5+s11], $0x200, s10, s11, $0x38;
	[tilespmem:$0x1000] =	vst v63  }
0x1c: {  	_ =	swait.ge [sflag:s9], $0x200  }
0x1d: {  	[sflag:s9] =	ssyncset.done $0x0  }
0x1e: {  	[sflag:s9] =	ssyncadd.s32 $0xFFFFFE00  }
0x1f: {  	[tilespmem:s13], [sflag:$0x1] =	stream.strided.gather [hbm4b:s6+s11], $0x200, s10, s11, $0x38;
	[tilespmem:$0x1000] =	vst v63  }
0x20: {  	_ =	swait.ge [sflag:s9], $0x200  }
0x21: {  	[sflag:s9] =	ssyncset.done $0x0  }
0x22: {  	s17 =	simm.s32 $0x0;
	[sflag:s9] =	ssyncadd.s32 $0xFFFFFE00  }
0x23: {  	s16 =	simm.s32 $0x40;
	v1 =	vld [tilespmem:s17+$0x800]  }
.LBB2_4:
0x24: {  	p0 =	sne.s32 s16, $0x7C0;
	_ =	sdelay $0x5  }
0x25: {  	v2 =	vld [tilespmem:s17+$0xA00]  }
0x26: {  	v3 =	vld.idx.msk [tilespmem:v1+s2+$0x0], $0xffff  }
0x27: {  	v1 =	vld.idx.msk [tilespmem:v1+s10+$0x0], $0xffff;
	_ =	sdelay $0x4  }
.Ltmp1:
0x28: {  	(pc) =	sbr.rel @p0 .LBB2_4-.Ltmp1, $3  }
0x29: {  	v1 =	vmul.f32 v1, v3;
	_ =	sdelay $0x1  }
0x2a: {  	s17 =	sshra.s32 s16, $0x2;
	[tilespmem:v2+s14+$0x0] =	vst.idx.add.f32.msk $0xffff, v1  }
0x2b: {  	s16 =	sadd.s32 $0x40, s16;
	v1 =	vld [tilespmem:s17+$0x800]  }
0x2c: {  	_ =	sdelay $0x6  }
0x2d: {  	v2 =	vld [tilespmem:s17+$0xA00]  }
0x2e: {  	v3 =	vld.idx.msk [tilespmem:v1+s2+$0x0], $0xffff  }
0x2f: {  	v1 =	vld.idx.msk [tilespmem:v1+s10+$0x0], $0xffff;
	_ =	sdelay $0x4  }
0x30: {  	s15 =	sadd.s32 $0x1, s15;
	v1 =	vmul.f32 v1, v3  }
0x31: {  	p0 =	sne.s32 s15, s8  }
.Ltmp2:
0x32: {  	[tilespmem:v2+s14+$0x0] =	vst.idx.add.f32.msk $0xffff, v1;
	(pc) =	sbr.rel @p0 .LBB2_1-.Ltmp2, $4  }
0x33: {  	[hbm4b:s7+s11] =	stream.strided.scatter [tilespmem:s14], [sflag:$0x1], $0x400, s10, s11, $0x38;
	[tilespmem:$0x1000] =	vst v63  }
0x34: {  	_ =	swait.ge [sflag:s9], $0x400  }
0x35: {  	[sflag:s9] =	ssyncset.done $0x0  }
0x36: {  	[sflag:s9] =	ssyncadd.s32 $0xFFFFFC00  }
0x37: {  	_ =	sfence.sel $0x180000  }
0x38: {  	[bflag:$0x0] =	sbarrier.arrive $0xFFFF  }
0x39: {  	p0 =	sne.s32 s1, $0x0;
	_ =	strace $0x9000004A  }
0x3a: {  	s0 =	sadd.s32 @!p0 $0x100000, s0;
	[bflag:$0x2] =	sbarrier.arrive $0xFFFF  }
0x3b: {  	[sflag:s0] =	ssyncadd.tile.s32 @!p0 $0x1;
	_ =	shalt  }
.Lfunc_end2:
_tile_overlayer_lowered:
.L_overlay_start_2:
0x3c: {  	(tag) =	ssettag $0x2  }
0x3d: {  	s0 =	rddreg [dreg:$0x0];
	s2 =	stileid.u32  }
0x3e: {  	s1 =	rddreg [dreg:$0x1];
	p0 =	sne.s32 s2, $0x0  }
0x3f: {  	s3 =	rddreg [dreg:$0x2];
	[bflag:$0x3] =	sbarrier.arrive $0xFFFF;
	s2 =	simm.s32 @!p0 $0x1C01  }
0x40: {  	[timem:s3], [sflag:s2] =	dma.local @!p0 [hbm:s0], s1  }
0x41: {  	s0 =	simm.s32 @!p0 $0x1  }
0x42: {  	_ =	swait.ge @!p0 [sflag:s0], s1  }
0x43: {  	s1 =	ssub.s32 @!p0 $0x0, s1;
	[sflag:s0] =	ssyncset.done @!p0 $0x0  }
0x44: {  	[sflag:s0] =	ssyncadd.s32 @!p0 s1  }
0x45: {  	[bflag:$0x3] =	sbarrier.arrive $0xFFFF  }
0x46: {  	_ =	shalt  }

// kernel: kernel.19.cloned.1.call-start
scs
__scs_entry_jumppad:
0x0: {  	(pc) =	sbr.rel $0x88, $3  }
0x1: {  	(tag) =	ssettag $0x0;
	lr =	simm.s32 $0x1  }
0x2: {  	[smem:$0x3F87] =	sst lr;
	_ =	strace $0xD0000000  }
0x3: {  	_ = 	snop  }
0x4: {  	_ = 	snop  }
0x5: {  	_ = 	snop  }
0x6: {  	_ = 	snop  }
0x7: {  	_ = 	snop  }
__scs_overlays_trampoline_lowered:
0x8: {  	[smem:$0x3F96] =	sst s0  }
0x9: {  	[smem:$0x3F97] =	sst s1  }
0xa: {  	[smem:$0x3F98] =	sst s2  }
0xb: {  	[smem:$0x3F99] =	sst s3  }
0xc: {  	[smem:$0x3F9A] =	sst s4  }
0xd: {  	[smem:$0x3F9B] =	sst s5  }
0xe: {  	[smem:$0x3F9C] =	sst s6  }
0xf: {  	[smem:$0x3F9D] =	sst s7  }
0x10: {  	[smem:$0x3F9E] =	sst s8  }
0x11: {  	[smem:$0x3F9F] =	sst s9;
	s0 =	simm.s32 @!p0 $0x0  }
0x12: {  	s1 =	sld [smem:$0x3F85];
	s0 =	simm.s32 @p0 $0x1  }
0x13: {  	[smem:$0x3FA0] =	sst s0;
	s0 =	simm.s32 @!p1 $0x0  }
0x14: {  	s2 =	sld [smem:$0x3F84];
	s0 =	simm.s32 @p1 $0x1  }
0x15: {  	[smem:$0x3FA1] =	sst s0;
	s0 =	simm.s32 @!p2 $0x0  }
0x16: {  	s3 =	sld [smem:$0x3FDB];
	s0 =	simm.s32 @p2 $0x1  }
0x17: {  	s4 =	simm.s32 $0x1BF5;
	[smem:$0x3FA3] =	sst s0  }
0x18: {  	s0 =	sld [smem:$0x3F86];
	_ =	swait.ge [sflag:s4], $0x0  }
0x19: {  	s7 =	sld [smem:$0x3F87]  }
0x1a: {  	s8 =	sadd.s32 $0xFFFFE003, lr  }
0x1b: {  	s9 =	sadd.s32 $0xFFFFFEF7, lr;
	s5 =	simm.s32 $0xFFFFFFFF;
	p2 =	slt.u32 s8, $0xFFFFF086  }
0x1c: {  	p1 =	slt.u32 s9, $0xF7A;
	s5 =	simm.s32 @!p2 $0x0  }
0x1d: {  	s5 =	simm.s32 @p1 $0x1;
	p0 =	seq.s32 s7, s2  }
0x1e: {  	s7 =	smul.u32 @!p0 $0xF7A, s2;
	p2 =	seq.s32 @!p0 s5, $0x0  }
0x1f: {  	s9 =	smul.u32 $0xF7A, s1;
	s8 =	simm.s32 @!p0 $0x1BF5;
	p2 =	por !p2, p0  }
0x20: {  	[sflag:s8] =	ssyncset.s32 @!p0 $0xFFFFF086;
	s6 =	sadd.s32 @!p0 s3, s7;
	s7 =	simm.s32 @!p0 $0x108  }
0x21: {  	s3 =	sadd.s32 s3, s9;
	s6 =	sadd.s32 @!p0 $0x88, s6;
	s7 =	simm.s32 @p2 $0x1082  }
0x22: {  	[simem:s7], [sflag:s8] =	dma.local @!p0 [hbm:s6], $0xF7A  }
0x23: {  	s9 =	sor.u32 $0xD0000000, s2;
	s6 =	simm.s32 $0x108;
	_ =	swait.ge @!p0 [sflag:s8], $0x0  }
0x24: {  	s3 =	sadd.s32 $0x88, s3;
	s6 =	simm.s32 @!p1 $0x1082;
	[sflag:s4] =	ssyncset.s32 $0xFFFFF086  }
0x25: {  	[simem:s6], [sflag:s4] =	dma.local [hbm:s3], $0xF7A  }
0x26: {  	[smem:$0x3F87] =	sst s1;
	(tag) =	ssettag s2;
	_ =	strace s9  }
0x27: {  	s1 =	sld [smem:$0x3F97]  }
0x28: {  	s2 =	sld [smem:$0x3F98]  }
0x29: {  	s4 =	sld [smem:$0x3F9A]  }
0x2a: {  	p0 =	seq.s32 s5, $0x0;
	s5 =	sld [smem:$0x3F9B]  }
0x2b: {  	s6 =	sld [smem:$0x3F9C]  }
0x2c: {  	s7 =	sld [smem:$0x3F9D]  }
0x2d: {  	s3 =	simm.s32 $0x108;
	s8 =	sld [smem:$0x3F9E]  }
0x2e: {  	s3 =	simm.s32 @!p0 $0x1082;
	s9 =	sld [smem:$0x3F9F]  }
0x2f: {  	lr =	sadd.s32 s0, s3;
	s0 =	sld [smem:$0x3F96]  }
0x30: {  	s3 =	sld [smem:$0x3F99]  }
0x31: {  	[smem:$0x3FA2] =	sst s10  }
0x32: {  	s10 =	sld [smem:$0x3FA0];
	_ =	sdelay $0x3  }
0x33: {  	p0 =	seq.s32 s10, $0x1;
	s10 =	sld [smem:$0x3FA2];
	_ =	sdelay $0x3  }
0x34: {  	[smem:$0x3FA2] =	sst s10  }
0x35: {  	s10 =	sld [smem:$0x3FA1];
	_ =	sdelay $0x3  }
0x36: {  	p1 =	seq.s32 s10, $0x1;
	s10 =	sld [smem:$0x3FA2];
	_ =	sdelay $0x3  }
0x37: {  	[smem:$0x3FA2] =	sst s10  }
0x38: {  	s10 =	sld [smem:$0x3FA3]  }
0x39: {  	_ = 	snop;
	(pc) =	sbr.ind lr, $3  }
0x3a: {  	_ = 	snop  }
0x3b: {  	_ = 	snop  }
0x3c: {  	p2 =	seq.s32 s10, $0x1;
	s10 =	sld [smem:$0x3FA2]  }
0x3d: {  	_ =	shalt  }
0x3e: {  	_ =	shalt  }
0x3f: {  	_ =	shalt  }
0x40: {  	_ =	shalt  }
0x41: {  	_ =	shalt  }
0x42: {  	_ =	shalt  }
0x43: {  	_ =	shalt  }
0x44: {  	_ =	shalt  }
0x45: {  	_ =	shalt  }
0x46: {  	_ =	shalt  }
0x47: {  	_ =	shalt  }
0x48: {  	_ =	shalt  }
0x49: {  	_ =	shalt  }
0x4a: {  	_ =	shalt  }
0x4b: {  	_ =	shalt  }
0x4c: {  	_ =	shalt  }
0x4d: {  	_ =	shalt  }
0x4e: {  	_ =	shalt  }
0x4f: {  	_ =	shalt  }
0x50: {  	_ =	shalt  }
0x51: {  	_ =	shalt  }
0x52: {  	_ =	shalt  }
0x53: {  	_ =	shalt  }
0x54: {  	_ =	shalt  }
0x55: {  	_ =	shalt  }
0x56: {  	_ =	shalt  }
0x57: {  	_ =	shalt  }
0x58: {  	_ =	shalt  }
0x59: {  	_ =	shalt  }
0x5a: {  	_ =	shalt  }
0x5b: {  	_ =	shalt  }
0x5c: {  	_ =	shalt  }
0x5d: {  	_ =	shalt  }
0x5e: {  	_ =	shalt  }
0x5f: {  	_ =	shalt  }
0x60: {  	_ =	shalt  }
0x61: {  	_ =	shalt  }
0x62: {  	_ =	shalt  }
0x63: {  	_ =	shalt  }
0x64: {  	_ =	shalt  }
0x65: {  	_ =	shalt  }
0x66: {  	_ =	shalt  }
0x67: {  	_ =	shalt  }
0x68: {  	_ =	shalt  }
0x69: {  	_ =	shalt  }
0x6a: {  	_ =	shalt  }
0x6b: {  	_ =	shalt  }
0x6c: {  	_ =	shalt  }
0x6d: {  	_ =	shalt  }
0x6e: {  	_ =	shalt  }
0x6f: {  	_ =	shalt  }
0x70: {  	_ =	shalt  }
0x71: {  	_ =	shalt  }
0x72: {  	_ =	shalt  }
0x73: {  	_ =	shalt  }
0x74: {  	_ =	shalt  }
0x75: {  	_ =	shalt  }
0x76: {  	_ =	shalt  }
0x77: {  	_ =	shalt  }
0x78: {  	_ =	shalt  }
0x79: {  	_ =	shalt  }
0x7a: {  	_ =	shalt  }
0x7b: {  	_ =	shalt  }
0x7c: {  	_ =	shalt  }
0x7d: {  	_ =	shalt  }
0x7e: {  	_ =	shalt  }
0x7f: {  	_ =	shalt  }
0x80: {  	_ =	shalt  }
0x81: {  	_ =	shalt  }
0x82: {  	_ =	shalt  }
0x83: {  	_ =	shalt  }
0x84: {  	_ =	shalt  }
0x85: {  	_ =	shalt  }
0x86: {  	_ =	shalt  }
0x87: {  	_ =	shalt  }
.Lfunc_end0:
.L_simem_size_0:
called_computation.2_lowered:
.L_overlay_start_0:
0x88: {  	s2 =	sld [smem:$0x3FD9]  }
0x89: {  	s3 =	sld [smem:$0x3FFE];
	_ =	sdelay $0x1  }
0x8a: {  	s1 =	srdreg.scid  }
0x8b: {  	s0 =	sand.u32 $0x1, s1  }
0x8c: {  	s17 =	sshll.u32 s0, $0xA;
	s2 =	sadd.s32 s3, s2  }
0x8d: {  	s2 =	sadd.s32 s2, s17  }
0x8e: {  	[smem:$0x3FAE] =	sst s2  }
0x8f: {  	_ = 	snop  }
0x90: {  	(tm) =	ssettm $0x1  }
0x91: {  	s18 =	sld [smem:$0x3FFB];
	_ =	sdelay $0x3  }
0x92: {  	_ =	strace s18  }
0x93: {  	s2 =	sld [smem:$0x3FFC];
	_ =	sdelay $0x3  }
0x94: {  	_ =	strace s2  }
0x95: {  	s2 =	sld [smem:$0x3FFD];
	_ =	sdelay $0x3  }
0x96: {  	_ =	strace s2  }
0x97: {  	_ =	strace $0x8FFFFFFF  }
0x98: {  	s19 =	sld [smem:$0x3FDB];
	_ =	sdelay $0x1  }
0x99: {  	s20 =	simm.s32 $_scs_section_size  }
0x9a: {  	s4 =	simm.s32 $_size__tile_overlayer_lowered;
	s5 =	simm.s32 $_tile_overlayer_lowered  }
0x9b: {  	s6 =	simm.s32 $0x1BFF;
	s21 =	sshll.u32 s5, $0x1;
	s3 =	sadd.s32 s20, s19  }
0x9c: {  	s22 =	simm.s32 $0x0;
	s4 =	sshll.u32 s4, $0x1;
	s5 =	sadd.s32 s21, s3  }
0x9d: {  	[timem:s22], [sflag:s6] =	dma.local [hbm:s5], s4  }
0x9e: {  	_ =	swait.ge [sflag:s6], s4  }
0x9f: {  	s4 =	ssub.s32 $0x0, s4;
	[sflag:s6] =	ssyncset.done $0x0  }
0xa0: {  	[sflag:s6] =	ssyncadd.s32 s4;
	_ =	sdelay $0x1  }
0xa1: {  	s23 =	simm.s32 $0x1B8B  }
0xa2: {  	_ =	swait.ge [sflag:s23], $0x1  }
0xa3: {  	[sflag:s23] =	ssyncset.done $0x0  }
0xa4: {  	[sflag:s23] =	ssyncadd.s32 $0xFFFFFFFF  }
0xa5: {  	s4 =	sld [smem:$0x0]  }
0xa6: {  	s5 =	sand.u32 $0xFFFFFFFE, s1  }
0xa7: {  	p0 =	sne.s32 s1, s5  }
0xa8: {  	s5 =	sshll.u32 @p0 s5, $0xE  }
0xa9: {  	s5 =	sadd.s32 @p0 $0x11B8D, s5;
	s6 =	sshll.u32 @p0 s4, $0x11  }
0xaa: {  	s5 =	sor.u32 @p0 s6, s5  }
0xab: {  	[sflag:s5] =	ssyncadd.remote.s32 @p0 $0x1;
	_ =	sdelay $0x1  }
0xac: {  	s5 =	simm.s32 @p0 $0x1B8D  }
0xad: {  	_ =	swait.eq @p0 [sflag:s5], $0x1  }
0xae: {  	[sflag:s5] =	ssyncadd.s32 @p0 $0xFFFFFFFF  }
0xaf: {  	s6 =	sshll.u32 @!p0 s1, $0xE  }
0xb0: {  	s6 =	sor.u32 @!p0 $0x4000, s6;
	s5 =	simm.s32 @!p0 $0x1B8D  }
0xb1: {  	s4 =	sshll.u32 @!p0 s4, $0x11;
	s6 =	sadd.s32 @!p0 $0x11B8D, s6;
	_ =	swait.eq @!p0 [sflag:s5], $0x1  }
0xb2: {  	s4 =	sor.u32 @!p0 s4, s6;
	[sflag:s5] =	ssyncadd.s32 @!p0 $0xFFFFFFFF  }
0xb3: {  	s25 =	simm.s32 $0x1B8E;
	s24 =	sld [smem:$0x3FFE];
	[sflag:s4] =	ssyncadd.remote.s32 @!p0 $0x1  }
0xb4: {  	s26 =	simm.s32 $execute0_lowered;
	[smem:$0x3FD2] =	sst s25  }
0xb5: {  	s5 =	sshll.u32 s26, $0x1;
	_ =	strace $0x8000004F;
	[dreg:$0x1] =	wrdreg $0xFFFFFFFF  }
0xb6: {  	s28 =	simm.s32 $_size_execute0_lowered;
	s3 =	sadd.s32 s3, s5;
	[dreg:$0x0] =	wrdreg $0x0  }
0xb7: {  	s5 =	sshll.u32 s28, $0x1;
	[dreg:$0x2] =	wrdreg s3  }
0xb8: {  	[dreg:$0x3] =	wrdreg s5  }
0xb9: {  	[dreg:$0x4] =	wrdreg $0xC0  }
0xba: {  	_ =	task [dreg:s22], $0x5FFFF  }
0xbb: {  	[dreg:$0x1] =	wrdreg $0xFFFFFFFF  }
0xbc: {  	[dreg:$0x0] =	wrdreg $0x60  }
0xbd: {  	[dreg:$0x2] =	wrdreg s24  }
0xbe: {  	[dreg:$0x3] =	wrdreg $0xA8000  }
0xbf: {  	[dreg:$0x4] =	wrdreg $0x9  }
0xc0: {  	_ =	task.clear_ibuf [dreg:s22], $0x5FFFF;
	_ =	strace $0x9000004F  }
0xc1: {  	s29 =	simm.s32 $0x9;
	_ =	strace $0x80000051  }
0xc2: {  	_ =	swait.ge [sflag:s29], $0x1  }
0xc3: {  	[sflag:s29] =	ssyncadd.s32 $0xFFFFFFFF  }
0xc4: {  	_ =	strace $0x90000051  }
0xc5: {  	_ =	sfence  }
0xc6: {  	s30 =	sld [smem:$0x0];
	_ =	sdelay $0x2  }
0xc7: {  	s31 =	sshll.u32 s1, $0xD;
	s1 =	sshrl.u32 s1, $0x2  }
0xc8: {  	s4 =	sand.u32 $0x4000, s31;
	s1 =	sadd.s32 s1, s30  }
0xc9: {  	s0 =	sor.u32 s4, s0;
	s1 =	sshll.u32 s1, $0x11  }
0xca: {  	s0 =	sor.u32 s1, s0  }
0xcb: {  	s0 =	sadd.s32 $0x8F2B, s0  }
0xcc: {  	[sflag:s0] =	ssyncadd.remote.s32 $0x1  }
0xcd: {  	_ =	sfence.sel $0xFFFF  }
0xce: {  	[dreg:$0x0] =	wrdreg $0xFFFFFFFF;
	(pc) =	sbr.abs _section_cstart, $3  }
0xcf: {  	[dreg:$0x1] =	wrdreg $0xFFFFFFFF  }
0xd0: {  	_ =	task.clear_ibuf [dreg:s22], $0x2FFFF;
	_ =	strace $0x9FFFFFFF  }
0xd1: {  	(tm) =	ssettm $0x7FFFFFFF  }
tec
execute0_lowered:
.L_overlay_start_1:
0x0: {  	(tag) =	ssettag $0x1  }
0x1: {  	s6 =	rddreg [dreg:$0x0]  }
0x2: {  	s1 =	rddreg [dreg:$0x1]  }
0x3: {  	s0 =	rddreg [dreg:$0x2];
	s3 =	simm.s32 $0x0;
	s4 =	srdreg.scid  }
0x4: {  	s2 =	stileid.u32;
	s13 =	simm.s32 $0x50;
	s14 =	simm.s32 $0x8000  }
0x5: {  	s15 =	simm.s32 $0x1;
	[smem:$0x7FF] =	sst s3;
	s5 =	sand.u32 $0x1, s4  }
0x6: {  	s8 =	sshll.u32 s2, $0xB;
	s4 =	sadd.s32 $0x52600, s6;
	s10 =	smul.u32 $0x4F000, s2  }
0x7: {  	s17 =	smul.u32 $0x2780, s2;
	s11 =	sshll.u32 s2, $0x6;
	_ =	strace $0x80000050  }
0x8: {  	s7 =	sshll.u32 s5, $0xF;
	s30 =	smul.u32 $0x27800, s5;
	s9 =	ssub.s32 $0x2, s5  }
0x9: {  	s5 =	sadd.s32 $0xB800, s6;
	s11 =	sor.u32 $0x1C02, s11;
	s7 =	sor.u32 s8, s7  }
0xa: {  	s31 =	sshrl.u32 s9, $0x1;
	s10 =	sshrl.u32 s10, $0x2;
	s7 =	sadd.s32 s7, s6  }
0xb: {  	s8 =	sadd.s32 s30, s6;
	s9 =	ssub.s32 s9, s31;
	s12 =	sadd.s32 s10, s1  }
0xc: {  	s10 =	simm.s32 $0x4000;
	s6 =	sadd.s32 $0x42600, s7;
	s7 =	sadd.s32 $0x32600, s7  }
0xd: {  	s16 =	sadd.s32 $0x79800, s8;
	s8 =	smax.u32 s9, $0x1;
	s9 =	simm.s32 $0x2  }
0xe: {  	s12 =	sshrl.u32 s12, $0x3;
	s16 =	sadd.s32 s17, s16;
	s17 =	simm.s32 $0x0  }
.LBB2_1:
0xf: {  	[tilespmem:s3], [sflag:$0x2] =	stream.linear.gather [hbm4b:s6+s3], $0x3E80, $0x38;
	[tilespmem:$0x1E400] =	vst v63  }
0x10: {  	_ =	swait.ge [sflag:s9], $0x3E80  }
0x11: {  	[sflag:s9] =	ssyncset.done $0x0  }
0x12: {  	[sflag:s9] =	ssyncadd.s32 $0xFFFFC180  }
0x13: {  	[tilespmem:s10], [sflag:$0x2] =	stream.linear.gather [hbm4b:s7+s3], $0x3E80, $0x38;
	[tilespmem:$0x1E400] =	vst v63  }
0x14: {  	_ =	swait.ge [sflag:s9], $0x3E80  }
0x15: {  	[sflag:s9] =	ssyncset.done $0x0  }
0x16: {  	[sflag:s9] =	ssyncadd.s32 $0xFFFFC180  }
0x17: {  	[spmem:s12], [sflag:s11] =	dma.local [hbm:s5], $0x2780  }
0x18: {  	_ =	swait.ge [sflag:s9], $0x2780  }
0x19: {  	[sflag:s9] =	ssyncset.done $0x0  }
0x1a: {  	[sflag:s9] =	ssyncadd.s32 $0xFFFFD880  }
0x1b: {  	s18 =	simm.s32 $0x0;
	[bflag:$0x0] =	sbarrier.arrive $0xFFFF  }
0x1c: {  	[tilespmem:s14], [sflag:$0x1] =	stream.indirect.gather [hbm4b:s4+s13], $0x80, s18, s13, $0xb8;
	[tilespmem:$0x1E400] =	vst v63  }
0x1d: {  	_ =	swait.ge [sflag:s15], $0x2800  }
0x1e: {  	[sflag:s15] =	ssyncset.done $0x0  }
0x1f: {  	s31 =	simm.s32 $0x4000;
	[sflag:s15] =	ssyncadd.s32 $0xFFFFD800  }
0x20: {  	[spmem:s1] =	stream.indirect.scatter.add.f32 [tilespmem:s14], [sflag:$0x2], $0x80, s31, s13, $0xb8;
	[tilespmem:$0x1E400] =	vst v63  }
0x21: {  	_ =	swait.ge [sflag:s9], $0x2800  }
0x22: {  	s19 =	simm.s32 $0x400;
	s18 =	simm.s32 $0x200;
	[sflag:s9] =	ssyncset.done $0x0  }
.LBB2_2:
0x23: {  	s20 =	sshra.s32 s18, $0x2  }
0x24: {  	[sflag:s9] =	ssyncadd.s32 $0xFFFFD800;
	s18 =	smov.u32 s19;
	s21 =	sadd.s32 $0x200, s19  }
0x25: {  	[tilespmem:s14], [sflag:$0x1] =	stream.indirect.gather [hbm4b:s4+s13], $0x80, s20, s13, $0xb8;
	[tilespmem:$0x1E400] =	vst v63  }
0x26: {  	p0 =	sne.s32 s19, $0xF800;
	_ =	swait.ge [sflag:s15], $0x2800  }
.Ltmp0:
0x27: {  	[sflag:s15] =	ssyncset.done $0x0;
	(pc) =	sbr.rel @p0 .LBB2_2-.Ltmp0, $4  }
0x28: {  	s19 =	sadd.s32 $0x4000, s20;
	[sflag:s15] =	ssyncadd.s32 $0xFFFFD800  }
0x29: {  	[spmem:s1] =	stream.indirect.scatter.add.f32 [tilespmem:s14], [sflag:$0x2], $0x80, s19, s13, $0xb8;
	[tilespmem:$0x1E400] =	vst v63  }
0x2a: {  	_ =	swait.ge [sflag:s9], $0x2800  }
0x2b: {  	s19 =	smov.u32 s21;
	[sflag:s9] =	ssyncset.done $0x0  }
0x2c: {  	s18 =	sshra.s32 s18, $0x2;
	[sflag:s9] =	ssyncadd.s32 $0xFFFFD800  }
0x2d: {  	[tilespmem:s14], [sflag:$0x1] =	stream.indirect.gather [hbm4b:s4+s13], $0x80, s18, s13, $0xb8;
	[tilespmem:$0x1E400] =	vst v63  }
0x2e: {  	_ =	swait.ge [sflag:s15], $0x2800  }
0x2f: {  	[sflag:s15] =	ssyncset.done $0x0  }
0x30: {  	s18 =	sadd.s32 $0x4000, s18;
	[sflag:s15] =	ssyncadd.s32 $0xFFFFD800  }
0x31: {  	[spmem:s1] =	stream.indirect.scatter.add.f32 [tilespmem:s14], [sflag:$0x2], $0x80, s18, s13, $0xb8;
	[tilespmem:$0x1E400] =	vst v63  }
0x32: {  	_ =	swait.ge [sflag:s9], $0x2800  }
0x33: {  	s17 =	sadd.s32 $0x1, s17;
	[sflag:s9] =	ssyncset.done $0x0  }
0x34: {  	p0 =	sne.s32 s17, s8;
	[sflag:s9] =	ssyncadd.s32 $0xFFFFD800  }
.Ltmp1:
0x35: {  	[bflag:$0x0] =	sbarrier.arrive $0xFFFF;
	(pc) =	sbr.rel @p0 .LBB2_1-.Ltmp1, $4  }
0x36: {  	[hbm:s16], [sflag:s11] =	dma.local [spmem:s12], $0x2780  }
0x37: {  	_ =	swait.ge [sflag:s9], $0x2780  }
0x38: {  	[sflag:s9] =	ssyncset.done $0x0  }
0x39: {  	[sflag:s9] =	ssyncadd.s32 $0xFFFFD880  }
0x3a: {  	_ =	sfence.sel $0x180000  }
0x3b: {  	[bflag:$0x0] =	sbarrier.arrive $0xFFFF  }
0x3c: {  	p0 =	sne.s32 s2, $0x0;
	_ =	strace $0x90000050  }
0x3d: {  	s0 =	sadd.s32 @!p0 $0x100000, s0;
	[bflag:$0x2] =	sbarrier.arrive $0xFFFF  }
0x3e: {  	[sflag:s0] =	ssyncadd.tile.s32 @!p0 $0x1;
	_ =	shalt  }
.Lfunc_end2:
_tile_overlayer_lowered:
.L_overlay_start_2:
0x3f: {  	(tag) =	ssettag $0x2  }
0x40: {  	s0 =	rddreg [dreg:$0x0];
	s2 =	stileid.u32  }
0x41: {  	s1 =	rddreg [dreg:$0x1];
	p0 =	sne.s32 s2, $0x0  }
0x42: {  	s3 =	rddreg [dreg:$0x2];
	[bflag:$0x3] =	sbarrier.arrive $0xFFFF;
	s2 =	simm.s32 @!p0 $0x1C02  }
0x43: {  	[timem:s3], [sflag:s2] =	dma.local @!p0 [hbm:s0], s1  }
0x44: {  	s0 =	simm.s32 @!p0 $0x2  }
0x45: {  	_ =	swait.ge @!p0 [sflag:s0], s1  }
0x46: {  	s1 =	ssub.s32 @!p0 $0x0, s1;
	[sflag:s0] =	ssyncset.done @!p0 $0x0  }
0x47: {  	[sflag:s0] =	ssyncadd.s32 @!p0 s1  }
0x48: {  	[bflag:$0x3] =	sbarrier.arrive $0xFFFF  }
0x49: {  	_ =	shalt  }

// kernel: kernel.22.cloned.1.call-start
scs
__scs_entry_jumppad:
0x0: {  	(pc) =	sbr.rel $0x88, $3  }
0x1: {  	(tag) =	ssettag $0x0;
	lr =	simm.s32 $0x1  }
0x2: {  	[smem:$0x3F87] =	sst lr;
	_ =	strace $0xD0000000  }
0x3: {  	_ = 	snop  }
0x4: {  	_ = 	snop  }
0x5: {  	_ = 	snop  }
0x6: {  	_ = 	snop  }
0x7: {  	_ = 	snop  }
__scs_overlays_trampoline_lowered:
0x8: {  	[smem:$0x3F96] =	sst s0  }
0x9: {  	[smem:$0x3F97] =	sst s1  }
0xa: {  	[smem:$0x3F98] =	sst s2  }
0xb: {  	[smem:$0x3F99] =	sst s3  }
0xc: {  	[smem:$0x3F9A] =	sst s4  }
0xd: {  	[smem:$0x3F9B] =	sst s5  }
0xe: {  	[smem:$0x3F9C] =	sst s6  }
0xf: {  	[smem:$0x3F9D] =	sst s7  }
0x10: {  	[smem:$0x3F9E] =	sst s8  }
0x11: {  	[smem:$0x3F9F] =	sst s9;
	s0 =	simm.s32 @!p0 $0x0  }
0x12: {  	s1 =	sld [smem:$0x3F85];
	s0 =	simm.s32 @p0 $0x1  }
0x13: {  	[smem:$0x3FA0] =	sst s0;
	s0 =	simm.s32 @!p1 $0x0  }
0x14: {  	s2 =	sld [smem:$0x3F84];
	s0 =	simm.s32 @p1 $0x1  }
0x15: {  	[smem:$0x3FA1] =	sst s0;
	s0 =	simm.s32 @!p2 $0x0  }
0x16: {  	s3 =	sld [smem:$0x3FDB];
	s0 =	simm.s32 @p2 $0x1  }
0x17: {  	s4 =	simm.s32 $0x1BF5;
	[smem:$0x3FA3] =	sst s0  }
0x18: {  	s0 =	sld [smem:$0x3F86];
	_ =	swait.ge [sflag:s4], $0x0  }
0x19: {  	s7 =	sld [smem:$0x3F87]  }
0x1a: {  	s8 =	sadd.s32 $0xFFFFE003, lr  }
0x1b: {  	s9 =	sadd.s32 $0xFFFFFEF7, lr;
	s5 =	simm.s32 $0xFFFFFFFF;
	p2 =	slt.u32 s8, $0xFFFFF086  }
0x1c: {  	p1 =	slt.u32 s9, $0xF7A;
	s5 =	simm.s32 @!p2 $0x0  }
0x1d: {  	s5 =	simm.s32 @p1 $0x1;
	p0 =	seq.s32 s7, s2  }
0x1e: {  	s7 =	smul.u32 @!p0 $0xF7A, s2;
	p2 =	seq.s32 @!p0 s5, $0x0  }
0x1f: {  	s9 =	smul.u32 $0xF7A, s1;
	s8 =	simm.s32 @!p0 $0x1BF5;
	p2 =	por !p2, p0  }
0x20: {  	[sflag:s8] =	ssyncset.s32 @!p0 $0xFFFFF086;
	s6 =	sadd.s32 @!p0 s3, s7;
	s7 =	simm.s32 @!p0 $0x108  }
0x21: {  	s3 =	sadd.s32 s3, s9;
	s6 =	sadd.s32 @!p0 $0x88, s6;
	s7 =	simm.s32 @p2 $0x1082  }
0x22: {  	[simem:s7], [sflag:s8] =	dma.local @!p0 [hbm:s6], $0xF7A  }
0x23: {  	s9 =	sor.u32 $0xD0000000, s2;
	s6 =	simm.s32 $0x108;
	_ =	swait.ge @!p0 [sflag:s8], $0x0  }
0x24: {  	s3 =	sadd.s32 $0x88, s3;
	s6 =	simm.s32 @!p1 $0x1082;
	[sflag:s4] =	ssyncset.s32 $0xFFFFF086  }
0x25: {  	[simem:s6], [sflag:s4] =	dma.local [hbm:s3], $0xF7A  }
0x26: {  	[smem:$0x3F87] =	sst s1;
	(tag) =	ssettag s2;
	_ =	strace s9  }
0x27: {  	s1 =	sld [smem:$0x3F97]  }
0x28: {  	s2 =	sld [smem:$0x3F98]  }
0x29: {  	s4 =	sld [smem:$0x3F9A]  }
0x2a: {  	p0 =	seq.s32 s5, $0x0;
	s5 =	sld [smem:$0x3F9B]  }
0x2b: {  	s6 =	sld [smem:$0x3F9C]  }
0x2c: {  	s7 =	sld [smem:$0x3F9D]  }
0x2d: {  	s3 =	simm.s32 $0x108;
	s8 =	sld [smem:$0x3F9E]  }
0x2e: {  	s3 =	simm.s32 @!p0 $0x1082;
	s9 =	sld [smem:$0x3F9F]  }
0x2f: {  	lr =	sadd.s32 s0, s3;
	s0 =	sld [smem:$0x3F96]  }
0x30: {  	s3 =	sld [smem:$0x3F99]  }
0x31: {  	[smem:$0x3FA2] =	sst s10  }
0x32: {  	s10 =	sld [smem:$0x3FA0];
	_ =	sdelay $0x3  }
0x33: {  	p0 =	seq.s32 s10, $0x1;
	s10 =	sld [smem:$0x3FA2];
	_ =	sdelay $0x3  }
0x34: {  	[smem:$0x3FA2] =	sst s10  }
0x35: {  	s10 =	sld [smem:$0x3FA1];
	_ =	sdelay $0x3  }
0x36: {  	p1 =	seq.s32 s10, $0x1;
	s10 =	sld [smem:$0x3FA2];
	_ =	sdelay $0x3  }
0x37: {  	[smem:$0x3FA2] =	sst s10  }
0x38: {  	s10 =	sld [smem:$0x3FA3]  }
0x39: {  	_ = 	snop;
	(pc) =	sbr.ind lr, $3  }
0x3a: {  	_ = 	snop  }
0x3b: {  	_ = 	snop  }
0x3c: {  	p2 =	seq.s32 s10, $0x1;
	s10 =	sld [smem:$0x3FA2]  }
0x3d: {  	_ =	shalt  }
0x3e: {  	_ =	shalt  }
0x3f: {  	_ =	shalt  }
0x40: {  	_ =	shalt  }
0x41: {  	_ =	shalt  }
0x42: {  	_ =	shalt  }
0x43: {  	_ =	shalt  }
0x44: {  	_ =	shalt  }
0x45: {  	_ =	shalt  }
0x46: {  	_ =	shalt  }
0x47: {  	_ =	shalt  }
0x48: {  	_ =	shalt  }
0x49: {  	_ =	shalt  }
0x4a: {  	_ =	shalt  }
0x4b: {  	_ =	shalt  }
0x4c: {  	_ =	shalt  }
0x4d: {  	_ =	shalt  }
0x4e: {  	_ =	shalt  }
0x4f: {  	_ =	shalt  }
0x50: {  	_ =	shalt  }
0x51: {  	_ =	shalt  }
0x52: {  	_ =	shalt  }
0x53: {  	_ =	shalt  }
0x54: {  	_ =	shalt  }
0x55: {  	_ =	shalt  }
0x56: {  	_ =	shalt  }
0x57: {  	_ =	shalt  }
0x58: {  	_ =	shalt  }
0x59: {  	_ =	shalt  }
0x5a: {  	_ =	shalt  }
0x5b: {  	_ =	shalt  }
0x5c: {  	_ =	shalt  }
0x5d: {  	_ =	shalt  }
0x5e: {  	_ =	shalt  }
0x5f: {  	_ =	shalt  }
0x60: {  	_ =	shalt  }
0x61: {  	_ =	shalt  }
0x62: {  	_ =	shalt  }
0x63: {  	_ =	shalt  }
0x64: {  	_ =	shalt  }
0x65: {  	_ =	shalt  }
0x66: {  	_ =	shalt  }
0x67: {  	_ =	shalt  }
0x68: {  	_ =	shalt  }
0x69: {  	_ =	shalt  }
0x6a: {  	_ =	shalt  }
0x6b: {  	_ =	shalt  }
0x6c: {  	_ =	shalt  }
0x6d: {  	_ =	shalt  }
0x6e: {  	_ =	shalt  }
0x6f: {  	_ =	shalt  }
0x70: {  	_ =	shalt  }
0x71: {  	_ =	shalt  }
0x72: {  	_ =	shalt  }
0x73: {  	_ =	shalt  }
0x74: {  	_ =	shalt  }
0x75: {  	_ =	shalt  }
0x76: {  	_ =	shalt  }
0x77: {  	_ =	shalt  }
0x78: {  	_ =	shalt  }
0x79: {  	_ =	shalt  }
0x7a: {  	_ =	shalt  }
0x7b: {  	_ =	shalt  }
0x7c: {  	_ =	shalt  }
0x7d: {  	_ =	shalt  }
0x7e: {  	_ =	shalt  }
0x7f: {  	_ =	shalt  }
0x80: {  	_ =	shalt  }
0x81: {  	_ =	shalt  }
0x82: {  	_ =	shalt  }
0x83: {  	_ =	shalt  }
0x84: {  	_ =	shalt  }
0x85: {  	_ =	shalt  }
0x86: {  	_ =	shalt  }
0x87: {  	_ =	shalt  }
.Lfunc_end0:
.L_simem_size_0:
called_computation.3_lowered:
.L_overlay_start_0:
0x88: {  	s2 =	sld [smem:$0x3FD9]  }
0x89: {  	s3 =	sld [smem:$0x3FFE];
	_ =	sdelay $0x1  }
0x8a: {  	s1 =	srdreg.scid  }
0x8b: {  	s0 =	sand.u32 $0x1, s1  }
0x8c: {  	s17 =	sshll.u32 s0, $0xA;
	s2 =	sadd.s32 s3, s2  }
0x8d: {  	s2 =	sadd.s32 s2, s17  }
0x8e: {  	[smem:$0x3FAE] =	sst s2  }
0x8f: {  	_ = 	snop  }
0x90: {  	(tm) =	ssettm $0x1  }
0x91: {  	s18 =	sld [smem:$0x3FFB];
	_ =	sdelay $0x3  }
0x92: {  	_ =	strace s18  }
0x93: {  	s2 =	sld [smem:$0x3FFC];
	_ =	sdelay $0x3  }
0x94: {  	_ =	strace s2  }
0x95: {  	s2 =	sld [smem:$0x3FFD];
	_ =	sdelay $0x3  }
0x96: {  	_ =	strace s2  }
0x97: {  	_ =	strace $0x8FFFFFFF  }
0x98: {  	s19 =	sld [smem:$0x3FDB];
	_ =	sdelay $0x1  }
0x99: {  	s20 =	simm.s32 $_scs_section_size  }
0x9a: {  	s4 =	simm.s32 $_size__tile_overlayer_lowered;
	s5 =	simm.s32 $_tile_overlayer_lowered  }
0x9b: {  	s6 =	simm.s32 $0x1BFF;
	s21 =	sshll.u32 s5, $0x1;
	s3 =	sadd.s32 s20, s19  }
0x9c: {  	s22 =	simm.s32 $0x0;
	s4 =	sshll.u32 s4, $0x1;
	s5 =	sadd.s32 s21, s3  }
0x9d: {  	[timem:s22], [sflag:s6] =	dma.local [hbm:s5], s4  }
0x9e: {  	_ =	swait.ge [sflag:s6], s4  }
0x9f: {  	s4 =	ssub.s32 $0x0, s4;
	[sflag:s6] =	ssyncset.done $0x0  }
0xa0: {  	[sflag:s6] =	ssyncadd.s32 s4;
	_ =	sdelay $0x1  }
0xa1: {  	s23 =	simm.s32 $0x1B8B  }
0xa2: {  	_ =	swait.ge [sflag:s23], $0x1  }
0xa3: {  	[sflag:s23] =	ssyncset.done $0x0  }
0xa4: {  	[sflag:s23] =	ssyncadd.s32 $0xFFFFFFFF  }
0xa5: {  	s4 =	sld [smem:$0x0]  }
0xa6: {  	s5 =	sand.u32 $0xFFFFFFFE, s1  }
0xa7: {  	p0 =	sne.s32 s1, s5  }
0xa8: {  	s5 =	sshll.u32 @p0 s5, $0xE  }
0xa9: {  	s5 =	sadd.s32 @p0 $0x11B8D, s5;
	s6 =	sshll.u32 @p0 s4, $0x11  }
0xaa: {  	s5 =	sor.u32 @p0 s6, s5  }
0xab: {  	[sflag:s5] =	ssyncadd.remote.s32 @p0 $0x1;
	_ =	sdelay $0x1  }
0xac: {  	s5 =	simm.s32 @p0 $0x1B8D  }
0xad: {  	_ =	swait.eq @p0 [sflag:s5], $0x1  }
0xae: {  	[sflag:s5] =	ssyncadd.s32 @p0 $0xFFFFFFFF  }
0xaf: {  	s6 =	sshll.u32 @!p0 s1, $0xE  }
0xb0: {  	s6 =	sor.u32 @!p0 $0x4000, s6;
	s5 =	simm.s32 @!p0 $0x1B8D  }
0xb1: {  	s4 =	sshll.u32 @!p0 s4, $0x11;
	s6 =	sadd.s32 @!p0 $0x11B8D, s6;
	_ =	swait.eq @!p0 [sflag:s5], $0x1  }
0xb2: {  	s4 =	sor.u32 @!p0 s4, s6;
	[sflag:s5] =	ssyncadd.s32 @!p0 $0xFFFFFFFF  }
0xb3: {  	s25 =	simm.s32 $0x1B8E;
	s24 =	sld [smem:$0x3FFE];
	[sflag:s4] =	ssyncadd.remote.s32 @!p0 $0x1  }
0xb4: {  	s26 =	simm.s32 $execute0_lowered;
	[smem:$0x3FD2] =	sst s25  }
0xb5: {  	s5 =	sshll.u32 s26, $0x1;
	_ =	strace $0x8000004C;
	[dreg:$0x1] =	wrdreg $0xFFFFFFFF  }
0xb6: {  	s28 =	simm.s32 $_size_execute0_lowered;
	s3 =	sadd.s32 s3, s5;
	[dreg:$0x0] =	wrdreg $0x0  }
0xb7: {  	s5 =	sshll.u32 s28, $0x1;
	[dreg:$0x2] =	wrdreg s3  }
0xb8: {  	[dreg:$0x3] =	wrdreg s5  }
0xb9: {  	[dreg:$0x4] =	wrdreg $0xC0  }
0xba: {  	_ =	task [dreg:s22], $0x5FFFF  }
0xbb: {  	[dreg:$0x1] =	wrdreg $0xFFFFFFFF  }
0xbc: {  	[dreg:$0x0] =	wrdreg $0x60  }
0xbd: {  	[dreg:$0x2] =	wrdreg s24  }
0xbe: {  	[dreg:$0x3] =	wrdreg $0xA  }
0xbf: {  	_ =	task.clear_ibuf [dreg:s22], $0x4FFFF;
	_ =	strace $0x9000004C  }
0xc0: {  	s29 =	simm.s32 $0xA;
	_ =	strace $0x8000004E  }
0xc1: {  	_ =	swait.ge [sflag:s29], $0x1  }
0xc2: {  	[sflag:s29] =	ssyncadd.s32 $0xFFFFFFFF  }
0xc3: {  	_ =	strace $0x9000004E  }
0xc4: {  	_ =	sfence  }
0xc5: {  	s30 =	sld [smem:$0x0];
	_ =	sdelay $0x2  }
0xc6: {  	s31 =	sshll.u32 s1, $0xD;
	s1 =	sshrl.u32 s1, $0x2  }
0xc7: {  	s4 =	sand.u32 $0x4000, s31;
	s1 =	sadd.s32 s1, s30  }
0xc8: {  	s0 =	sor.u32 s4, s0;
	s1 =	sshll.u32 s1, $0x11  }
0xc9: {  	s0 =	sor.u32 s1, s0  }
0xca: {  	s0 =	sadd.s32 $0x8F2B, s0  }
0xcb: {  	[sflag:s0] =	ssyncadd.remote.s32 $0x1  }
0xcc: {  	_ =	sfence.sel $0xFFFF  }
0xcd: {  	[dreg:$0x0] =	wrdreg $0xFFFFFFFF;
	(pc) =	sbr.abs _section_cstart, $3  }
0xce: {  	[dreg:$0x1] =	wrdreg $0xFFFFFFFF  }
0xcf: {  	_ =	task.clear_ibuf [dreg:s22], $0x2FFFF;
	_ =	strace $0x9FFFFFFF  }
0xd0: {  	(tm) =	ssettm $0x7FFFFFFF  }
0xd1: {  	_ =	shalt  }
tec
execute0_lowered:
.L_overlay_start_1:
0x0: {  	(tag) =	ssettag $0x1  }
0x1: {  	s3 =	rddreg [dreg:$0x0];
	s1 =	stileid.u32  }
0x2: {  	s0 =	rddreg [dreg:$0x1];
	s2 =	simm.s32 $0x0;
	s6 =	srdreg.scid  }
0x3: {  	s10 =	simm.s32 $0x4F00;
	s11 =	simm.s32 $0x6E80;
	s4 =	sshrl.u32 s1, $0x3  }
0x4: {  	s12 =	simm.s32 $0x2780;
	s6 =	sand.u32 $0x1, s6;
	s4 =	smul.u32 $0x13C00, s4  }
0x5: {  	s5 =	sshll.u32 s1, $0x7;
	[smem:$0x7FF] =	sst s2;
	s30 =	smul.u32 $0x5E80, s6  }
0x6: {  	s5 =	sand.u32 $0x380, s5;
	s31 =	smul.u32 $0x4F00, s6;
	s6 =	ssub.s32 $0x2, s6  }
0x7: {  	_ =	strace $0x8000004D;
	s8 =	sshrl.u32 s6, $0x1;
	s4 =	sor.u32 s5, s4  }
0x8: {  	s5 =	sadd.s32 s30, s3;
	s9 =	sadd.s32 s31, s3;
	s6 =	ssub.s32 s6, s8  }
0x9: {  	s8 =	simm.s32 $0x400;
	s13 =	sshrl.u32 s4, $0x3;
	s4 =	sadd.s32 $0x1CA00, s5  }
0xa: {  	s5 =	sadd.s32 $0x10C00, s5;
	s14 =	sadd.s32 $0x28800, s9;
	s6 =	smax.u32 s6, $0x1  }
0xb: {  	s9 =	simm.s32 $0x1;
	s7 =	sadd.s32 s13, s3;
	s13 =	sadd.s32 s13, s14  }
0xc: {  	v0 =	vimm.f32 $0.0e+00;
	s14 =	simm.s32 $0x0;
	s3 =	sadd.s32 $0x6800, s7;
	s7 =	simm.s32 $0x80  }
.LBB2_1:
0xd: {  	[tilespmem:s2], [sflag:$0x1] =	stream.strided.gather [hbm4b:s3+s7], $0x2780, s8, s7, $0x38;
	[tilespmem:$0x8E00] =	vst v63  }
0xe: {  	_ =	swait.ge [sflag:s9], $0x2780  }
0xf: {  	[sflag:s9] =	ssyncset.done $0x0  }
0x10: {  	s15 =	simm.s32 $0x40;
	s16 =	simm.s32 $0x0;
	[sflag:s9] =	ssyncadd.s32 $0xFFFFD880  }
.LBB2_2:
0x11: {  	p0 =	seq.s32 s15, $0x9C00;
	[tilespmem:s16+$0x2780] =	vst v0;
	s16 =	smov.u32 s15;
	s15 =	sadd.s32 $0x40, s15  }
.Ltmp0:
0x12: {  	(pc) =	sbr.rel @!p0 .LBB2_2-.Ltmp0, $2  }
0x13: {  	_ =	sdelay $0x2  }
0x14: {  	s16 =	sshra.s32 s16, $0x2  }
0x15: {  	[tilespmem:s16+$0x2780] =	vst v0;
	s15 =	simm.s32 $0x0  }
.LBB2_4:
0x16: {  	s16 =	sshrl.u32 s15, $0x3  }
0x17: {  	s17 =	sshll.u32 s15, $0x7;
	s16 =	smul.u32 $0xFC00, s16  }
0x18: {  	s17 =	sand.u32 $0x380, s17  }
0x19: {  	s16 =	sor.u32 s17, s16  }
0x1a: {  	s16 =	sshrl.u32 s16, $0x3  }
0x1b: {  	s31 =	sadd.s32 s16, s4  }
0x1c: {  	[tilespmem:s10], [sflag:$0x1] =	stream.strided.gather [hbm4b:s31+s7], $0x1F80, s8, s7, $0x38;
	[tilespmem:$0x8E00] =	vst v63  }
0x1d: {  	_ =	swait.ge [sflag:s9], $0x1F80  }
0x1e: {  	[sflag:s9] =	ssyncset.done $0x0  }
0x1f: {  	s16 =	sadd.s32 s16, s5;
	[sflag:s9] =	ssyncadd.s32 $0xFFFFE080  }
0x20: {  	[tilespmem:s11], [sflag:$0x1] =	stream.strided.gather [hbm4b:s16+s7], $0x1F80, s8, s7, $0x38;
	[tilespmem:$0x8E00] =	vst v63  }
0x21: {  	_ =	swait.ge [sflag:s9], $0x1F80  }
0x22: {  	[sflag:s9] =	ssyncset.done $0x0  }
0x23: {  	s17 =	simm.s32 $0x0;
	s16 =	simm.s32 $0x40;
	[sflag:s9] =	ssyncadd.s32 $0xFFFFE080  }
.LBB2_5:
0x24: {  	p0 =	sne.s32 s16, $0x7CC0;
	v1 =	vld [tilespmem:s17+$0x4F00];
	_ =	sdelay $0x5  }
0x25: {  	v2 =	vld [tilespmem:s17+$0x6E80];
	_ =	sdelay $0x1  }
0x26: {  	v1 =	vld.idx.msk [tilespmem:v1+s2+$0x0], $0xffff;
	_ =	sdelay $0x1  }
.Ltmp1:
0x27: {  	(pc) =	sbr.rel @p0 .LBB2_5-.Ltmp1, $2  }
0x28: {  	_ =	sdelay $0x2  }
0x29: {  	s17 =	sshra.s32 s16, $0x2;
	s16 =	sadd.s32 $0x40, s16;
	[tilespmem:v2+s12+$0x0] =	vst.idx.add.f32.msk $0xffff, v1  }
0x2a: {  	v1 =	vld [tilespmem:s17+$0x4F00];
	_ =	sdelay $0x4  }
0x2b: {  	v2 =	vld [tilespmem:s17+$0x6E80];
	_ =	sdelay $0x1  }
0x2c: {  	s15 =	sadd.s32 $0x1, s15  }
0x2d: {  	p0 =	sne.s32 s15, $0x14;
	v1 =	vld.idx.msk [tilespmem:v1+s2+$0x0], $0xffff  }
.Ltmp2:
0x2e: {  	_ = 	snop;
	(pc) =	sbr.rel @p0 .LBB2_4-.Ltmp2, $2  }
0x2f: {  	_ =	sdelay $0x2  }
0x30: {  	[tilespmem:v2+s12+$0x0] =	vst.idx.add.f32.msk $0xffff, v1  }
0x31: {  	s14 =	sadd.s32 $0x1, s14  }
0x32: {  	p0 =	sne.s32 s14, s6  }
.Ltmp3:
0x33: {  	_ = 	snop;
	(pc) =	sbr.rel @p0 .LBB2_1-.Ltmp3, $4  }
0x34: {  	[hbm4b:s13+s7] =	stream.strided.scatter [tilespmem:s12], [sflag:$0x1], $0x2780, s8, s7, $0x38;
	[tilespmem:$0x8E00] =	vst v63  }
0x35: {  	_ =	swait.ge [sflag:s9], $0x2780  }
0x36: {  	[sflag:s9] =	ssyncset.done $0x0  }
0x37: {  	[sflag:s9] =	ssyncadd.s32 $0xFFFFD880  }
0x38: {  	_ =	sfence.sel $0x180000  }
0x39: {  	[bflag:$0x0] =	sbarrier.arrive $0xFFFF  }
0x3a: {  	p0 =	sne.s32 s1, $0x0;
	_ =	strace $0x9000004D  }
0x3b: {  	s0 =	sadd.s32 @!p0 $0x100000, s0;
	[bflag:$0x2] =	sbarrier.arrive $0xFFFF  }
0x3c: {  	[sflag:s0] =	ssyncadd.tile.s32 @!p0 $0x1;
	_ =	shalt  }
.Lfunc_end2:
_tile_overlayer_lowered:
.L_overlay_start_2:
0x3d: {  	(tag) =	ssettag $0x2  }
0x3e: {  	s0 =	rddreg [dreg:$0x0];
	s2 =	stileid.u32  }
0x3f: {  	s1 =	rddreg [dreg:$0x1];
	p0 =	sne.s32 s2, $0x0  }
0x40: {  	s3 =	rddreg [dreg:$0x2];
	[bflag:$0x3] =	sbarrier.arrive $0xFFFF;
	s2 =	simm.s32 @!p0 $0x1C01  }
0x41: {  	[timem:s3], [sflag:s2] =	dma.local @!p0 [hbm:s0], s1  }
0x42: {  	s0 =	simm.s32 @!p0 $0x1  }
0x43: {  	_ =	swait.ge @!p0 [sflag:s0], s1  }
0x44: {  	s1 =	ssub.s32 @!p0 $0x0, s1;
	[sflag:s0] =	ssyncset.done @!p0 $0x0  }
0x45: {  	[sflag:s0] =	ssyncadd.s32 @!p0 s1  }
0x46: {  	[bflag:$0x3] =	sbarrier.arrive $0xFFFF  }
0x47: {  	_ =	shalt  }

// kernel: kernel.25.cloned.1.call-start
scs
__scs_entry_jumppad:
0x0: {  	(pc) =	sbr.rel $0x88, $3  }
0x1: {  	(tag) =	ssettag $0x0;
	lr =	simm.s32 $0x1  }
0x2: {  	[smem:$0x3F87] =	sst lr;
	_ =	strace $0xD0000000  }
0x3: {  	_ = 	snop  }
0x4: {  	_ = 	snop  }
0x5: {  	_ = 	snop  }
0x6: {  	_ = 	snop  }
0x7: {  	_ = 	snop  }
__scs_overlays_trampoline_lowered:
0x8: {  	[smem:$0x3F96] =	sst s0  }
0x9: {  	[smem:$0x3F97] =	sst s1  }
0xa: {  	[smem:$0x3F98] =	sst s2  }
0xb: {  	[smem:$0x3F99] =	sst s3  }
0xc: {  	[smem:$0x3F9A] =	sst s4  }
0xd: {  	[smem:$0x3F9B] =	sst s5  }
0xe: {  	[smem:$0x3F9C] =	sst s6  }
0xf: {  	[smem:$0x3F9D] =	sst s7  }
0x10: {  	[smem:$0x3F9E] =	sst s8  }
0x11: {  	[smem:$0x3F9F] =	sst s9;
	s0 =	simm.s32 @!p0 $0x0  }
0x12: {  	s1 =	sld [smem:$0x3F85];
	s0 =	simm.s32 @p0 $0x1  }
0x13: {  	[smem:$0x3FA0] =	sst s0;
	s0 =	simm.s32 @!p1 $0x0  }
0x14: {  	s2 =	sld [smem:$0x3F84];
	s0 =	simm.s32 @p1 $0x1  }
0x15: {  	[smem:$0x3FA1] =	sst s0;
	s0 =	simm.s32 @!p2 $0x0  }
0x16: {  	s3 =	sld [smem:$0x3FDB];
	s0 =	simm.s32 @p2 $0x1  }
0x17: {  	s4 =	simm.s32 $0x1BF5;
	[smem:$0x3FA3] =	sst s0  }
0x18: {  	s0 =	sld [smem:$0x3F86];
	_ =	swait.ge [sflag:s4], $0x0  }
0x19: {  	s7 =	sld [smem:$0x3F87]  }
0x1a: {  	s8 =	sadd.s32 $0xFFFFE003, lr  }
0x1b: {  	s9 =	sadd.s32 $0xFFFFFEF7, lr;
	s5 =	simm.s32 $0xFFFFFFFF;
	p2 =	slt.u32 s8, $0xFFFFF086  }
0x1c: {  	p1 =	slt.u32 s9, $0xF7A;
	s5 =	simm.s32 @!p2 $0x0  }
0x1d: {  	s5 =	simm.s32 @p1 $0x1;
	p0 =	seq.s32 s7, s2  }
0x1e: {  	s7 =	smul.u32 @!p0 $0xF7A, s2;
	p2 =	seq.s32 @!p0 s5, $0x0  }
0x1f: {  	s9 =	smul.u32 $0xF7A, s1;
	s8 =	simm.s32 @!p0 $0x1BF5;
	p2 =	por !p2, p0  }
0x20: {  	[sflag:s8] =	ssyncset.s32 @!p0 $0xFFFFF086;
	s6 =	sadd.s32 @!p0 s3, s7;
	s7 =	simm.s32 @!p0 $0x108  }
0x21: {  	s3 =	sadd.s32 s3, s9;
	s6 =	sadd.s32 @!p0 $0x88, s6;
	s7 =	simm.s32 @p2 $0x1082  }
0x22: {  	[simem:s7], [sflag:s8] =	dma.local @!p0 [hbm:s6], $0xF7A  }
0x23: {  	s9 =	sor.u32 $0xD0000000, s2;
	s6 =	simm.s32 $0x108;
	_ =	swait.ge @!p0 [sflag:s8], $0x0  }
0x24: {  	s3 =	sadd.s32 $0x88, s3;
	s6 =	simm.s32 @!p1 $0x1082;
	[sflag:s4] =	ssyncset.s32 $0xFFFFF086  }
0x25: {  	[simem:s6], [sflag:s4] =	dma.local [hbm:s3], $0xF7A  }
0x26: {  	[smem:$0x3F87] =	sst s1;
	(tag) =	ssettag s2;
	_ =	strace s9  }
0x27: {  	s1 =	sld [smem:$0x3F97]  }
0x28: {  	s2 =	sld [smem:$0x3F98]  }
0x29: {  	s4 =	sld [smem:$0x3F9A]  }
0x2a: {  	p0 =	seq.s32 s5, $0x0;
	s5 =	sld [smem:$0x3F9B]  }
0x2b: {  	s6 =	sld [smem:$0x3F9C]  }
0x2c: {  	s7 =	sld [smem:$0x3F9D]  }
0x2d: {  	s3 =	simm.s32 $0x108;
	s8 =	sld [smem:$0x3F9E]  }
0x2e: {  	s3 =	simm.s32 @!p0 $0x1082;
	s9 =	sld [smem:$0x3F9F]  }
0x2f: {  	lr =	sadd.s32 s0, s3;
	s0 =	sld [smem:$0x3F96]  }
0x30: {  	s3 =	sld [smem:$0x3F99]  }
0x31: {  	[smem:$0x3FA2] =	sst s10  }
0x32: {  	s10 =	sld [smem:$0x3FA0];
	_ =	sdelay $0x3  }
0x33: {  	p0 =	seq.s32 s10, $0x1;
	s10 =	sld [smem:$0x3FA2];
	_ =	sdelay $0x3  }
0x34: {  	[smem:$0x3FA2] =	sst s10  }
0x35: {  	s10 =	sld [smem:$0x3FA1];
	_ =	sdelay $0x3  }
0x36: {  	p1 =	seq.s32 s10, $0x1;
	s10 =	sld [smem:$0x3FA2];
	_ =	sdelay $0x3  }
0x37: {  	[smem:$0x3FA2] =	sst s10  }
0x38: {  	s10 =	sld [smem:$0x3FA3]  }
0x39: {  	_ = 	snop;
	(pc) =	sbr.ind lr, $3  }
0x3a: {  	_ = 	snop  }
0x3b: {  	_ = 	snop  }
0x3c: {  	p2 =	seq.s32 s10, $0x1;
	s10 =	sld [smem:$0x3FA2]  }
0x3d: {  	_ =	shalt  }
0x3e: {  	_ =	shalt  }
0x3f: {  	_ =	shalt  }
0x40: {  	_ =	shalt  }
0x41: {  	_ =	shalt  }
0x42: {  	_ =	shalt  }
0x43: {  	_ =	shalt  }
0x44: {  	_ =	shalt  }
0x45: {  	_ =	shalt  }
0x46: {  	_ =	shalt  }
0x47: {  	_ =	shalt  }
0x48: {  	_ =	shalt  }
0x49: {  	_ =	shalt  }
0x4a: {  	_ =	shalt  }
0x4b: {  	_ =	shalt  }
0x4c: {  	_ =	shalt  }
0x4d: {  	_ =	shalt  }
0x4e: {  	_ =	shalt  }
0x4f: {  	_ =	shalt  }
0x50: {  	_ =	shalt  }
0x51: {  	_ =	shalt  }
0x52: {  	_ =	shalt  }
0x53: {  	_ =	shalt  }
0x54: {  	_ =	shalt  }
0x55: {  	_ =	shalt  }
0x56: {  	_ =	shalt  }
0x57: {  	_ =	shalt  }
0x58: {  	_ =	shalt  }
0x59: {  	_ =	shalt  }
0x5a: {  	_ =	shalt  }
0x5b: {  	_ =	shalt  }
0x5c: {  	_ =	shalt  }
0x5d: {  	_ =	shalt  }
0x5e: {  	_ =	shalt  }
0x5f: {  	_ =	shalt  }
0x60: {  	_ =	shalt  }
0x61: {  	_ =	shalt  }
0x62: {  	_ =	shalt  }
0x63: {  	_ =	shalt  }
0x64: {  	_ =	shalt  }
0x65: {  	_ =	shalt  }
0x66: {  	_ =	shalt  }
0x67: {  	_ =	shalt  }
0x68: {  	_ =	shalt  }
0x69: {  	_ =	shalt  }
0x6a: {  	_ =	shalt  }
0x6b: {  	_ =	shalt  }
0x6c: {  	_ =	shalt  }
0x6d: {  	_ =	shalt  }
0x6e: {  	_ =	shalt  }
0x6f: {  	_ =	shalt  }
0x70: {  	_ =	shalt  }
0x71: {  	_ =	shalt  }
0x72: {  	_ =	shalt  }
0x73: {  	_ =	shalt  }
0x74: {  	_ =	shalt  }
0x75: {  	_ =	shalt  }
0x76: {  	_ =	shalt  }
0x77: {  	_ =	shalt  }
0x78: {  	_ =	shalt  }
0x79: {  	_ =	shalt  }
0x7a: {  	_ =	shalt  }
0x7b: {  	_ =	shalt  }
0x7c: {  	_ =	shalt  }
0x7d: {  	_ =	shalt  }
0x7e: {  	_ =	shalt  }
0x7f: {  	_ =	shalt  }
0x80: {  	_ =	shalt  }
0x81: {  	_ =	shalt  }
0x82: {  	_ =	shalt  }
0x83: {  	_ =	shalt  }
0x84: {  	_ =	shalt  }
0x85: {  	_ =	shalt  }
0x86: {  	_ =	shalt  }
0x87: {  	_ =	shalt  }
.Lfunc_end0:
.L_simem_size_0:
called_computation.4_lowered:
.L_overlay_start_0:
0x88: {  	s2 =	sld [smem:$0x3FD9]  }
0x89: {  	s3 =	sld [smem:$0x3FFE];
	_ =	sdelay $0x1  }
0x8a: {  	s1 =	srdreg.scid  }
0x8b: {  	s0 =	sand.u32 $0x1, s1  }
0x8c: {  	s17 =	sshll.u32 s0, $0xA;
	s2 =	sadd.s32 s3, s2  }
0x8d: {  	s2 =	sadd.s32 s2, s17  }
0x8e: {  	[smem:$0x3FAE] =	sst s2  }
0x8f: {  	_ = 	snop  }
0x90: {  	s18 =	sld [smem:$0x3FD0];
	(tm) =	ssettm $0x1  }
0x91: {  	s19 =	sld [smem:$0x3FFB];
	_ =	sdelay $0x3  }
0x92: {  	_ =	strace s19  }
0x93: {  	s2 =	sld [smem:$0x3FFC];
	_ =	sdelay $0x3  }
0x94: {  	_ =	strace s2  }
0x95: {  	s2 =	sld [smem:$0x3FFD];
	_ =	sdelay $0x3  }
0x96: {  	_ =	strace s2  }
0x97: {  	_ =	strace $0x8FFFFFFF  }
0x98: {  	s20 =	sld [smem:$0x3FDB];
	_ =	sdelay $0x1  }
0x99: {  	s4 =	simm.s32 $_scs_section_size  }
0x9a: {  	s5 =	simm.s32 $_size__tile_overlayer_lowered;
	s6 =	simm.s32 $_tile_overlayer_lowered  }
0x9b: {  	s7 =	simm.s32 $0x1BFF;
	s21 =	sshll.u32 s6, $0x1;
	s4 =	sadd.s32 s4, s20  }
0x9c: {  	s22 =	simm.s32 $0x0;
	s5 =	sshll.u32 s5, $0x1;
	s6 =	sadd.s32 s21, s4  }
0x9d: {  	[timem:s22], [sflag:s7] =	dma.local [hbm:s6], s5  }
0x9e: {  	_ =	swait.ge [sflag:s7], s5  }
0x9f: {  	s5 =	ssub.s32 $0x0, s5;
	[sflag:s7] =	ssyncset.done $0x0  }
0xa0: {  	[sflag:s7] =	ssyncadd.s32 s5;
	_ =	sdelay $0x1  }
0xa1: {  	s23 =	simm.s32 $0x1B8B  }
0xa2: {  	_ =	swait.ge [sflag:s23], $0x1  }
0xa3: {  	[sflag:s23] =	ssyncset.done $0x0  }
0xa4: {  	[sflag:s23] =	ssyncadd.s32 $0xFFFFFFFF  }
0xa5: {  	s5 =	sld [smem:$0x0]  }
0xa6: {  	s6 =	sand.u32 $0xFFFFFFFE, s1  }
0xa7: {  	p0 =	sne.s32 s1, s6  }
0xa8: {  	s6 =	sshll.u32 @p0 s6, $0xE  }
0xa9: {  	s6 =	sadd.s32 @p0 $0x11B8D, s6;
	s7 =	sshll.u32 @p0 s5, $0x11  }
0xaa: {  	s6 =	sor.u32 @p0 s7, s6  }
0xab: {  	[sflag:s6] =	ssyncadd.remote.s32 @p0 $0x1;
	_ =	sdelay $0x1  }
0xac: {  	s6 =	simm.s32 @p0 $0x1B8D  }
0xad: {  	_ =	swait.eq @p0 [sflag:s6], $0x1  }
0xae: {  	[sflag:s6] =	ssyncadd.s32 @p0 $0xFFFFFFFF  }
0xaf: {  	s7 =	sshll.u32 @!p0 s1, $0xE  }
0xb0: {  	s7 =	sor.u32 @!p0 $0x4000, s7;
	s6 =	simm.s32 @!p0 $0x1B8D  }
0xb1: {  	s5 =	sshll.u32 @!p0 s5, $0x11;
	s7 =	sadd.s32 @!p0 $0x11B8D, s7;
	_ =	swait.eq @!p0 [sflag:s6], $0x1  }
0xb2: {  	s5 =	sor.u32 @!p0 s5, s7;
	[sflag:s6] =	ssyncadd.s32 @!p0 $0xFFFFFFFF  }
0xb3: {  	s25 =	simm.s32 $0x1B8E;
	s24 =	sld [smem:$0x3FFE];
	[sflag:s5] =	ssyncadd.remote.s32 @!p0 $0x1  }
0xb4: {  	s26 =	simm.s32 $execute0_lowered;
	[smem:$0x3FD2] =	sst s25  }
0xb5: {  	s6 =	sshll.u32 s26, $0x1;
	_ =	strace $0x80000052;
	[dreg:$0x1] =	wrdreg $0xFFFFFFFF  }
0xb6: {  	s28 =	simm.s32 $_size_execute0_lowered;
	s4 =	sadd.s32 s4, s6;
	[dreg:$0x0] =	wrdreg $0x0  }
0xb7: {  	s6 =	sshll.u32 s28, $0x1;
	[dreg:$0x2] =	wrdreg s4  }
0xb8: {  	[dreg:$0x3] =	wrdreg s6  }
0xb9: {  	[dreg:$0x4] =	wrdreg $0xC0  }
0xba: {  	_ =	task [dreg:s22], $0x5FFFF  }
0xbb: {  	[dreg:$0x1] =	wrdreg $0xFFFFFFFF  }
0xbc: {  	[dreg:$0x0] =	wrdreg $0x60  }
0xbd: {  	[dreg:$0x2] =	wrdreg s18  }
0xbe: {  	[dreg:$0x3] =	wrdreg s24  }
0xbf: {  	[dreg:$0x4] =	wrdreg $0xA8000  }
0xc0: {  	[dreg:$0x5] =	wrdreg $0xA  }
0xc1: {  	_ =	task.clear_ibuf [dreg:s22], $0x6FFFF;
	_ =	strace $0x90000052  }
0xc2: {  	s29 =	simm.s32 $0xA;
	_ =	strace $0x80000054  }
0xc3: {  	_ =	swait.ge [sflag:s29], $0x1  }
0xc4: {  	[sflag:s29] =	ssyncadd.s32 $0xFFFFFFFF  }
0xc5: {  	_ =	strace $0x90000054  }
0xc6: {  	_ =	sfence  }
0xc7: {  	s30 =	sld [smem:$0x0];
	_ =	sdelay $0x2  }
0xc8: {  	s31 =	sshll.u32 s1, $0xD;
	s1 =	sshrl.u32 s1, $0x2  }
0xc9: {  	s4 =	sand.u32 $0x4000, s31;
	s1 =	sadd.s32 s1, s30  }
0xca: {  	s0 =	sor.u32 s4, s0;
	s1 =	sshll.u32 s1, $0x11  }
0xcb: {  	s0 =	sor.u32 s1, s0  }
0xcc: {  	s0 =	sadd.s32 $0x8F2B, s0  }
0xcd: {  	[sflag:s0] =	ssyncadd.remote.s32 $0x1  }
0xce: {  	_ =	sfence.sel $0xFFFF  }
0xcf: {  	[dreg:$0x0] =	wrdreg $0xFFFFFFFF;
	(pc) =	sbr.abs _section_cstart, $3  }
0xd0: {  	[dreg:$0x1] =	wrdreg $0xFFFFFFFF  }
0xd1: {  	_ =	task.clear_ibuf [dreg:s22], $0x2FFFF;
	_ =	strace $0x9FFFFFFF  }
0xd2: {  	(tm) =	ssettm $0x7FFFFFFF  }
0xd3: {  	_ =	shalt  }
tec
execute0_lowered:
.L_overlay_start_1:
0x0: {  	(tag) =	ssettag $0x1  }
0x1: {  	s1 =	rddreg [dreg:$0x0]  }
0x2: {  	s6 =	rddreg [dreg:$0x1]  }
0x3: {  	s3 =	rddreg [dreg:$0x2]  }
0x4: {  	s0 =	rddreg [dreg:$0x3];
	s5 =	srdreg.scid  }
0x5: {  	s4 =	simm.s32 $0x0;
	s2 =	stileid.u32;
	s13 =	simm.s32 $0x50  }
0x6: {  	s14 =	simm.s32 $0x8000;
	s15 =	simm.s32 $0x1;
	s5 =	sand.u32 $0x1, s5  }
0x7: {  	[smem:$0x7FF] =	sst s4;
	s8 =	sshll.u32 s2, $0xB;
	s10 =	smul.u32 $0x4F000, s2  }
0x8: {  	s17 =	smul.u32 $0x2780, s2;
	s11 =	sshll.u32 s2, $0x6;
	s7 =	sshll.u32 s5, $0xF  }
0x9: {  	_ =	strace $0x80000053;
	s30 =	smul.u32 $0x27800, s5;
	s9 =	ssub.s32 $0x2, s5  }
0xa: {  	s5 =	sadd.s32 $0xB800, s6;
	s11 =	sor.u32 $0x1C02, s11;
	s7 =	sor.u32 s8, s7  }
0xb: {  	s31 =	sshrl.u32 s9, $0x1;
	s10 =	sshrl.u32 s10, $0x2;
	s7 =	sadd.s32 s7, s6  }
0xc: {  	s8 =	sadd.s32 s30, s6;
	s9 =	ssub.s32 s9, s31;
	s12 =	sadd.s32 s10, s3  }
0xd: {  	s10 =	simm.s32 $0x4000;
	s6 =	sadd.s32 $0x42600, s7;
	s7 =	sadd.s32 $0x32600, s7  }
0xe: {  	s16 =	sadd.s32 $0xC8800, s8;
	s8 =	smax.u32 s9, $0x1;
	s9 =	simm.s32 $0x2  }
0xf: {  	s12 =	sshrl.u32 s12, $0x3;
	s16 =	sadd.s32 s17, s16;
	s17 =	simm.s32 $0x0  }
.LBB2_1:
0x10: {  	[tilespmem:s4], [sflag:$0x2] =	stream.linear.gather [hbm4b:s6+s4], $0x3E80, $0x38;
	[tilespmem:$0x1E400] =	vst v63  }
0x11: {  	_ =	swait.ge [sflag:s9], $0x3E80  }
0x12: {  	[sflag:s9] =	ssyncset.done $0x0  }
0x13: {  	[sflag:s9] =	ssyncadd.s32 $0xFFFFC180  }
0x14: {  	[tilespmem:s10], [sflag:$0x2] =	stream.linear.gather [hbm4b:s7+s4], $0x3E80, $0x38;
	[tilespmem:$0x1E400] =	vst v63  }
0x15: {  	_ =	swait.ge [sflag:s9], $0x3E80  }
0x16: {  	[sflag:s9] =	ssyncset.done $0x0  }
0x17: {  	[sflag:s9] =	ssyncadd.s32 $0xFFFFC180  }
0x18: {  	[spmem:s12], [sflag:s11] =	dma.local [hbm:s5], $0x2780  }
0x19: {  	_ =	swait.ge [sflag:s9], $0x2780  }
0x1a: {  	[sflag:s9] =	ssyncset.done $0x0  }
0x1b: {  	[sflag:s9] =	ssyncadd.s32 $0xFFFFD880  }
0x1c: {  	s18 =	simm.s32 $0x0;
	[bflag:$0x0] =	sbarrier.arrive $0xFFFF  }
0x1d: {  	[tilespmem:s14], [sflag:$0x1] =	stream.indirect.gather [hbm4b:s1+s13], $0x80, s18, s13, $0xb8;
	[tilespmem:$0x1E400] =	vst v63  }
0x1e: {  	_ =	swait.ge [sflag:s15], $0x2800  }
0x1f: {  	[sflag:s15] =	ssyncset.done $0x0  }
0x20: {  	s31 =	simm.s32 $0x4000;
	[sflag:s15] =	ssyncadd.s32 $0xFFFFD800  }
0x21: {  	[spmem:s3] =	stream.indirect.scatter.add.f32 [tilespmem:s14], [sflag:$0x2], $0x80, s31, s13, $0xb8;
	[tilespmem:$0x1E400] =	vst v63  }
0x22: {  	_ =	swait.ge [sflag:s9], $0x2800  }
0x23: {  	s19 =	simm.s32 $0x400;
	s18 =	simm.s32 $0x200;
	[sflag:s9] =	ssyncset.done $0x0  }
.LBB2_2:
0x24: {  	s20 =	sshra.s32 s18, $0x2  }
0x25: {  	[sflag:s9] =	ssyncadd.s32 $0xFFFFD800;
	s18 =	smov.u32 s19;
	s21 =	sadd.s32 $0x200, s19  }
0x26: {  	[tilespmem:s14], [sflag:$0x1] =	stream.indirect.gather [hbm4b:s1+s13], $0x80, s20, s13, $0xb8;
	[tilespmem:$0x1E400] =	vst v63  }
0x27: {  	p0 =	sne.s32 s19, $0xF800;
	_ =	swait.ge [sflag:s15], $0x2800  }
.Ltmp0:
0x28: {  	[sflag:s15] =	ssyncset.done $0x0;
	(pc) =	sbr.rel @p0 .LBB2_2-.Ltmp0, $4  }
0x29: {  	s19 =	sadd.s32 $0x4000, s20;
	[sflag:s15] =	ssyncadd.s32 $0xFFFFD800  }
0x2a: {  	[spmem:s3] =	stream.indirect.scatter.add.f32 [tilespmem:s14], [sflag:$0x2], $0x80, s19, s13, $0xb8;
	[tilespmem:$0x1E400] =	vst v63  }
0x2b: {  	_ =	swait.ge [sflag:s9], $0x2800  }
0x2c: {  	s19 =	smov.u32 s21;
	[sflag:s9] =	ssyncset.done $0x0  }
0x2d: {  	s18 =	sshra.s32 s18, $0x2;
	[sflag:s9] =	ssyncadd.s32 $0xFFFFD800  }
0x2e: {  	[tilespmem:s14], [sflag:$0x1] =	stream.indirect.gather [hbm4b:s1+s13], $0x80, s18, s13, $0xb8;
	[tilespmem:$0x1E400] =	vst v63  }
0x2f: {  	_ =	swait.ge [sflag:s15], $0x2800  }
0x30: {  	[sflag:s15] =	ssyncset.done $0x0  }
0x31: {  	s18 =	sadd.s32 $0x4000, s18;
	[sflag:s15] =	ssyncadd.s32 $0xFFFFD800  }
0x32: {  	[spmem:s3] =	stream.indirect.scatter.add.f32 [tilespmem:s14], [sflag:$0x2], $0x80, s18, s13, $0xb8;
	[tilespmem:$0x1E400] =	vst v63  }
0x33: {  	_ =	swait.ge [sflag:s9], $0x2800  }
0x34: {  	s17 =	sadd.s32 $0x1, s17;
	[sflag:s9] =	ssyncset.done $0x0  }
0x35: {  	p0 =	sne.s32 s17, s8;
	[sflag:s9] =	ssyncadd.s32 $0xFFFFD800  }
.Ltmp1:
0x36: {  	[bflag:$0x0] =	sbarrier.arrive $0xFFFF;
	(pc) =	sbr.rel @p0 .LBB2_1-.Ltmp1, $4  }
0x37: {  	[hbm:s16], [sflag:s11] =	dma.local [spmem:s12], $0x2780  }
0x38: {  	_ =	swait.ge [sflag:s9], $0x2780  }
0x39: {  	[sflag:s9] =	ssyncset.done $0x0  }
0x3a: {  	[sflag:s9] =	ssyncadd.s32 $0xFFFFD880  }
0x3b: {  	_ =	sfence.sel $0x180000  }
0x3c: {  	[bflag:$0x0] =	sbarrier.arrive $0xFFFF  }
0x3d: {  	p0 =	sne.s32 s2, $0x0;
	_ =	strace $0x90000053  }
0x3e: {  	s0 =	sadd.s32 @!p0 $0x100000, s0;
	[bflag:$0x2] =	sbarrier.arrive $0xFFFF  }
0x3f: {  	[sflag:s0] =	ssyncadd.tile.s32 @!p0 $0x1;
	_ =	shalt  }
.Lfunc_end2:
_tile_overlayer_lowered:
.L_overlay_start_2:
0x40: {  	(tag) =	ssettag $0x2  }
0x41: {  	s0 =	rddreg [dreg:$0x0];
	s2 =	stileid.u32  }
0x42: {  	s1 =	rddreg [dreg:$0x1];
	p0 =	sne.s32 s2, $0x0  }
0x43: {  	s3 =	rddreg [dreg:$0x2];
	[bflag:$0x3] =	sbarrier.arrive $0xFFFF;
	s2 =	simm.s32 @!p0 $0x1C02  }
0x44: {  	[timem:s3], [sflag:s2] =	dma.local @!p0 [hbm:s0], s1  }
0x45: {  	s0 =	simm.s32 @!p0 $0x2  }
0x46: {  	_ =	swait.ge @!p0 [sflag:s0], s1  }
0x47: {  	s1 =	ssub.s32 @!p0 $0x0, s1;
	[sflag:s0] =	ssyncset.done @!p0 $0x0  }
0x48: {  	[sflag:s0] =	ssyncadd.s32 @!p0 s1  }
0x49: {  	[bflag:$0x3] =	sbarrier.arrive $0xFFFF  }
0x4a: {  	_ =	shalt  }

</sc_bundles>
